<compile_context>
chip_gen: v7x
topology: tpu7x:2x2x1
jax: 0.10.2.dev20260603
libtpu: 0.0.44.dev20260713+nightly
codegen_flags: <defaults>
</compile_context>

<pallas_src>
import functools

import jax
import jax.numpy as jnp
from jax import lax
from jax.experimental import pallas as pl
from jax.experimental.pallas import tpu as pltpu
from jax.experimental.pallas import tpu_sc as plsc

N_NODES = 50000
N_EDGES = 800000
C = 16

CH = 128
NW = 32
NS = 16
EPW = N_EDGES // NW
G_FULL = EPW // CH
G_TAIL = EPW - G_FULL * CH
NCHUNK = N_EDGES // CH
KMAX = (NCHUNK + NS - 1) // NS
RPT = 392
RPP = RPT * NS
NPADR = 2 * RPP
ACC_ROWS = RPP + 8
DUMP = RPP


def _gather_body(nodes_hbm, idx_hbm, out_hbm, idx_v, rows_v, tail_v, sem_g, sem_w):
    cid = lax.axis_index("c")
    sid = lax.axis_index("s")
    wid = sid * 2 + cid
    base = wid * EPW
    pltpu.sync_copy(idx_hbm.at[pl.ds(base, EPW)], idx_v)

    def pair(g, carry):
        for b in range(2):
            j = g * 2 + b

            @pl.when(j < G_FULL)
            def _(b=b, j=j):
                @pl.when(j >= 2)
                def _():
                    pltpu.make_async_copy(
                        nodes_hbm.at[pl.ds(0, CH)], rows_v.at[b], sem_w
                    ).wait()

                pltpu.async_copy(
                    nodes_hbm.at[idx_v.at[pl.ds(j * CH, CH)]], rows_v.at[b], sem_g
                ).wait()
                pltpu.async_copy(
                    rows_v.at[b], out_hbm.at[pl.ds(base + j * CH, CH)], sem_w
                )

        return carry

    lax.fori_loop(0, (G_FULL + 1) // 2, pair, 0)
    pltpu.make_async_copy(nodes_hbm.at[pl.ds(0, CH)], rows_v.at[0], sem_w).wait()
    pltpu.make_async_copy(nodes_hbm.at[pl.ds(0, CH)], rows_v.at[1], sem_w).wait()
    pltpu.async_copy(
        nodes_hbm.at[idx_v.at[pl.ds(G_FULL * CH, G_TAIL)]], tail_v, sem_g
    ).wait()
    pltpu.sync_copy(tail_v, out_hbm.at[pl.ds(base + G_FULL * CH, G_TAIL)])


def _scatter_body(m0_hbm, m1_hbm, ridx_hbm, zero_hbm, out0_hbm, out1_hbm,
                  idx_v, msg_v, zero_v, acc):
    cid = lax.axis_index("c")
    sid = lax.axis_index("s")
    row0 = sid * RPT
    pltpu.sync_copy(zero_hbm, zero_v)

    def scatter_pass(p, m_hbm):
        def chunk_body(k, carry):
            j = k * NS + sid

            @pl.when(j < NCHUNK)
            def _():
                pltpu.sync_copy(
                    ridx_hbm.at[pl.ds(p * N_EDGES + j * CH, CH)], idx_v
                )
                pltpu.sync_copy(m_hbm.at[pl.ds(j * CH, CH)], msg_v)
                pltpu.sync_copy(msg_v, acc.at[idx_v], add=True)

            return carry

        lax.fori_loop(0, KMAX, chunk_body, 0)

    def writeback(p, out_hbm):
        for j in range(3):
            pltpu.sync_copy(acc.at[pl.ds(row0 + j * CH, CH)], msg_v)
            pltpu.sync_copy(
                msg_v, out_hbm.at[pl.ds(p * RPP + row0 + j * CH, CH)]
            )
        pltpu.sync_copy(acc.at[pl.ds(row0 + 3 * CH, 8)], msg_v.at[pl.ds(0, 8)])
        pltpu.sync_copy(
            msg_v.at[pl.ds(0, 8)],
            out_hbm.at[pl.ds(p * RPP + row0 + 3 * CH, 8)],
        )

    for p in range(2):
        for j in range(3):
            pltpu.sync_copy(zero_v, acc.at[pl.ds(row0 + j * CH, CH)])
        pltpu.sync_copy(
            zero_v.at[pl.ds(0, 8)], acc.at[pl.ds(row0 + 3 * CH, 8)]
        )

        @pl.when(sid == 0)
        def _():
            pltpu.sync_copy(zero_v.at[pl.ds(0, 8)], acc.at[pl.ds(DUMP, 8)])

        plsc.subcore_barrier()

        @pl.when(cid == 0)
        def _(p=p):
            scatter_pass(p, m0_hbm)

        @pl.when(cid == 1)
        def _(p=p):
            scatter_pass(p, m1_hbm)

        plsc.subcore_barrier()

        @pl.when(cid == 0)
        def _(p=p):
            writeback(p, out0_hbm)

        @pl.when(cid == 1)
        def _(p=p):
            writeback(p, out1_hbm)

        plsc.subcore_barrier()


@functools.lru_cache(maxsize=None)
def _sc_kernels():
    mesh = plsc.VectorSubcoreMesh(core_axis_name="c", subcore_axis_name="s")
    gather = pl.kernel(
        _gather_body,
        mesh=mesh,
        out_type=jax.ShapeDtypeStruct((N_EDGES, 128), jnp.float32),
        scratch_types=[
            pltpu.VMEM((EPW,), jnp.int32),
            pltpu.VMEM((2, CH, 128), jnp.float32),
            pltpu.VMEM((G_TAIL, 128), jnp.float32),
            pltpu.SemaphoreType.DMA,
            pltpu.SemaphoreType.DMA,
        ],
    )
    scatter = pl.kernel(
        _scatter_body,
        mesh=mesh,
        out_type=(
            jax.ShapeDtypeStruct((NPADR, 128), jnp.float32),
            jax.ShapeDtypeStruct((NPADR, 128), jnp.float32),
        ),
        scratch_types=[
            pltpu.VMEM((CH,), jnp.int32),
            pltpu.VMEM((CH, 128), jnp.float32),
            pltpu.VMEM((CH, 128), jnp.float32),
            pltpu.VMEM_SHARED((ACC_ROWS, 128), jnp.float32),
        ],
    )
    return gather, scatter


BE = 2000


def _edge_body(xj_ref, ef_ref, ea_ref, oh_ref, wn_ref, w1_ref, w2_ref, w3_ref,
               w4_ref, t4_ref, rr_ref, s_ref, wa_ref, wb_ref, wc_ref, wd_ref,
               m0_ref, m1_ref):
    f32 = jnp.float32

    def dot(a, b):
        return jnp.dot(a, b, preferred_element_type=f32)

    def silu(x):
        return x * jax.nn.sigmoid(x)

    x = dot(xj_ref[...], wn_ref[...])
    sj = x[:, :C]
    vj = x[:, C:]
    h = silu(dot(ef_ref[...], w1_ref[...]))
    h = silu(dot(h, w2_ref[...]))
    h = silu(dot(h, w3_ref[...]))
    r = dot(h, w4_ref[...])
    wr1 = r[:, :C]
    wr2 = r[:, C:2 * C]
    wr3 = r[:, 2 * C:3 * C]
    wr4 = r[:, 3 * C:]
    ea = ea_ref[...]
    y0 = ea[:, 0:1]
    y1e = dot(ea, t4_ref[...])
    o0a = wr1 * sj * y0
    o0b = wr4 * dot(vj * y1e, s_ref[...])
    o1a = dot(wr2 * sj, rr_ref[...]) * y1e
    o1b = dot(wr3, rr_ref[...]) * vj * y0
    m = (dot(o0a, wa_ref[...]) + dot(o0b, wb_ref[...])
         + dot(o1a, wc_ref[...]) + dot(o1b, wd_ref[...]))
    oh = oh_ref[...]
    m0 = m[:, :32]
    m1 = m[:, 32:]
    m0_ref[...] = jnp.concatenate([m0 * oh[:, c:c + 1] for c in range(4)], axis=1)
    m1_ref[...] = jnp.concatenate([m1 * oh[:, c:c + 1] for c in range(4)], axis=1)


def _edge_messages(xj, edge_feats, edge_attrs, onehot, weights):
    nblk = N_EDGES // BE
    w_specs = [
        pl.BlockSpec(w.shape, lambda i, nd=w.ndim: (0,) * nd) for w in weights
    ]
    out_sds = jax.ShapeDtypeStruct((N_EDGES, 128), jnp.float32)
    return pl.pallas_call(
        _edge_body,
        grid=(nblk,),
        in_specs=[
            pl.BlockSpec((BE, 128), lambda i: (i, 0)),
            pl.BlockSpec((BE, 8), lambda i: (i, 0)),
            pl.BlockSpec((BE, 4), lambda i: (i, 0)),
            pl.BlockSpec((BE, 4), lambda i: (i, 0)),
        ] + w_specs,
        out_specs=[
            pl.BlockSpec((BE, 128), lambda i: (i, 0)),
            pl.BlockSpec((BE, 128), lambda i: (i, 0)),
        ],
        out_shape=[out_sds, out_sds],
        compiler_params=pltpu.CompilerParams(
            dimension_semantics=("arbitrary",),
        ),
    )(xj, edge_feats, edge_attrs, onehot, *weights)


def _prep_weights(W_node_0, W_node_1, mlp_W1, mlp_W2, mlp_W3, mlp_W4,
                  W_out_0, W_out_1):
    f32 = jnp.float32
    eye16 = jnp.eye(16, dtype=f32)
    wn = jnp.zeros((128, 64), f32)
    wn = wn.at[:16, :16].set(W_node_0 / 4.0)
    wn = wn.at[16:64, 16:].set(jnp.kron(W_node_1, jnp.eye(3, dtype=f32)) / 4.0)
    w1 = mlp_W1 / jnp.sqrt(8.0)
    w2 = mlp_W2 / 8.0
    w3 = mlp_W3 / 8.0
    w4 = mlp_W4 / 8.0
    t4 = jnp.zeros((4, 16, 3), f32)
    for i in range(3):
        t4 = t4.at[1 + i, :, i].set(1.0)
    t4 = t4.reshape(4, 48)
    rr = jnp.kron(eye16, jnp.ones((1, 3), f32))
    sm = jnp.kron(eye16, jnp.ones((3, 1), f32)) / jnp.sqrt(3.0)
    scl = 1.0 / (jnp.sqrt(32.0) * 16.0)
    wa = jnp.zeros((16, 16, 4), f32).at[:, :, 0].set(W_out_0[:16] * scl).reshape(16, 64)
    wb = jnp.zeros((16, 16, 4), f32).at[:, :, 0].set(W_out_0[16:] * scl).reshape(16, 64)
    wc = jnp.zeros((16, 3, 16, 4), f32)
    wd = jnp.zeros((16, 3, 16, 4), f32)
    for i in range(3):
        wc = wc.at[:, i, :, 1 + i].set(W_out_1[:16] * scl)
        wd = wd.at[:, i, :, 1 + i].set(W_out_1[16:] * scl)
    wc = wc.reshape(48, 64)
    wd = wd.reshape(48, 64)
    return [wn, w1, w2, w3, w4, t4, rr, sm, wa, wb, wc, wd]


def kernel(node_feats, node_attrs, edge_attrs, edge_feats, edge_index,
           W_node_0, W_node_1, mlp_W1, mlp_W2, mlp_W3, mlp_W4, W_out_0, W_out_1):
    sender = edge_index[0]
    receiver = edge_index[1]
    weights = _prep_weights(W_node_0, W_node_1, mlp_W1, mlp_W2, mlp_W3, mlp_W4,
                            W_out_0, W_out_1)
    gather_k, scatter_k = _sc_kernels()
    table = jnp.pad(node_feats, ((0, 0), (0, 64)))
    xj = gather_k(table, sender)
    rrow = (receiver // 4).astype(jnp.int32)
    onehot = (receiver[:, None] % 4 == jnp.arange(4)[None, :]).astype(jnp.float32)
    m0, m1 = _edge_messages(xj, edge_feats, edge_attrs, onehot, weights)
    ridx2 = jnp.concatenate([
        jnp.where(rrow < RPP, rrow, DUMP),
        jnp.where(rrow >= RPP, rrow - RPP, DUMP),
    ]).astype(jnp.int32)
    zero = jnp.zeros((CH, 128), jnp.float32)
    out0, out1 = scatter_k(m0, m1, ridx2, zero)
    o0 = out0.reshape(NPADR * 4, 32)[:N_NODES]
    o1 = out1.reshape(NPADR * 4, 32)[:N_NODES]
    return jnp.concatenate([o0, o1], axis=1).reshape(N_NODES, C, 4)

# --- scband reference (transcript-rebuilt; emitter-appended) ---
"""Pipeline reference for scband-interaction-block-17815524344047 (READ-ONLY COPY).

The authoritative reference and input builder live on the scoring server;
editing this copy changes nothing except your own understanding.
"""

import jax, jax.numpy as jnp
import numpy as np

N = 50000
E = 800000
C = 16  # multiplicity per irrep

def setup_inputs(seed: int = 0) -> dict:
    key = jax.random.key(seed)
    ks = jax.random.split(key, 16)
    node_feats = jax.random.normal(ks[0], (N, 64), jnp.float32)
    node_attrs = jax.random.uniform(ks[1], (N, 4), jnp.float32)
    edge_attrs = jax.random.normal(ks[2], (E, 4), jnp.float32)
    edge_feats = jax.random.normal(ks[3], (E, 8), jnp.float32)
    edge_index = jax.random.randint(ks[4], (2, E), 0, N)
    # learned parameters
    W_node_0 = jax.random.normal(ks[5], (C, C), jnp.float32)   # o3.Linear on 16x0e
    W_node_1 = jax.random.normal(ks[6], (C, C), jnp.float32)   # o3.Linear on 16x1o
    mlp_W1 = jax.random.normal(ks[7], (8, 64), jnp.float32)
    mlp_W2 = jax.random.normal(ks[8], (64, 64), jnp.float32)
    mlp_W3 = jax.random.normal(ks[9], (64, 64), jnp.float32)
    mlp_W4 = jax.random.normal(ks[10], (64, 64), jnp.float32)  # out dim = tp num_irreps = 4*C = 64
    W_out_0 = jax.random.normal(ks[11], (2 * C, C), jnp.float32)  # linear 32x0e -> 16x0e
    W_out_1 = jax.random.normal(ks[12], (2 * C, C), jnp.float32)  # linear 32x1o -> 16x1o
    return {"node_feats": node_feats, "node_attrs": node_attrs, "edge_attrs": edge_attrs,
            "edge_feats": edge_feats, "edge_index": edge_index,
            "W_node_0": W_node_0, "W_node_1": W_node_1,
            "mlp_W1": mlp_W1, "mlp_W2": mlp_W2, "mlp_W3": mlp_W3, "mlp_W4": mlp_W4,
            "W_out_0": W_out_0, "W_out_1": W_out_1}

def reference(node_feats, node_attrs, edge_attrs, edge_feats, edge_index,
              W_node_0, W_node_1, mlp_W1, mlp_W2, mlp_W3, mlp_W4, W_out_0, W_out_1):
    avg_num_neighbours = 16.0
    sender = edge_index[0]
    receiver = edge_index[1]
    num_nodes = node_feats.shape[0]
    # split node feats into 16x0e scalars and 16x1o vectors
    s = node_feats[:, :C]
    v = node_feats[:, C:].reshape(num_nodes, C, 3)
    # linear_node_feats (per-irrep channel mixing, fan-in normalized)
    s = s @ (W_node_0 / jnp.sqrt(float(C)))
    v = jnp.einsum('nci,co->noi', v, W_node_1 / jnp.sqrt(float(C)))
    # radial MLP (FullyConnectedNet [8,64,64,64,64], SiLU)
    h = jax.nn.silu(edge_feats @ (mlp_W1 / jnp.sqrt(8.0)))
    h = jax.nn.silu(h @ (mlp_W2 / jnp.sqrt(64.0)))
    h = jax.nn.silu(h @ (mlp_W3 / jnp.sqrt(64.0)))
    r = h @ (mlp_W4 / jnp.sqrt(64.0))  # [E, 64] per-path per-channel edge weights
    w1 = r[:, 0*C:1*C]; w2 = r[:, 1*C:2*C]; w3 = r[:, 2*C:3*C]; w4 = r[:, 3*C:4*C]
    # gather sender features
    s_j = s[sender]
    v_j = v[sender]
    y0 = edge_attrs[:, 0]
    y1 = edge_attrs[:, 1:4]
    # tensor product paths (uvu, external edge-dependent weights)
    out0a = w1 * s_j * y0[:, None]                                    # 0e x 0e -> 0e
    out0b = w4 * jnp.einsum('eci,ei->ec', v_j, y1) / jnp.sqrt(3.0)    # 1o x 1o -> 0e
    out1a = w2[:, :, None] * s_j[:, :, None] * y1[:, None, :]         # 0e x 1o -> 1o
    out1b = w3[:, :, None] * v_j * y0[:, None, None]                  # 1o x 0e -> 1o
    tp_s = jnp.concatenate([out0a, out0b], axis=1)        # [E, 32]
    tp_v = jnp.concatenate([out1a, out1b], axis=1)        # [E, 32, 3]
    # scatter-add to receiver nodes
    agg_s = jax.ops.segment_sum(tp_s, receiver, num_segments=num_nodes)
    agg_v = jax.ops.segment_sum(tp_v, receiver, num_segments=num_nodes)
    # linear 32x0e+32x1o -> 16x0e+16x1o, divided by avg_num_neighbours
    out_s = (agg_s @ (W_out_0 / jnp.sqrt(2.0 * C))) / avg_num_neighbours
    out_v = jnp.einsum('nci,co->noi', agg_v, W_out_1 / jnp.sqrt(2.0 * C)) / avg_num_neighbours
    # reshape_irreps: [N, channels, 1+3]
    out = jnp.concatenate([out_s[:, :, None], out_v], axis=2)
    return out

if __name__ == "__main__":
    import jax
    _d = setup_inputs()
    print(jax.jit(kernel)(*tuple(_d.values())))

</pallas_src>

<mosaic_0001>
#map = affine_map<(d0, d1) -> (0, 0)>
#map1 = affine_map<(d0, d1) -> (0)>
module attributes {stable_mosaic.version = 14 : i64} {
  func.func @_scatter_body(%arg0: i32, %arg1: i32, %arg2: memref<800000x128xf32, #tpu.memory_space<hbm>>, %arg3: memref<800000x128xf32, #tpu.memory_space<hbm>>, %arg4: memref<1600000xi32, #tpu.memory_space<hbm>>, %arg5: memref<128x128xf32, #tpu.memory_space<hbm>>, %arg6: memref<12544x128xf32, #tpu.memory_space<hbm>>, %arg7: memref<12544x128xf32, #tpu.memory_space<hbm>>, %arg8: memref<128xi32, #tpu.memory_space<vmem>>, %arg9: memref<128x128xf32, #tpu.memory_space<vmem>>, %arg10: memref<128x128xf32, #tpu.memory_space<vmem>>, %arg11: memref<6280x128xf32, #tpu.memory_space<vmem_shared>>) attributes {dimension_semantics = [#tpu.dimension_semantics<core_parallel>, #tpu.dimension_semantics<subcore_parallel>], iteration_bounds = array<i64: 2, 16>, scalar_prefetch = 0 : i64, scratch_operands = 4 : i64, tpu.core_type = #tpu.core_type<sc_vector_subcore>, window_params = [{transform_indices = #map}, {transform_indices = #map}, {transform_indices = #map1}, {transform_indices = #map}, {transform_indices = #map}, {transform_indices = #map}]} {
    %mul3A = arith.constant 392 : i32
    %mul3A_0 = arith.muli %arg1, %mul3A : i32
    "tpu.region"() ({
      %run_scoped3A = tpu.sem_alloc : memref<!tpu.dma_semaphore, #tpu.memory_space<semaphore_mem>>
      tpu.enqueue_dma source(%arg5 : memref<128x128xf32, #tpu.memory_space<hbm>>) target(%arg10 : memref<128x128xf32, #tpu.memory_space<vmem>>) target_semaphore(%run_scoped3A : memref<!tpu.dma_semaphore, #tpu.memory_space<semaphore_mem>>)
      tpu.wait_dma2 semaphore(%run_scoped3A : memref<!tpu.dma_semaphore, #tpu.memory_space<semaphore_mem>>) src(%arg5 : memref<128x128xf32, #tpu.memory_space<hbm>>) dst(%arg10 : memref<128x128xf32, #tpu.memory_space<vmem>>)
      tpu.yield
    }) : () -> ()
    %add3A = arith.constant 0 : i32
    %add3A_1 = arith.addi %mul3A_0, %add3A : i32
    "tpu.region"() ({
      %run_scoped3A = tpu.sem_alloc : memref<!tpu.dma_semaphore, #tpu.memory_space<semaphore_mem>>
      %dma_start3A = arith.constant 0 : i32
      %dma_start3A_68 = tpu.memref_slice %arg11[%add3A_1, %dma_start3A] : memref<6280x128xf32, #tpu.memory_space<vmem_shared>> -> memref<128x128xf32, #tpu.memory_space<vmem_shared>>
      %dma_start3A_69 = arith.constant 0 : i32
      %dma_start3A_70 = tpu.memref_slice %arg11[%add3A_1, %dma_start3A_69] : memref<6280x128xf32, #tpu.memory_space<vmem_shared>> -> memref<128x128xf32, #tpu.memory_space<vmem_shared>>
      tpu.enqueue_dma source(%arg10 : memref<128x128xf32, #tpu.memory_space<vmem>>) target(%dma_start3A_70 : memref<128x128xf32, #tpu.memory_space<vmem_shared>>) target_semaphore(%run_scoped3A : memref<!tpu.dma_semaphore, #tpu.memory_space<semaphore_mem>>)
      %dma_wait3A = arith.constant 0 : i32
      %dma_wait3A_71 = tpu.memref_slice %arg11[%add3A_1, %dma_wait3A] : memref<6280x128xf32, #tpu.memory_space<vmem_shared>> -> memref<128x128xf32, #tpu.memory_space<vmem_shared>>
      %dma_wait3A_72 = arith.constant 0 : i32
      %dma_wait3A_73 = tpu.memref_slice %arg11[%add3A_1, %dma_wait3A_72] : memref<6280x128xf32, #tpu.memory_space<vmem_shared>> -> memref<128x128xf32, #tpu.memory_space<vmem_shared>>
      tpu.wait_dma2 semaphore(%run_scoped3A : memref<!tpu.dma_semaphore, #tpu.memory_space<semaphore_mem>>) src(%arg10 : memref<128x128xf32, #tpu.memory_space<vmem>>) dst(%dma_wait3A_73 : memref<128x128xf32, #tpu.memory_space<vmem_shared>>)
      tpu.yield
    }) : () -> ()
    %add3A_2 = arith.constant 128 : i32
    %add3A_3 = arith.addi %mul3A_0, %add3A_2 : i32
    "tpu.region"() ({
      %run_scoped3A = tpu.sem_alloc : memref<!tpu.dma_semaphore, #tpu.memory_space<semaphore_mem>>
      %dma_start3A = arith.constant 0 : i32
      %dma_start3A_68 = tpu.memref_slice %arg11[%add3A_3, %dma_start3A] : memref<6280x128xf32, #tpu.memory_space<vmem_shared>> -> memref<128x128xf32, #tpu.memory_space<vmem_shared>>
      %dma_start3A_69 = arith.constant 0 : i32
      %dma_start3A_70 = tpu.memref_slice %arg11[%add3A_3, %dma_start3A_69] : memref<6280x128xf32, #tpu.memory_space<vmem_shared>> -> memref<128x128xf32, #tpu.memory_space<vmem_shared>>
      tpu.enqueue_dma source(%arg10 : memref<128x128xf32, #tpu.memory_space<vmem>>) target(%dma_start3A_70 : memref<128x128xf32, #tpu.memory_space<vmem_shared>>) target_semaphore(%run_scoped3A : memref<!tpu.dma_semaphore, #tpu.memory_space<semaphore_mem>>)
      %dma_wait3A = arith.constant 0 : i32
      %dma_wait3A_71 = tpu.memref_slice %arg11[%add3A_3, %dma_wait3A] : memref<6280x128xf32, #tpu.memory_space<vmem_shared>> -> memref<128x128xf32, #tpu.memory_space<vmem_shared>>
      %dma_wait3A_72 = arith.constant 0 : i32
      %dma_wait3A_73 = tpu.memref_slice %arg11[%add3A_3, %dma_wait3A_72] : memref<6280x128xf32, #tpu.memory_space<vmem_shared>> -> memref<128x128xf32, #tpu.memory_space<vmem_shared>>
      tpu.wait_dma2 semaphore(%run_scoped3A : memref<!tpu.dma_semaphore, #tpu.memory_space<semaphore_mem>>) src(%arg10 : memref<128x128xf32, #tpu.memory_space<vmem>>) dst(%dma_wait3A_73 : memref<128x128xf32, #tpu.memory_space<vmem_shared>>)
      tpu.yield
    }) : () -> ()
    %add3A_4 = arith.constant 256 : i32
    %add3A_5 = arith.addi %mul3A_0, %add3A_4 : i32
    "tpu.region"() ({
      %run_scoped3A = tpu.sem_alloc : memref<!tpu.dma_semaphore, #tpu.memory_space<semaphore_mem>>
      %dma_start3A = arith.constant 0 : i32
      %dma_start3A_68 = tpu.memref_slice %arg11[%add3A_5, %dma_start3A] : memref<6280x128xf32, #tpu.memory_space<vmem_shared>> -> memref<128x128xf32, #tpu.memory_space<vmem_shared>>
      %dma_start3A_69 = arith.constant 0 : i32
      %dma_start3A_70 = tpu.memref_slice %arg11[%add3A_5, %dma_start3A_69] : memref<6280x128xf32, #tpu.memory_space<vmem_shared>> -> memref<128x128xf32, #tpu.memory_space<vmem_shared>>
      tpu.enqueue_dma source(%arg10 : memref<128x128xf32, #tpu.memory_space<vmem>>) target(%dma_start3A_70 : memref<128x128xf32, #tpu.memory_space<vmem_shared>>) target_semaphore(%run_scoped3A : memref<!tpu.dma_semaphore, #tpu.memory_space<semaphore_mem>>)
      %dma_wait3A = arith.constant 0 : i32
      %dma_wait3A_71 = tpu.memref_slice %arg11[%add3A_5, %dma_wait3A] : memref<6280x128xf32, #tpu.memory_space<vmem_shared>> -> memref<128x128xf32, #tpu.memory_space<vmem_shared>>
      %dma_wait3A_72 = arith.constant 0 : i32
      %dma_wait3A_73 = tpu.memref_slice %arg11[%add3A_5, %dma_wait3A_72] : memref<6280x128xf32, #tpu.memory_space<vmem_shared>> -> memref<128x128xf32, #tpu.memory_space<vmem_shared>>
      tpu.wait_dma2 semaphore(%run_scoped3A : memref<!tpu.dma_semaphore, #tpu.memory_space<semaphore_mem>>) src(%arg10 : memref<128x128xf32, #tpu.memory_space<vmem>>) dst(%dma_wait3A_73 : memref<128x128xf32, #tpu.memory_space<vmem_shared>>)
      tpu.yield
    }) : () -> ()
    %add3A_6 = arith.constant 384 : i32
    %add3A_7 = arith.addi %mul3A_0, %add3A_6 : i32
    "tpu.region"() ({
      %run_scoped3A = tpu.sem_alloc : memref<!tpu.dma_semaphore, #tpu.memory_space<semaphore_mem>>
      %dma_start3A = arith.constant 0 : i32
      %dma_start3A_68 = arith.constant 0 : i32
      %dma_start3A_69 = tpu.memref_slice %arg10[%dma_start3A, %dma_start3A_68] : memref<128x128xf32, #tpu.memory_space<vmem>> -> memref<8x128xf32, #tpu.memory_space<vmem>>
      %dma_start3A_70 = arith.constant 0 : i32
      %dma_start3A_71 = tpu.memref_slice %arg11[%add3A_7, %dma_start3A_70] : memref<6280x128xf32, #tpu.memory_space<vmem_shared>> -> memref<8x128xf32, #tpu.memory_space<vmem_shared>>
      %dma_start3A_72 = arith.constant 0 : i32
      %dma_start3A_73 = tpu.memref_slice %arg11[%add3A_7, %dma_start3A_72] : memref<6280x128xf32, #tpu.memory_space<vmem_shared>> -> memref<8x128xf32, #tpu.memory_space<vmem_shared>>
      %dma_start3A_74 = arith.constant 0 : i32
      %dma_start3A_75 = arith.constant 0 : i32
      %dma_start3A_76 = tpu.memref_slice %arg10[%dma_start3A_74, %dma_start3A_75] : memref<128x128xf32, #tpu.memory_space<vmem>> -> memref<8x128xf32, #tpu.memory_space<vmem>>
      tpu.enqueue_dma source(%dma_start3A_76 : memref<8x128xf32, #tpu.memory_space<vmem>>) target(%dma_start3A_73 : memref<8x128xf32, #tpu.memory_space<vmem_shared>>) target_semaphore(%run_scoped3A : memref<!tpu.dma_semaphore, #tpu.memory_space<semaphore_mem>>)
      %dma_wait3A = arith.constant 0 : i32
      %dma_wait3A_77 = arith.constant 0 : i32
      %dma_wait3A_78 = tpu.memref_slice %arg10[%dma_wait3A, %dma_wait3A_77] : memref<128x128xf32, #tpu.memory_space<vmem>> -> memref<8x128xf32, #tpu.memory_space<vmem>>
      %dma_wait3A_79 = arith.constant 0 : i32
      %dma_wait3A_80 = tpu.memref_slice %arg11[%add3A_7, %dma_wait3A_79] : memref<6280x128xf32, #tpu.memory_space<vmem_shared>> -> memref<8x128xf32, #tpu.memory_space<vmem_shared>>
      %dma_wait3A_81 = arith.constant 0 : i32
      %dma_wait3A_82 = tpu.memref_slice %arg11[%add3A_7, %dma_wait3A_81] : memref<6280x128xf32, #tpu.memory_space<vmem_shared>> -> memref<8x128xf32, #tpu.memory_space<vmem_shared>>
      %dma_wait3A_83 = arith.constant 0 : i32
      %dma_wait3A_84 = arith.constant 0 : i32
      %dma_wait3A_85 = tpu.memref_slice %arg10[%dma_wait3A_83, %dma_wait3A_84] : memref<128x128xf32, #tpu.memory_space<vmem>> -> memref<8x128xf32, #tpu.memory_space<vmem>>
      tpu.wait_dma2 semaphore(%run_scoped3A : memref<!tpu.dma_semaphore, #tpu.memory_space<semaphore_mem>>) src(%dma_wait3A_85 : memref<8x128xf32, #tpu.memory_space<vmem>>) dst(%dma_wait3A_82 : memref<8x128xf32, #tpu.memory_space<vmem_shared>>)
      tpu.yield
    }) : () -> ()
    %eq3A = arith.constant 0 : i32
    %eq3A_8 = arith.cmpi eq, %arg1, %eq3A : i32
    %convert_element_type3A = arith.extui %eq3A_8 : i1 to i32
    %cond3A = arith.constant 0 : i32
    %cond3A_9 = arith.cmpi ne, %convert_element_type3A, %cond3A : i32
    scf.if %cond3A_9 {
      "tpu.region"() ({
        %run_scoped3A = tpu.sem_alloc : memref<!tpu.dma_semaphore, #tpu.memory_space<semaphore_mem>>
        %dma_start3A = arith.constant 0 : i32
        %dma_start3A_68 = arith.constant 0 : i32
        %dma_start3A_69 = tpu.memref_slice %arg10[%dma_start3A, %dma_start3A_68] : memref<128x128xf32, #tpu.memory_space<vmem>> -> memref<8x128xf32, #tpu.memory_space<vmem>>
        %dma_start3A_70 = arith.constant 6272 : i32
        %dma_start3A_71 = arith.constant 0 : i32
        %dma_start3A_72 = tpu.memref_slice %arg11[%dma_start3A_70, %dma_start3A_71] : memref<6280x128xf32, #tpu.memory_space<vmem_shared>> -> memref<8x128xf32, #tpu.memory_space<vmem_shared>>
        %dma_start3A_73 = arith.constant 6272 : i32
        %dma_start3A_74 = arith.constant 0 : i32
        %dma_start3A_75 = tpu.memref_slice %arg11[%dma_start3A_73, %dma_start3A_74] : memref<6280x128xf32, #tpu.memory_space<vmem_shared>> -> memref<8x128xf32, #tpu.memory_space<vmem_shared>>
        %dma_start3A_76 = arith.constant 0 : i32
        %dma_start3A_77 = arith.constant 0 : i32
        %dma_start3A_78 = tpu.memref_slice %arg10[%dma_start3A_76, %dma_start3A_77] : memref<128x128xf32, #tpu.memory_space<vmem>> -> memref<8x128xf32, #tpu.memory_space<vmem>>
        tpu.enqueue_dma source(%dma_start3A_78 : memref<8x128xf32, #tpu.memory_space<vmem>>) target(%dma_start3A_75 : memref<8x128xf32, #tpu.memory_space<vmem_shared>>) target_semaphore(%run_scoped3A : memref<!tpu.dma_semaphore, #tpu.memory_space<semaphore_mem>>)
        %dma_wait3A = arith.constant 0 : i32
        %dma_wait3A_79 = arith.constant 0 : i32
        %dma_wait3A_80 = tpu.memref_slice %arg10[%dma_wait3A, %dma_wait3A_79] : memref<128x128xf32, #tpu.memory_space<vmem>> -> memref<8x128xf32, #tpu.memory_space<vmem>>
        %dma_wait3A_81 = arith.constant 6272 : i32
        %dma_wait3A_82 = arith.constant 0 : i32
        %dma_wait3A_83 = tpu.memref_slice %arg11[%dma_wait3A_81, %dma_wait3A_82] : memref<6280x128xf32, #tpu.memory_space<vmem_shared>> -> memref<8x128xf32, #tpu.memory_space<vmem_shared>>
        %dma_wait3A_84 = arith.constant 6272 : i32
        %dma_wait3A_85 = arith.constant 0 : i32
        %dma_wait3A_86 = tpu.memref_slice %arg11[%dma_wait3A_84, %dma_wait3A_85] : memref<6280x128xf32, #tpu.memory_space<vmem_shared>> -> memref<8x128xf32, #tpu.memory_space<vmem_shared>>
        %dma_wait3A_87 = arith.constant 0 : i32
        %dma_wait3A_88 = arith.constant 0 : i32
        %dma_wait3A_89 = tpu.memref_slice %arg10[%dma_wait3A_87, %dma_wait3A_88] : memref<128x128xf32, #tpu.memory_space<vmem>> -> memref<8x128xf32, #tpu.memory_space<vmem>>
        tpu.wait_dma2 semaphore(%run_scoped3A : memref<!tpu.dma_semaphore, #tpu.memory_space<semaphore_mem>>) src(%dma_wait3A_89 : memref<8x128xf32, #tpu.memory_space<vmem>>) dst(%dma_wait3A_86 : memref<8x128xf32, #tpu.memory_space<vmem_shared>>)
        tpu.yield
      }) : () -> ()
    } else {
    }
    %barrier3A = arith.constant 0 : index
    tpu.barrier barrier_id(%barrier3A)
    %eq3A_10 = arith.constant 0 : i32
    %eq3A_11 = arith.cmpi eq, %arg0, %eq3A_10 : i32
    %convert_element_type3A_12 = arith.extui %eq3A_11 : i1 to i32
    %cond3A_13 = arith.constant 0 : i32
    %cond3A_14 = arith.cmpi ne, %convert_element_type3A_12, %cond3A_13 : i32
    scf.if %cond3A_14 {
      %scan3A = arith.constant 0 : i32
      %scan3A_68 = arith.constant 0 : i32
      %scan3A_69 = arith.constant 391 : i32
      %scan3A_70 = arith.addi %scan3A_68, %scan3A_69 : i32
      %scan3A_71 = arith.constant 1 : i32
      scf.for %scan3A_73 = %scan3A_68 to %scan3A_70 step %scan3A_71  : i32 {
        %mul3A_74 = arith.constant 16 : i32
        %mul3A_75 = arith.muli %scan3A_73, %mul3A_74 : i32
        %add3A_76 = arith.addi %mul3A_75, %arg1 : i32
        %lt3A = arith.constant 6250 : i32
        %lt3A_77 = arith.cmpi slt, %add3A_76, %lt3A : i32
        %convert_element_type3A_78 = arith.extui %lt3A_77 : i1 to i32
        %cond3A_79 = arith.constant 0 : i32
        %cond3A_80 = arith.cmpi ne, %convert_element_type3A_78, %cond3A_79 : i32
        scf.if %cond3A_80 {
          %mul3A_81 = arith.constant 128 : i32
          %mul3A_82 = arith.muli %add3A_76, %mul3A_81 : i32
          %add3A_83 = arith.constant 0 : i32
          %add3A_84 = arith.addi %add3A_83, %mul3A_82 : i32
          "tpu.region"() ({
            %run_scoped3A = tpu.sem_alloc : memref<!tpu.dma_semaphore, #tpu.memory_space<semaphore_mem>>
            %dma_start3A = tpu.memref_slice %arg4[%add3A_84] : memref<1600000xi32, #tpu.memory_space<hbm>> -> memref<128xi32, #tpu.memory_space<hbm>>
            %dma_start3A_87 = tpu.memref_slice %arg4[%add3A_84] : memref<1600000xi32, #tpu.memory_space<hbm>> -> memref<128xi32, #tpu.memory_space<hbm>>
            tpu.enqueue_dma source(%dma_start3A_87 : memref<128xi32, #tpu.memory_space<hbm>>) target(%arg8 : memref<128xi32, #tpu.memory_space<vmem>>) target_semaphore(%run_scoped3A : memref<!tpu.dma_semaphore, #tpu.memory_space<semaphore_mem>>)
            %dma_wait3A = tpu.memref_slice %arg4[%add3A_84] : memref<1600000xi32, #tpu.memory_space<hbm>> -> memref<128xi32, #tpu.memory_space<hbm>>
            %dma_wait3A_88 = tpu.memref_slice %arg4[%add3A_84] : memref<1600000xi32, #tpu.memory_space<hbm>> -> memref<128xi32, #tpu.memory_space<hbm>>
            tpu.wait_dma2 semaphore(%run_scoped3A : memref<!tpu.dma_semaphore, #tpu.memory_space<semaphore_mem>>) src(%dma_wait3A_88 : memref<128xi32, #tpu.memory_space<hbm>>) dst(%arg8 : memref<128xi32, #tpu.memory_space<vmem>>)
            tpu.yield
          }) : () -> ()
          %mul3A_85 = arith.constant 128 : i32
          %mul3A_86 = arith.muli %add3A_76, %mul3A_85 : i32
          "tpu.region"() ({
            %run_scoped3A = tpu.sem_alloc : memref<!tpu.dma_semaphore, #tpu.memory_space<semaphore_mem>>
            %dma_start3A = arith.constant 0 : i32
            %dma_start3A_87 = tpu.memref_slice %arg2[%mul3A_86, %dma_start3A] : memref<800000x128xf32, #tpu.memory_space<hbm>> -> memref<128x128xf32, #tpu.memory_space<hbm>>
            %dma_start3A_88 = arith.constant 0 : i32
            %dma_start3A_89 = tpu.memref_slice %arg2[%mul3A_86, %dma_start3A_88] : memref<800000x128xf32, #tpu.memory_space<hbm>> -> memref<128x128xf32, #tpu.memory_space<hbm>>
            tpu.enqueue_dma source(%dma_start3A_89 : memref<128x128xf32, #tpu.memory_space<hbm>>) target(%arg9 : memref<128x128xf32, #tpu.memory_space<vmem>>) target_semaphore(%run_scoped3A : memref<!tpu.dma_semaphore, #tpu.memory_space<semaphore_mem>>)
            %dma_wait3A = arith.constant 0 : i32
            %dma_wait3A_90 = tpu.memref_slice %arg2[%mul3A_86, %dma_wait3A] : memref<800000x128xf32, #tpu.memory_space<hbm>> -> memref<128x128xf32, #tpu.memory_space<hbm>>
            %dma_wait3A_91 = arith.constant 0 : i32
            %dma_wait3A_92 = tpu.memref_slice %arg2[%mul3A_86, %dma_wait3A_91] : memref<800000x128xf32, #tpu.memory_space<hbm>> -> memref<128x128xf32, #tpu.memory_space<hbm>>
            tpu.wait_dma2 semaphore(%run_scoped3A : memref<!tpu.dma_semaphore, #tpu.memory_space<semaphore_mem>>) src(%dma_wait3A_92 : memref<128x128xf32, #tpu.memory_space<hbm>>) dst(%arg9 : memref<128x128xf32, #tpu.memory_space<vmem>>)
            tpu.yield
          }) : () -> ()
          "tpu.region"() ({
            %run_scoped3A = tpu.sem_alloc : memref<!tpu.dma_semaphore, #tpu.memory_space<semaphore_mem>>
            %dma_start3A = arith.constant 0 : i32
            %dma_start3A_87 = arith.constant 0 : i32
            %dma_start3A_88 = tpu.memref_slice %arg11[%dma_start3A, %dma_start3A_87] : memref<6280x128xf32, #tpu.memory_space<vmem_shared>> -> memref<6280x128xf32, #tpu.memory_space<vmem_shared>>
            tpu.enqueue_indirect_dma source(%arg9 : memref<128x128xf32, #tpu.memory_space<vmem>>) target(%dma_start3A_88 : memref<6280x128xf32, #tpu.memory_space<vmem_shared>>) offsets(%arg8 : memref<128xi32, #tpu.memory_space<vmem>>) semaphore(%run_scoped3A : memref<!tpu.dma_semaphore, #tpu.memory_space<semaphore_mem>>) {add = true}
            %dma_wait3A = arith.constant 0 : i32
            %dma_wait3A_89 = arith.constant 0 : i32
            %dma_wait3A_90 = tpu.memref_slice %arg11[%dma_wait3A, %dma_wait3A_89] : memref<6280x128xf32, #tpu.memory_space<vmem_shared>> -> memref<6280x128xf32, #tpu.memory_space<vmem_shared>>
            tpu.wait_indirect_dma semaphore(%run_scoped3A : memref<!tpu.dma_semaphore, #tpu.memory_space<semaphore_mem>>) src(%arg9 : memref<128x128xf32, #tpu.memory_space<vmem>>) dst(%dma_wait3A_90 : memref<6280x128xf32, #tpu.memory_space<vmem_shared>>)
            tpu.yield
          }) : () -> ()
        } else {
        }
      }
      %scan3A_72 = arith.constant 391 : i32
    } else {
    }
    %eq3A_15 = arith.constant 1 : i32
    %eq3A_16 = arith.cmpi eq, %arg0, %eq3A_15 : i32
    %convert_element_type3A_17 = arith.extui %eq3A_16 : i1 to i32
    %cond3A_18 = arith.constant 0 : i32
    %cond3A_19 = arith.cmpi ne, %convert_element_type3A_17, %cond3A_18 : i32
    scf.if %cond3A_19 {
      %scan3A = arith.constant 0 : i32
      %scan3A_68 = arith.constant 0 : i32
      %scan3A_69 = arith.constant 391 : i32
      %scan3A_70 = arith.addi %scan3A_68, %scan3A_69 : i32
      %scan3A_71 = arith.constant 1 : i32
      scf.for %scan3A_73 = %scan3A_68 to %scan3A_70 step %scan3A_71  : i32 {
        %mul3A_74 = arith.constant 16 : i32
        %mul3A_75 = arith.muli %scan3A_73, %mul3A_74 : i32
        %add3A_76 = arith.addi %mul3A_75, %arg1 : i32
        %lt3A = arith.constant 6250 : i32
        %lt3A_77 = arith.cmpi slt, %add3A_76, %lt3A : i32
        %convert_element_type3A_78 = arith.extui %lt3A_77 : i1 to i32
        %cond3A_79 = arith.constant 0 : i32
        %cond3A_80 = arith.cmpi ne, %convert_element_type3A_78, %cond3A_79 : i32
        scf.if %cond3A_80 {
          %mul3A_81 = arith.constant 128 : i32
          %mul3A_82 = arith.muli %add3A_76, %mul3A_81 : i32
          %add3A_83 = arith.constant 0 : i32
          %add3A_84 = arith.addi %add3A_83, %mul3A_82 : i32
          "tpu.region"() ({
            %run_scoped3A = tpu.sem_alloc : memref<!tpu.dma_semaphore, #tpu.memory_space<semaphore_mem>>
            %dma_start3A = tpu.memref_slice %arg4[%add3A_84] : memref<1600000xi32, #tpu.memory_space<hbm>> -> memref<128xi32, #tpu.memory_space<hbm>>
            %dma_start3A_87 = tpu.memref_slice %arg4[%add3A_84] : memref<1600000xi32, #tpu.memory_space<hbm>> -> memref<128xi32, #tpu.memory_space<hbm>>
            tpu.enqueue_dma source(%dma_start3A_87 : memref<128xi32, #tpu.memory_space<hbm>>) target(%arg8 : memref<128xi32, #tpu.memory_space<vmem>>) target_semaphore(%run_scoped3A : memref<!tpu.dma_semaphore, #tpu.memory_space<semaphore_mem>>)
            %dma_wait3A = tpu.memref_slice %arg4[%add3A_84] : memref<1600000xi32, #tpu.memory_space<hbm>> -> memref<128xi32, #tpu.memory_space<hbm>>
            %dma_wait3A_88 = tpu.memref_slice %arg4[%add3A_84] : memref<1600000xi32, #tpu.memory_space<hbm>> -> memref<128xi32, #tpu.memory_space<hbm>>
            tpu.wait_dma2 semaphore(%run_scoped3A : memref<!tpu.dma_semaphore, #tpu.memory_space<semaphore_mem>>) src(%dma_wait3A_88 : memref<128xi32, #tpu.memory_space<hbm>>) dst(%arg8 : memref<128xi32, #tpu.memory_space<vmem>>)
            tpu.yield
          }) : () -> ()
          %mul3A_85 = arith.constant 128 : i32
          %mul3A_86 = arith.muli %add3A_76, %mul3A_85 : i32
          "tpu.region"() ({
            %run_scoped3A = tpu.sem_alloc : memref<!tpu.dma_semaphore, #tpu.memory_space<semaphore_mem>>
            %dma_start3A = arith.constant 0 : i32
            %dma_start3A_87 = tpu.memref_slice %arg3[%mul3A_86, %dma_start3A] : memref<800000x128xf32, #tpu.memory_space<hbm>> -> memref<128x128xf32, #tpu.memory_space<hbm>>
            %dma_start3A_88 = arith.constant 0 : i32
            %dma_start3A_89 = tpu.memref_slice %arg3[%mul3A_86, %dma_start3A_88] : memref<800000x128xf32, #tpu.memory_space<hbm>> -> memref<128x128xf32, #tpu.memory_space<hbm>>
            tpu.enqueue_dma source(%dma_start3A_89 : memref<128x128xf32, #tpu.memory_space<hbm>>) target(%arg9 : memref<128x128xf32, #tpu.memory_space<vmem>>) target_semaphore(%run_scoped3A : memref<!tpu.dma_semaphore, #tpu.memory_space<semaphore_mem>>)
            %dma_wait3A = arith.constant 0 : i32
            %dma_wait3A_90 = tpu.memref_slice %arg3[%mul3A_86, %dma_wait3A] : memref<800000x128xf32, #tpu.memory_space<hbm>> -> memref<128x128xf32, #tpu.memory_space<hbm>>
            %dma_wait3A_91 = arith.constant 0 : i32
            %dma_wait3A_92 = tpu.memref_slice %arg3[%mul3A_86, %dma_wait3A_91] : memref<800000x128xf32, #tpu.memory_space<hbm>> -> memref<128x128xf32, #tpu.memory_space<hbm>>
            tpu.wait_dma2 semaphore(%run_scoped3A : memref<!tpu.dma_semaphore, #tpu.memory_space<semaphore_mem>>) src(%dma_wait3A_92 : memref<128x128xf32, #tpu.memory_space<hbm>>) dst(%arg9 : memref<128x128xf32, #tpu.memory_space<vmem>>)
            tpu.yield
          }) : () -> ()
          "tpu.region"() ({
            %run_scoped3A = tpu.sem_alloc : memref<!tpu.dma_semaphore, #tpu.memory_space<semaphore_mem>>
            %dma_start3A = arith.constant 0 : i32
            %dma_start3A_87 = arith.constant 0 : i32
            %dma_start3A_88 = tpu.memref_slice %arg11[%dma_start3A, %dma_start3A_87] : memref<6280x128xf32, #tpu.memory_space<vmem_shared>> -> memref<6280x128xf32, #tpu.memory_space<vmem_shared>>
            tpu.enqueue_indirect_dma source(%arg9 : memref<128x128xf32, #tpu.memory_space<vmem>>) target(%dma_start3A_88 : memref<6280x128xf32, #tpu.memory_space<vmem_shared>>) offsets(%arg8 : memref<128xi32, #tpu.memory_space<vmem>>) semaphore(%run_scoped3A : memref<!tpu.dma_semaphore, #tpu.memory_space<semaphore_mem>>) {add = true}
            %dma_wait3A = arith.constant 0 : i32
            %dma_wait3A_89 = arith.constant 0 : i32
            %dma_wait3A_90 = tpu.memref_slice %arg11[%dma_wait3A, %dma_wait3A_89] : memref<6280x128xf32, #tpu.memory_space<vmem_shared>> -> memref<6280x128xf32, #tpu.memory_space<vmem_shared>>
            tpu.wait_indirect_dma semaphore(%run_scoped3A : memref<!tpu.dma_semaphore, #tpu.memory_space<semaphore_mem>>) src(%arg9 : memref<128x128xf32, #tpu.memory_space<vmem>>) dst(%dma_wait3A_90 : memref<6280x128xf32, #tpu.memory_space<vmem_shared>>)
            tpu.yield
          }) : () -> ()
        } else {
        }
      }
      %scan3A_72 = arith.constant 391 : i32
    } else {
    }
    %barrier3A_20 = arith.constant 0 : index
    tpu.barrier barrier_id(%barrier3A_20)
    %eq3A_21 = arith.constant 0 : i32
    %eq3A_22 = arith.cmpi eq, %arg0, %eq3A_21 : i32
    %convert_element_type3A_23 = arith.extui %eq3A_22 : i1 to i32
    %cond3A_24 = arith.constant 0 : i32
    %cond3A_25 = arith.cmpi ne, %convert_element_type3A_23, %cond3A_24 : i32
    scf.if %cond3A_25 {
      %add3A_68 = arith.constant 0 : i32
      %add3A_69 = arith.addi %mul3A_0, %add3A_68 : i32
      "tpu.region"() ({
        %run_scoped3A = tpu.sem_alloc : memref<!tpu.dma_semaphore, #tpu.memory_space<semaphore_mem>>
        %dma_start3A = arith.constant 0 : i32
        %dma_start3A_92 = tpu.memref_slice %arg11[%add3A_69, %dma_start3A] : memref<6280x128xf32, #tpu.memory_space<vmem_shared>> -> memref<128x128xf32, #tpu.memory_space<vmem_shared>>
        %dma_start3A_93 = arith.constant 0 : i32
        %dma_start3A_94 = tpu.memref_slice %arg11[%add3A_69, %dma_start3A_93] : memref<6280x128xf32, #tpu.memory_space<vmem_shared>> -> memref<128x128xf32, #tpu.memory_space<vmem_shared>>
        tpu.enqueue_dma source(%dma_start3A_94 : memref<128x128xf32, #tpu.memory_space<vmem_shared>>) target(%arg9 : memref<128x128xf32, #tpu.memory_space<vmem>>) target_semaphore(%run_scoped3A : memref<!tpu.dma_semaphore, #tpu.memory_space<semaphore_mem>>)
        %dma_wait3A = arith.constant 0 : i32
        %dma_wait3A_95 = tpu.memref_slice %arg11[%add3A_69, %dma_wait3A] : memref<6280x128xf32, #tpu.memory_space<vmem_shared>> -> memref<128x128xf32, #tpu.memory_space<vmem_shared>>
        %dma_wait3A_96 = arith.constant 0 : i32
        %dma_wait3A_97 = tpu.memref_slice %arg11[%add3A_69, %dma_wait3A_96] : memref<6280x128xf32, #tpu.memory_space<vmem_shared>> -> memref<128x128xf32, #tpu.memory_space<vmem_shared>>
        tpu.wait_dma2 semaphore(%run_scoped3A : memref<!tpu.dma_semaphore, #tpu.memory_space<semaphore_mem>>) src(%dma_wait3A_97 : memref<128x128xf32, #tpu.memory_space<vmem_shared>>) dst(%arg9 : memref<128x128xf32, #tpu.memory_space<vmem>>)
        tpu.yield
      }) : () -> ()
      %add3A_70 = arith.constant 0 : i32
      %add3A_71 = arith.addi %add3A_70, %mul3A_0 : i32
      %add3A_72 = arith.constant 0 : i32
      %add3A_73 = arith.addi %add3A_71, %add3A_72 : i32
      "tpu.region"() ({
        %run_scoped3A = tpu.sem_alloc : memref<!tpu.dma_semaphore, #tpu.memory_space<semaphore_mem>>
        %dma_start3A = arith.constant 0 : i32
        %dma_start3A_92 = tpu.memref_slice %arg6[%add3A_73, %dma_start3A] : memref<12544x128xf32, #tpu.memory_space<hbm>> -> memref<128x128xf32, #tpu.memory_space<hbm>>
        %dma_start3A_93 = arith.constant 0 : i32
        %dma_start3A_94 = tpu.memref_slice %arg6[%add3A_73, %dma_start3A_93] : memref<12544x128xf32, #tpu.memory_space<hbm>> -> memref<128x128xf32, #tpu.memory_space<hbm>>
        tpu.enqueue_dma source(%arg9 : memref<128x128xf32, #tpu.memory_space<vmem>>) target(%dma_start3A_94 : memref<128x128xf32, #tpu.memory_space<hbm>>) target_semaphore(%run_scoped3A : memref<!tpu.dma_semaphore, #tpu.memory_space<semaphore_mem>>)
        %dma_wait3A = arith.constant 0 : i32
        %dma_wait3A_95 = tpu.memref_slice %arg6[%add3A_73, %dma_wait3A] : memref<12544x128xf32, #tpu.memory_space<hbm>> -> memref<128x128xf32, #tpu.memory_space<hbm>>
        %dma_wait3A_96 = arith.constant 0 : i32
        %dma_wait3A_97 = tpu.memref_slice %arg6[%add3A_73, %dma_wait3A_96] : memref<12544x128xf32, #tpu.memory_space<hbm>> -> memref<128x128xf32, #tpu.memory_space<hbm>>
        tpu.wait_dma2 semaphore(%run_scoped3A : memref<!tpu.dma_semaphore, #tpu.memory_space<semaphore_mem>>) src(%arg9 : memref<128x128xf32, #tpu.memory_space<vmem>>) dst(%dma_wait3A_97 : memref<128x128xf32, #tpu.memory_space<hbm>>)
        tpu.yield
      }) : () -> ()
      %add3A_74 = arith.constant 128 : i32
      %add3A_75 = arith.addi %mul3A_0, %add3A_74 : i32
      "tpu.region"() ({
        %run_scoped3A = tpu.sem_alloc : memref<!tpu.dma_semaphore, #tpu.memory_space<semaphore_mem>>
        %dma_start3A = arith.constant 0 : i32
        %dma_start3A_92 = tpu.memref_slice %arg11[%add3A_75, %dma_start3A] : memref<6280x128xf32, #tpu.memory_space<vmem_shared>> -> memref<128x128xf32, #tpu.memory_space<vmem_shared>>
        %dma_start3A_93 = arith.constant 0 : i32
        %dma_start3A_94 = tpu.memref_slice %arg11[%add3A_75, %dma_start3A_93] : memref<6280x128xf32, #tpu.memory_space<vmem_shared>> -> memref<128x128xf32, #tpu.memory_space<vmem_shared>>
        tpu.enqueue_dma source(%dma_start3A_94 : memref<128x128xf32, #tpu.memory_space<vmem_shared>>) target(%arg9 : memref<128x128xf32, #tpu.memory_space<vmem>>) target_semaphore(%run_scoped3A : memref<!tpu.dma_semaphore, #tpu.memory_space<semaphore_mem>>)
        %dma_wait3A = arith.constant 0 : i32
        %dma_wait3A_95 = tpu.memref_slice %arg11[%add3A_75, %dma_wait3A] : memref<6280x128xf32, #tpu.memory_space<vmem_shared>> -> memref<128x128xf32, #tpu.memory_space<vmem_shared>>
        %dma_wait3A_96 = arith.constant 0 : i32
        %dma_wait3A_97 = tpu.memref_slice %arg11[%add3A_75, %dma_wait3A_96] : memref<6280x128xf32, #tpu.memory_space<vmem_shared>> -> memref<128x128xf32, #tpu.memory_space<vmem_shared>>
        tpu.wait_dma2 semaphore(%run_scoped3A : memref<!tpu.dma_semaphore, #tpu.memory_space<semaphore_mem>>) src(%dma_wait3A_97 : memref<128x128xf32, #tpu.memory_space<vmem_shared>>) dst(%arg9 : memref<128x128xf32, #tpu.memory_space<vmem>>)
        tpu.yield
      }) : () -> ()
      %add3A_76 = arith.constant 0 : i32
      %add3A_77 = arith.addi %add3A_76, %mul3A_0 : i32
      %add3A_78 = arith.constant 128 : i32
      %add3A_79 = arith.addi %add3A_77, %add3A_78 : i32
      "tpu.region"() ({
        %run_scoped3A = tpu.sem_alloc : memref<!tpu.dma_semaphore, #tpu.memory_space<semaphore_mem>>
        %dma_start3A = arith.constant 0 : i32
        %dma_start3A_92 = tpu.memref_slice %arg6[%add3A_79, %dma_start3A] : memref<12544x128xf32, #tpu.memory_space<hbm>> -> memref<128x128xf32, #tpu.memory_space<hbm>>
        %dma_start3A_93 = arith.constant 0 : i32
        %dma_start3A_94 = tpu.memref_slice %arg6[%add3A_79, %dma_start3A_93] : memref<12544x128xf32, #tpu.memory_space<hbm>> -> memref<128x128xf32, #tpu.memory_space<hbm>>
        tpu.enqueue_dma source(%arg9 : memref<128x128xf32, #tpu.memory_space<vmem>>) target(%dma_start3A_94 : memref<128x128xf32, #tpu.memory_space<hbm>>) target_semaphore(%run_scoped3A : memref<!tpu.dma_semaphore, #tpu.memory_space<semaphore_mem>>)
        %dma_wait3A = arith.constant 0 : i32
        %dma_wait3A_95 = tpu.memref_slice %arg6[%add3A_79, %dma_wait3A] : memref<12544x128xf32, #tpu.memory_space<hbm>> -> memref<128x128xf32, #tpu.memory_space<hbm>>
        %dma_wait3A_96 = arith.constant 0 : i32
        %dma_wait3A_97 = tpu.memref_slice %arg6[%add3A_79, %dma_wait3A_96] : memref<12544x128xf32, #tpu.memory_space<hbm>> -> memref<128x128xf32, #tpu.memory_space<hbm>>
        tpu.wait_dma2 semaphore(%run_scoped3A : memref<!tpu.dma_semaphore, #tpu.memory_space<semaphore_mem>>) src(%arg9 : memref<128x128xf32, #tpu.memory_space<vmem>>) dst(%dma_wait3A_97 : memref<128x128xf32, #tpu.memory_space<hbm>>)
        tpu.yield
      }) : () -> ()
      %add3A_80 = arith.constant 256 : i32
      %add3A_81 = arith.addi %mul3A_0, %add3A_80 : i32
      "tpu.region"() ({
        %run_scoped3A = tpu.sem_alloc : memref<!tpu.dma_semaphore, #tpu.memory_space<semaphore_mem>>
        %dma_start3A = arith.constant 0 : i32
        %dma_start3A_92 = tpu.memref_slice %arg11[%add3A_81, %dma_start3A] : memref<6280x128xf32, #tpu.memory_space<vmem_shared>> -> memref<128x128xf32, #tpu.memory_space<vmem_shared>>
        %dma_start3A_93 = arith.constant 0 : i32
        %dma_start3A_94 = tpu.memref_slice %arg11[%add3A_81, %dma_start3A_93] : memref<6280x128xf32, #tpu.memory_space<vmem_shared>> -> memref<128x128xf32, #tpu.memory_space<vmem_shared>>
        tpu.enqueue_dma source(%dma_start3A_94 : memref<128x128xf32, #tpu.memory_space<vmem_shared>>) target(%arg9 : memref<128x128xf32, #tpu.memory_space<vmem>>) target_semaphore(%run_scoped3A : memref<!tpu.dma_semaphore, #tpu.memory_space<semaphore_mem>>)
        %dma_wait3A = arith.constant 0 : i32
        %dma_wait3A_95 = tpu.memref_slice %arg11[%add3A_81, %dma_wait3A] : memref<6280x128xf32, #tpu.memory_space<vmem_shared>> -> memref<128x128xf32, #tpu.memory_space<vmem_shared>>
        %dma_wait3A_96 = arith.constant 0 : i32
        %dma_wait3A_97 = tpu.memref_slice %arg11[%add3A_81, %dma_wait3A_96] : memref<6280x128xf32, #tpu.memory_space<vmem_shared>> -> memref<128x128xf32, #tpu.memory_space<vmem_shared>>
        tpu.wait_dma2 semaphore(%run_scoped3A : memref<!tpu.dma_semaphore, #tpu.memory_space<semaphore_mem>>) src(%dma_wait3A_97 : memref<128x128xf32, #tpu.memory_space<vmem_shared>>) dst(%arg9 : memref<128x128xf32, #tpu.memory_space<vmem>>)
        tpu.yield
      }) : () -> ()
      %add3A_82 = arith.constant 0 : i32
      %add3A_83 = arith.addi %add3A_82, %mul3A_0 : i32
      %add3A_84 = arith.constant 256 : i32
      %add3A_85 = arith.addi %add3A_83, %add3A_84 : i32
      "tpu.region"() ({
        %run_scoped3A = tpu.sem_alloc : memref<!tpu.dma_semaphore, #tpu.memory_space<semaphore_mem>>
        %dma_start3A = arith.constant 0 : i32
        %dma_start3A_92 = tpu.memref_slice %arg6[%add3A_85, %dma_start3A] : memref<12544x128xf32, #tpu.memory_space<hbm>> -> memref<128x128xf32, #tpu.memory_space<hbm>>
        %dma_start3A_93 = arith.constant 0 : i32
        %dma_start3A_94 = tpu.memref_slice %arg6[%add3A_85, %dma_start3A_93] : memref<12544x128xf32, #tpu.memory_space<hbm>> -> memref<128x128xf32, #tpu.memory_space<hbm>>
        tpu.enqueue_dma source(%arg9 : memref<128x128xf32, #tpu.memory_space<vmem>>) target(%dma_start3A_94 : memref<128x128xf32, #tpu.memory_space<hbm>>) target_semaphore(%run_scoped3A : memref<!tpu.dma_semaphore, #tpu.memory_space<semaphore_mem>>)
        %dma_wait3A = arith.constant 0 : i32
        %dma_wait3A_95 = tpu.memref_slice %arg6[%add3A_85, %dma_wait3A] : memref<12544x128xf32, #tpu.memory_space<hbm>> -> memref<128x128xf32, #tpu.memory_space<hbm>>
        %dma_wait3A_96 = arith.constant 0 : i32
        %dma_wait3A_97 = tpu.memref_slice %arg6[%add3A_85, %dma_wait3A_96] : memref<12544x128xf32, #tpu.memory_space<hbm>> -> memref<128x128xf32, #tpu.memory_space<hbm>>
        tpu.wait_dma2 semaphore(%run_scoped3A : memref<!tpu.dma_semaphore, #tpu.memory_space<semaphore_mem>>) src(%arg9 : memref<128x128xf32, #tpu.memory_space<vmem>>) dst(%dma_wait3A_97 : memref<128x128xf32, #tpu.memory_space<hbm>>)
        tpu.yield
      }) : () -> ()
      %add3A_86 = arith.constant 384 : i32
      %add3A_87 = arith.addi %mul3A_0, %add3A_86 : i32
      "tpu.region"() ({
        %run_scoped3A = tpu.sem_alloc : memref<!tpu.dma_semaphore, #tpu.memory_space<semaphore_mem>>
        %dma_start3A = arith.constant 0 : i32
        %dma_start3A_92 = arith.constant 0 : i32
        %dma_start3A_93 = tpu.memref_slice %arg9[%dma_start3A, %dma_start3A_92] : memref<128x128xf32, #tpu.memory_space<vmem>> -> memref<8x128xf32, #tpu.memory_space<vmem>>
        %dma_start3A_94 = arith.constant 0 : i32
        %dma_start3A_95 = tpu.memref_slice %arg11[%add3A_87, %dma_start3A_94] : memref<6280x128xf32, #tpu.memory_space<vmem_shared>> -> memref<8x128xf32, #tpu.memory_space<vmem_shared>>
        %dma_start3A_96 = arith.constant 0 : i32
        %dma_start3A_97 = arith.constant 0 : i32
        %dma_start3A_98 = tpu.memref_slice %arg9[%dma_start3A_96, %dma_start3A_97] : memref<128x128xf32, #tpu.memory_space<vmem>> -> memref<8x128xf32, #tpu.memory_space<vmem>>
        %dma_start3A_99 = arith.constant 0 : i32
        %dma_start3A_100 = tpu.memref_slice %arg11[%add3A_87, %dma_start3A_99] : memref<6280x128xf32, #tpu.memory_space<vmem_shared>> -> memref<8x128xf32, #tpu.memory_space<vmem_shared>>
        tpu.enqueue_dma source(%dma_start3A_100 : memref<8x128xf32, #tpu.memory_space<vmem_shared>>) target(%dma_start3A_98 : memref<8x128xf32, #tpu.memory_space<vmem>>) target_semaphore(%run_scoped3A : memref<!tpu.dma_semaphore, #tpu.memory_space<semaphore_mem>>)
        %dma_wait3A = arith.constant 0 : i32
        %dma_wait3A_101 = arith.constant 0 : i32
        %dma_wait3A_102 = tpu.memref_slice %arg9[%dma_wait3A, %dma_wait3A_101] : memref<128x128xf32, #tpu.memory_space<vmem>> -> memref<8x128xf32, #tpu.memory_space<vmem>>
        %dma_wait3A_103 = arith.constant 0 : i32
        %dma_wait3A_104 = tpu.memref_slice %arg11[%add3A_87, %dma_wait3A_103] : memref<6280x128xf32, #tpu.memory_space<vmem_shared>> -> memref<8x128xf32, #tpu.memory_space<vmem_shared>>
        %dma_wait3A_105 = arith.constant 0 : i32
        %dma_wait3A_106 = arith.constant 0 : i32
        %dma_wait3A_107 = tpu.memref_slice %arg9[%dma_wait3A_105, %dma_wait3A_106] : memref<128x128xf32, #tpu.memory_space<vmem>> -> memref<8x128xf32, #tpu.memory_space<vmem>>
        %dma_wait3A_108 = arith.constant 0 : i32
        %dma_wait3A_109 = tpu.memref_slice %arg11[%add3A_87, %dma_wait3A_108] : memref<6280x128xf32, #tpu.memory_space<vmem_shared>> -> memref<8x128xf32, #tpu.memory_space<vmem_shared>>
        tpu.wait_dma2 semaphore(%run_scoped3A : memref<!tpu.dma_semaphore, #tpu.memory_space<semaphore_mem>>) src(%dma_wait3A_109 : memref<8x128xf32, #tpu.memory_space<vmem_shared>>) dst(%dma_wait3A_107 : memref<8x128xf32, #tpu.memory_space<vmem>>)
        tpu.yield
      }) : () -> ()
      %add3A_88 = arith.constant 0 : i32
      %add3A_89 = arith.addi %add3A_88, %mul3A_0 : i32
      %add3A_90 = arith.constant 384 : i32
      %add3A_91 = arith.addi %add3A_89, %add3A_90 : i32
      "tpu.region"() ({
        %run_scoped3A = tpu.sem_alloc : memref<!tpu.dma_semaphore, #tpu.memory_space<semaphore_mem>>
        %dma_start3A = arith.constant 0 : i32
        %dma_start3A_92 = arith.constant 0 : i32
        %dma_start3A_93 = tpu.memref_slice %arg9[%dma_start3A, %dma_start3A_92] : memref<128x128xf32, #tpu.memory_space<vmem>> -> memref<8x128xf32, #tpu.memory_space<vmem>>
        %dma_start3A_94 = arith.constant 0 : i32
        %dma_start3A_95 = tpu.memref_slice %arg6[%add3A_91, %dma_start3A_94] : memref<12544x128xf32, #tpu.memory_space<hbm>> -> memref<8x128xf32, #tpu.memory_space<hbm>>
        %dma_start3A_96 = arith.constant 0 : i32
        %dma_start3A_97 = tpu.memref_slice %arg6[%add3A_91, %dma_start3A_96] : memref<12544x128xf32, #tpu.memory_space<hbm>> -> memref<8x128xf32, #tpu.memory_space<hbm>>
        %dma_start3A_98 = arith.constant 0 : i32
        %dma_start3A_99 = arith.constant 0 : i32
        %dma_start3A_100 = tpu.memref_slice %arg9[%dma_start3A_98, %dma_start3A_99] : memref<128x128xf32, #tpu.memory_space<vmem>> -> memref<8x128xf32, #tpu.memory_space<vmem>>
        tpu.enqueue_dma source(%dma_start3A_100 : memref<8x128xf32, #tpu.memory_space<vmem>>) target(%dma_start3A_97 : memref<8x128xf32, #tpu.memory_space<hbm>>) target_semaphore(%run_scoped3A : memref<!tpu.dma_semaphore, #tpu.memory_space<semaphore_mem>>)
        %dma_wait3A = arith.constant 0 : i32
        %dma_wait3A_101 = arith.constant 0 : i32
        %dma_wait3A_102 = tpu.memref_slice %arg9[%dma_wait3A, %dma_wait3A_101] : memref<128x128xf32, #tpu.memory_space<vmem>> -> memref<8x128xf32, #tpu.memory_space<vmem>>
        %dma_wait3A_103 = arith.constant 0 : i32
        %dma_wait3A_104 = tpu.memref_slice %arg6[%add3A_91, %dma_wait3A_103] : memref<12544x128xf32, #tpu.memory_space<hbm>> -> memref<8x128xf32, #tpu.memory_space<hbm>>
        %dma_wait3A_105 = arith.constant 0 : i32
        %dma_wait3A_106 = tpu.memref_slice %arg6[%add3A_91, %dma_wait3A_105] : memref<12544x128xf32, #tpu.memory_space<hbm>> -> memref<8x128xf32, #tpu.memory_space<hbm>>
        %dma_wait3A_107 = arith.constant 0 : i32
        %dma_wait3A_108 = arith.constant 0 : i32
        %dma_wait3A_109 = tpu.memref_slice %arg9[%dma_wait3A_107, %dma_wait3A_108] : memref<128x128xf32, #tpu.memory_space<vmem>> -> memref<8x128xf32, #tpu.memory_space<vmem>>
        tpu.wait_dma2 semaphore(%run_scoped3A : memref<!tpu.dma_semaphore, #tpu.memory_space<semaphore_mem>>) src(%dma_wait3A_109 : memref<8x128xf32, #tpu.memory_space<vmem>>) dst(%dma_wait3A_106 : memref<8x128xf32, #tpu.memory_space<hbm>>)
        tpu.yield
      }) : () -> ()
    } else {
    }
    %eq3A_26 = arith.constant 1 : i32
    %eq3A_27 = arith.cmpi eq, %arg0, %eq3A_26 : i32
    %convert_element_type3A_28 = arith.extui %eq3A_27 : i1 to i32
    %cond3A_29 = arith.constant 0 : i32
    %cond3A_30 = arith.cmpi ne, %convert_element_type3A_28, %cond3A_29 : i32
    scf.if %cond3A_30 {
      %add3A_68 = arith.constant 0 : i32
      %add3A_69 = arith.addi %mul3A_0, %add3A_68 : i32
      "tpu.region"() ({
        %run_scoped3A = tpu.sem_alloc : memref<!tpu.dma_semaphore, #tpu.memory_space<semaphore_mem>>
        %dma_start3A = arith.constant 0 : i32
        %dma_start3A_92 = tpu.memref_slice %arg11[%add3A_69, %dma_start3A] : memref<6280x128xf32, #tpu.memory_space<vmem_shared>> -> memref<128x128xf32, #tpu.memory_space<vmem_shared>>
        %dma_start3A_93 = arith.constant 0 : i32
        %dma_start3A_94 = tpu.memref_slice %arg11[%add3A_69, %dma_start3A_93] : memref<6280x128xf32, #tpu.memory_space<vmem_shared>> -> memref<128x128xf32, #tpu.memory_space<vmem_shared>>
        tpu.enqueue_dma source(%dma_start3A_94 : memref<128x128xf32, #tpu.memory_space<vmem_shared>>) target(%arg9 : memref<128x128xf32, #tpu.memory_space<vmem>>) target_semaphore(%run_scoped3A : memref<!tpu.dma_semaphore, #tpu.memory_space<semaphore_mem>>)
        %dma_wait3A = arith.constant 0 : i32
        %dma_wait3A_95 = tpu.memref_slice %arg11[%add3A_69, %dma_wait3A] : memref<6280x128xf32, #tpu.memory_space<vmem_shared>> -> memref<128x128xf32, #tpu.memory_space<vmem_shared>>
        %dma_wait3A_96 = arith.constant 0 : i32
        %dma_wait3A_97 = tpu.memref_slice %arg11[%add3A_69, %dma_wait3A_96] : memref<6280x128xf32, #tpu.memory_space<vmem_shared>> -> memref<128x128xf32, #tpu.memory_space<vmem_shared>>
        tpu.wait_dma2 semaphore(%run_scoped3A : memref<!tpu.dma_semaphore, #tpu.memory_space<semaphore_mem>>) src(%dma_wait3A_97 : memref<128x128xf32, #tpu.memory_space<vmem_shared>>) dst(%arg9 : memref<128x128xf32, #tpu.memory_space<vmem>>)
        tpu.yield
      }) : () -> ()
      %add3A_70 = arith.constant 0 : i32
      %add3A_71 = arith.addi %add3A_70, %mul3A_0 : i32
      %add3A_72 = arith.constant 0 : i32
      %add3A_73 = arith.addi %add3A_71, %add3A_72 : i32
      "tpu.region"() ({
        %run_scoped3A = tpu.sem_alloc : memref<!tpu.dma_semaphore, #tpu.memory_space<semaphore_mem>>
        %dma_start3A = arith.constant 0 : i32
        %dma_start3A_92 = tpu.memref_slice %arg7[%add3A_73, %dma_start3A] : memref<12544x128xf32, #tpu.memory_space<hbm>> -> memref<128x128xf32, #tpu.memory_space<hbm>>
        %dma_start3A_93 = arith.constant 0 : i32
        %dma_start3A_94 = tpu.memref_slice %arg7[%add3A_73, %dma_start3A_93] : memref<12544x128xf32, #tpu.memory_space<hbm>> -> memref<128x128xf32, #tpu.memory_space<hbm>>
        tpu.enqueue_dma source(%arg9 : memref<128x128xf32, #tpu.memory_space<vmem>>) target(%dma_start3A_94 : memref<128x128xf32, #tpu.memory_space<hbm>>) target_semaphore(%run_scoped3A : memref<!tpu.dma_semaphore, #tpu.memory_space<semaphore_mem>>)
        %dma_wait3A = arith.constant 0 : i32
        %dma_wait3A_95 = tpu.memref_slice %arg7[%add3A_73, %dma_wait3A] : memref<12544x128xf32, #tpu.memory_space<hbm>> -> memref<128x128xf32, #tpu.memory_space<hbm>>
        %dma_wait3A_96 = arith.constant 0 : i32
        %dma_wait3A_97 = tpu.memref_slice %arg7[%add3A_73, %dma_wait3A_96] : memref<12544x128xf32, #tpu.memory_space<hbm>> -> memref<128x128xf32, #tpu.memory_space<hbm>>
        tpu.wait_dma2 semaphore(%run_scoped3A : memref<!tpu.dma_semaphore, #tpu.memory_space<semaphore_mem>>) src(%arg9 : memref<128x128xf32, #tpu.memory_space<vmem>>) dst(%dma_wait3A_97 : memref<128x128xf32, #tpu.memory_space<hbm>>)
        tpu.yield
      }) : () -> ()
      %add3A_74 = arith.constant 128 : i32
      %add3A_75 = arith.addi %mul3A_0, %add3A_74 : i32
      "tpu.region"() ({
        %run_scoped3A = tpu.sem_alloc : memref<!tpu.dma_semaphore, #tpu.memory_space<semaphore_mem>>
        %dma_start3A = arith.constant 0 : i32
        %dma_start3A_92 = tpu.memref_slice %arg11[%add3A_75, %dma_start3A] : memref<6280x128xf32, #tpu.memory_space<vmem_shared>> -> memref<128x128xf32, #tpu.memory_space<vmem_shared>>
        %dma_start3A_93 = arith.constant 0 : i32
        %dma_start3A_94 = tpu.memref_slice %arg11[%add3A_75, %dma_start3A_93] : memref<6280x128xf32, #tpu.memory_space<vmem_shared>> -> memref<128x128xf32, #tpu.memory_space<vmem_shared>>
        tpu.enqueue_dma source(%dma_start3A_94 : memref<128x128xf32, #tpu.memory_space<vmem_shared>>) target(%arg9 : memref<128x128xf32, #tpu.memory_space<vmem>>) target_semaphore(%run_scoped3A : memref<!tpu.dma_semaphore, #tpu.memory_space<semaphore_mem>>)
        %dma_wait3A = arith.constant 0 : i32
        %dma_wait3A_95 = tpu.memref_slice %arg11[%add3A_75, %dma_wait3A] : memref<6280x128xf32, #tpu.memory_space<vmem_shared>> -> memref<128x128xf32, #tpu.memory_space<vmem_shared>>
        %dma_wait3A_96 = arith.constant 0 : i32
        %dma_wait3A_97 = tpu.memref_slice %arg11[%add3A_75, %dma_wait3A_96] : memref<6280x128xf32, #tpu.memory_space<vmem_shared>> -> memref<128x128xf32, #tpu.memory_space<vmem_shared>>
        tpu.wait_dma2 semaphore(%run_scoped3A : memref<!tpu.dma_semaphore, #tpu.memory_space<semaphore_mem>>) src(%dma_wait3A_97 : memref<128x128xf32, #tpu.memory_space<vmem_shared>>) dst(%arg9 : memref<128x128xf32, #tpu.memory_space<vmem>>)
        tpu.yield
      }) : () -> ()
      %add3A_76 = arith.constant 0 : i32
      %add3A_77 = arith.addi %add3A_76, %mul3A_0 : i32
      %add3A_78 = arith.constant 128 : i32
      %add3A_79 = arith.addi %add3A_77, %add3A_78 : i32
      "tpu.region"() ({
        %run_scoped3A = tpu.sem_alloc : memref<!tpu.dma_semaphore, #tpu.memory_space<semaphore_mem>>
        %dma_start3A = arith.constant 0 : i32
        %dma_start3A_92 = tpu.memref_slice %arg7[%add3A_79, %dma_start3A] : memref<12544x128xf32, #tpu.memory_space<hbm>> -> memref<128x128xf32, #tpu.memory_space<hbm>>
        %dma_start3A_93 = arith.constant 0 : i32
        %dma_start3A_94 = tpu.memref_slice %arg7[%add3A_79, %dma_start3A_93] : memref<12544x128xf32, #tpu.memory_space<hbm>> -> memref<128x128xf32, #tpu.memory_space<hbm>>
        tpu.enqueue_dma source(%arg9 : memref<128x128xf32, #tpu.memory_space<vmem>>) target(%dma_start3A_94 : memref<128x128xf32, #tpu.memory_space<hbm>>) target_semaphore(%run_scoped3A : memref<!tpu.dma_semaphore, #tpu.memory_space<semaphore_mem>>)
        %dma_wait3A = arith.constant 0 : i32
        %dma_wait3A_95 = tpu.memref_slice %arg7[%add3A_79, %dma_wait3A] : memref<12544x128xf32, #tpu.memory_space<hbm>> -> memref<128x128xf32, #tpu.memory_space<hbm>>
        %dma_wait3A_96 = arith.constant 0 : i32
        %dma_wait3A_97 = tpu.memref_slice %arg7[%add3A_79, %dma_wait3A_96] : memref<12544x128xf32, #tpu.memory_space<hbm>> -> memref<128x128xf32, #tpu.memory_space<hbm>>
        tpu.wait_dma2 semaphore(%run_scoped3A : memref<!tpu.dma_semaphore, #tpu.memory_space<semaphore_mem>>) src(%arg9 : memref<128x128xf32, #tpu.memory_space<vmem>>) dst(%dma_wait3A_97 : memref<128x128xf32, #tpu.memory_space<hbm>>)
        tpu.yield
      }) : () -> ()
      %add3A_80 = arith.constant 256 : i32
      %add3A_81 = arith.addi %mul3A_0, %add3A_80 : i32
      "tpu.region"() ({
        %run_scoped3A = tpu.sem_alloc : memref<!tpu.dma_semaphore, #tpu.memory_space<semaphore_mem>>
        %dma_start3A = arith.constant 0 : i32
        %dma_start3A_92 = tpu.memref_slice %arg11[%add3A_81, %dma_start3A] : memref<6280x128xf32, #tpu.memory_space<vmem_shared>> -> memref<128x128xf32, #tpu.memory_space<vmem_shared>>
        %dma_start3A_93 = arith.constant 0 : i32
        %dma_start3A_94 = tpu.memref_slice %arg11[%add3A_81, %dma_start3A_93] : memref<6280x128xf32, #tpu.memory_space<vmem_shared>> -> memref<128x128xf32, #tpu.memory_space<vmem_shared>>
        tpu.enqueue_dma source(%dma_start3A_94 : memref<128x128xf32, #tpu.memory_space<vmem_shared>>) target(%arg9 : memref<128x128xf32, #tpu.memory_space<vmem>>) target_semaphore(%run_scoped3A : memref<!tpu.dma_semaphore, #tpu.memory_space<semaphore_mem>>)
        %dma_wait3A = arith.constant 0 : i32
        %dma_wait3A_95 = tpu.memref_slice %arg11[%add3A_81, %dma_wait3A] : memref<6280x128xf32, #tpu.memory_space<vmem_shared>> -> memref<128x128xf32, #tpu.memory_space<vmem_shared>>
        %dma_wait3A_96 = arith.constant 0 : i32
        %dma_wait3A_97 = tpu.memref_slice %arg11[%add3A_81, %dma_wait3A_96] : memref<6280x128xf32, #tpu.memory_space<vmem_shared>> -> memref<128x128xf32, #tpu.memory_space<vmem_shared>>
        tpu.wait_dma2 semaphore(%run_scoped3A : memref<!tpu.dma_semaphore, #tpu.memory_space<semaphore_mem>>) src(%dma_wait3A_97 : memref<128x128xf32, #tpu.memory_space<vmem_shared>>) dst(%arg9 : memref<128x128xf32, #tpu.memory_space<vmem>>)
        tpu.yield
      }) : () -> ()
      %add3A_82 = arith.constant 0 : i32
      %add3A_83 = arith.addi %add3A_82, %mul3A_0 : i32
      %add3A_84 = arith.constant 256 : i32
      %add3A_85 = arith.addi %add3A_83, %add3A_84 : i32
      "tpu.region"() ({
        %run_scoped3A = tpu.sem_alloc : memref<!tpu.dma_semaphore, #tpu.memory_space<semaphore_mem>>
        %dma_start3A = arith.constant 0 : i32
        %dma_start3A_92 = tpu.memref_slice %arg7[%add3A_85, %dma_start3A] : memref<12544x128xf32, #tpu.memory_space<hbm>> -> memref<128x128xf32, #tpu.memory_space<hbm>>
        %dma_start3A_93 = arith.constant 0 : i32
        %dma_start3A_94 = tpu.memref_slice %arg7[%add3A_85, %dma_start3A_93] : memref<12544x128xf32, #tpu.memory_space<hbm>> -> memref<128x128xf32, #tpu.memory_space<hbm>>
        tpu.enqueue_dma source(%arg9 : memref<128x128xf32, #tpu.memory_space<vmem>>) target(%dma_start3A_94 : memref<128x128xf32, #tpu.memory_space<hbm>>) target_semaphore(%run_scoped3A : memref<!tpu.dma_semaphore, #tpu.memory_space<semaphore_mem>>)
        %dma_wait3A = arith.constant 0 : i32
        %dma_wait3A_95 = tpu.memref_slice %arg7[%add3A_85, %dma_wait3A] : memref<12544x128xf32, #tpu.memory_space<hbm>> -> memref<128x128xf32, #tpu.memory_space<hbm>>
        %dma_wait3A_96 = arith.constant 0 : i32
        %dma_wait3A_97 = tpu.memref_slice %arg7[%add3A_85, %dma_wait3A_96] : memref<12544x128xf32, #tpu.memory_space<hbm>> -> memref<128x128xf32, #tpu.memory_space<hbm>>
        tpu.wait_dma2 semaphore(%run_scoped3A : memref<!tpu.dma_semaphore, #tpu.memory_space<semaphore_mem>>) src(%arg9 : memref<128x128xf32, #tpu.memory_space<vmem>>) dst(%dma_wait3A_97 : memref<128x128xf32, #tpu.memory_space<hbm>>)
        tpu.yield
      }) : () -> ()
      %add3A_86 = arith.constant 384 : i32
      %add3A_87 = arith.addi %mul3A_0, %add3A_86 : i32
      "tpu.region"() ({
        %run_scoped3A = tpu.sem_alloc : memref<!tpu.dma_semaphore, #tpu.memory_space<semaphore_mem>>
        %dma_start3A = arith.constant 0 : i32
        %dma_start3A_92 = arith.constant 0 : i32
        %dma_start3A_93 = tpu.memref_slice %arg9[%dma_start3A, %dma_start3A_92] : memref<128x128xf32, #tpu.memory_space<vmem>> -> memref<8x128xf32, #tpu.memory_space<vmem>>
        %dma_start3A_94 = arith.constant 0 : i32
        %dma_start3A_95 = tpu.memref_slice %arg11[%add3A_87, %dma_start3A_94] : memref<6280x128xf32, #tpu.memory_space<vmem_shared>> -> memref<8x128xf32, #tpu.memory_space<vmem_shared>>
        %dma_start3A_96 = arith.constant 0 : i32
        %dma_start3A_97 = arith.constant 0 : i32
        %dma_start3A_98 = tpu.memref_slice %arg9[%dma_start3A_96, %dma_start3A_97] : memref<128x128xf32, #tpu.memory_space<vmem>> -> memref<8x128xf32, #tpu.memory_space<vmem>>
        %dma_start3A_99 = arith.constant 0 : i32
        %dma_start3A_100 = tpu.memref_slice %arg11[%add3A_87, %dma_start3A_99] : memref<6280x128xf32, #tpu.memory_space<vmem_shared>> -> memref<8x128xf32, #tpu.memory_space<vmem_shared>>
        tpu.enqueue_dma source(%dma_start3A_100 : memref<8x128xf32, #tpu.memory_space<vmem_shared>>) target(%dma_start3A_98 : memref<8x128xf32, #tpu.memory_space<vmem>>) target_semaphore(%run_scoped3A : memref<!tpu.dma_semaphore, #tpu.memory_space<semaphore_mem>>)
        %dma_wait3A = arith.constant 0 : i32
        %dma_wait3A_101 = arith.constant 0 : i32
        %dma_wait3A_102 = tpu.memref_slice %arg9[%dma_wait3A, %dma_wait3A_101] : memref<128x128xf32, #tpu.memory_space<vmem>> -> memref<8x128xf32, #tpu.memory_space<vmem>>
        %dma_wait3A_103 = arith.constant 0 : i32
        %dma_wait3A_104 = tpu.memref_slice %arg11[%add3A_87, %dma_wait3A_103] : memref<6280x128xf32, #tpu.memory_space<vmem_shared>> -> memref<8x128xf32, #tpu.memory_space<vmem_shared>>
        %dma_wait3A_105 = arith.constant 0 : i32
        %dma_wait3A_106 = arith.constant 0 : i32
        %dma_wait3A_107 = tpu.memref_slice %arg9[%dma_wait3A_105, %dma_wait3A_106] : memref<128x128xf32, #tpu.memory_space<vmem>> -> memref<8x128xf32, #tpu.memory_space<vmem>>
        %dma_wait3A_108 = arith.constant 0 : i32
        %dma_wait3A_109 = tpu.memref_slice %arg11[%add3A_87, %dma_wait3A_108] : memref<6280x128xf32, #tpu.memory_space<vmem_shared>> -> memref<8x128xf32, #tpu.memory_space<vmem_shared>>
        tpu.wait_dma2 semaphore(%run_scoped3A : memref<!tpu.dma_semaphore, #tpu.memory_space<semaphore_mem>>) src(%dma_wait3A_109 : memref<8x128xf32, #tpu.memory_space<vmem_shared>>) dst(%dma_wait3A_107 : memref<8x128xf32, #tpu.memory_space<vmem>>)
        tpu.yield
      }) : () -> ()
      %add3A_88 = arith.constant 0 : i32
      %add3A_89 = arith.addi %add3A_88, %mul3A_0 : i32
      %add3A_90 = arith.constant 384 : i32
      %add3A_91 = arith.addi %add3A_89, %add3A_90 : i32
      "tpu.region"() ({
        %run_scoped3A = tpu.sem_alloc : memref<!tpu.dma_semaphore, #tpu.memory_space<semaphore_mem>>
        %dma_start3A = arith.constant 0 : i32
        %dma_start3A_92 = arith.constant 0 : i32
        %dma_start3A_93 = tpu.memref_slice %arg9[%dma_start3A, %dma_start3A_92] : memref<128x128xf32, #tpu.memory_space<vmem>> -> memref<8x128xf32, #tpu.memory_space<vmem>>
        %dma_start3A_94 = arith.constant 0 : i32
        %dma_start3A_95 = tpu.memref_slice %arg7[%add3A_91, %dma_start3A_94] : memref<12544x128xf32, #tpu.memory_space<hbm>> -> memref<8x128xf32, #tpu.memory_space<hbm>>
        %dma_start3A_96 = arith.constant 0 : i32
        %dma_start3A_97 = tpu.memref_slice %arg7[%add3A_91, %dma_start3A_96] : memref<12544x128xf32, #tpu.memory_space<hbm>> -> memref<8x128xf32, #tpu.memory_space<hbm>>
        %dma_start3A_98 = arith.constant 0 : i32
        %dma_start3A_99 = arith.constant 0 : i32
        %dma_start3A_100 = tpu.memref_slice %arg9[%dma_start3A_98, %dma_start3A_99] : memref<128x128xf32, #tpu.memory_space<vmem>> -> memref<8x128xf32, #tpu.memory_space<vmem>>
        tpu.enqueue_dma source(%dma_start3A_100 : memref<8x128xf32, #tpu.memory_space<vmem>>) target(%dma_start3A_97 : memref<8x128xf32, #tpu.memory_space<hbm>>) target_semaphore(%run_scoped3A : memref<!tpu.dma_semaphore, #tpu.memory_space<semaphore_mem>>)
        %dma_wait3A = arith.constant 0 : i32
        %dma_wait3A_101 = arith.constant 0 : i32
        %dma_wait3A_102 = tpu.memref_slice %arg9[%dma_wait3A, %dma_wait3A_101] : memref<128x128xf32, #tpu.memory_space<vmem>> -> memref<8x128xf32, #tpu.memory_space<vmem>>
        %dma_wait3A_103 = arith.constant 0 : i32
        %dma_wait3A_104 = tpu.memref_slice %arg7[%add3A_91, %dma_wait3A_103] : memref<12544x128xf32, #tpu.memory_space<hbm>> -> memref<8x128xf32, #tpu.memory_space<hbm>>
        %dma_wait3A_105 = arith.constant 0 : i32
        %dma_wait3A_106 = tpu.memref_slice %arg7[%add3A_91, %dma_wait3A_105] : memref<12544x128xf32, #tpu.memory_space<hbm>> -> memref<8x128xf32, #tpu.memory_space<hbm>>
        %dma_wait3A_107 = arith.constant 0 : i32
        %dma_wait3A_108 = arith.constant 0 : i32
        %dma_wait3A_109 = tpu.memref_slice %arg9[%dma_wait3A_107, %dma_wait3A_108] : memref<128x128xf32, #tpu.memory_space<vmem>> -> memref<8x128xf32, #tpu.memory_space<vmem>>
        tpu.wait_dma2 semaphore(%run_scoped3A : memref<!tpu.dma_semaphore, #tpu.memory_space<semaphore_mem>>) src(%dma_wait3A_109 : memref<8x128xf32, #tpu.memory_space<vmem>>) dst(%dma_wait3A_106 : memref<8x128xf32, #tpu.memory_space<hbm>>)
        tpu.yield
      }) : () -> ()
    } else {
    }
    %barrier3A_31 = arith.constant 0 : index
    tpu.barrier barrier_id(%barrier3A_31)
    %add3A_32 = arith.constant 0 : i32
    %add3A_33 = arith.addi %mul3A_0, %add3A_32 : i32
    "tpu.region"() ({
      %run_scoped3A = tpu.sem_alloc : memref<!tpu.dma_semaphore, #tpu.memory_space<semaphore_mem>>
      %dma_start3A = arith.constant 0 : i32
      %dma_start3A_68 = tpu.memref_slice %arg11[%add3A_33, %dma_start3A] : memref<6280x128xf32, #tpu.memory_space<vmem_shared>> -> memref<128x128xf32, #tpu.memory_space<vmem_shared>>
      %dma_start3A_69 = arith.constant 0 : i32
      %dma_start3A_70 = tpu.memref_slice %arg11[%add3A_33, %dma_start3A_69] : memref<6280x128xf32, #tpu.memory_space<vmem_shared>> -> memref<128x128xf32, #tpu.memory_space<vmem_shared>>
      tpu.enqueue_dma source(%arg10 : memref<128x128xf32, #tpu.memory_space<vmem>>) target(%dma_start3A_70 : memref<128x128xf32, #tpu.memory_space<vmem_shared>>) target_semaphore(%run_scoped3A : memref<!tpu.dma_semaphore, #tpu.memory_space<semaphore_mem>>)
      %dma_wait3A = arith.constant 0 : i32
      %dma_wait3A_71 = tpu.memref_slice %arg11[%add3A_33, %dma_wait3A] : memref<6280x128xf32, #tpu.memory_space<vmem_shared>> -> memref<128x128xf32, #tpu.memory_space<vmem_shared>>
      %dma_wait3A_72 = arith.constant 0 : i32
      %dma_wait3A_73 = tpu.memref_slice %arg11[%add3A_33, %dma_wait3A_72] : memref<6280x128xf32, #tpu.memory_space<vmem_shared>> -> memref<128x128xf32, #tpu.memory_space<vmem_shared>>
      tpu.wait_dma2 semaphore(%run_scoped3A : memref<!tpu.dma_semaphore, #tpu.memory_space<semaphore_mem>>) src(%arg10 : memref<128x128xf32, #tpu.memory_space<vmem>>) dst(%dma_wait3A_73 : memref<128x128xf32, #tpu.memory_space<vmem_shared>>)
      tpu.yield
    }) : () -> ()
    %add3A_34 = arith.constant 128 : i32
    %add3A_35 = arith.addi %mul3A_0, %add3A_34 : i32
    "tpu.region"() ({
      %run_scoped3A = tpu.sem_alloc : memref<!tpu.dma_semaphore, #tpu.memory_space<semaphore_mem>>
      %dma_start3A = arith.constant 0 : i32
      %dma_start3A_68 = tpu.memref_slice %arg11[%add3A_35, %dma_start3A] : memref<6280x128xf32, #tpu.memory_space<vmem_shared>> -> memref<128x128xf32, #tpu.memory_space<vmem_shared>>
      %dma_start3A_69 = arith.constant 0 : i32
      %dma_start3A_70 = tpu.memref_slice %arg11[%add3A_35, %dma_start3A_69] : memref<6280x128xf32, #tpu.memory_space<vmem_shared>> -> memref<128x128xf32, #tpu.memory_space<vmem_shared>>
      tpu.enqueue_dma source(%arg10 : memref<128x128xf32, #tpu.memory_space<vmem>>) target(%dma_start3A_70 : memref<128x128xf32, #tpu.memory_space<vmem_shared>>) target_semaphore(%run_scoped3A : memref<!tpu.dma_semaphore, #tpu.memory_space<semaphore_mem>>)
      %dma_wait3A = arith.constant 0 : i32
      %dma_wait3A_71 = tpu.memref_slice %arg11[%add3A_35, %dma_wait3A] : memref<6280x128xf32, #tpu.memory_space<vmem_shared>> -> memref<128x128xf32, #tpu.memory_space<vmem_shared>>
      %dma_wait3A_72 = arith.constant 0 : i32
      %dma_wait3A_73 = tpu.memref_slice %arg11[%add3A_35, %dma_wait3A_72] : memref<6280x128xf32, #tpu.memory_space<vmem_shared>> -> memref<128x128xf32, #tpu.memory_space<vmem_shared>>
      tpu.wait_dma2 semaphore(%run_scoped3A : memref<!tpu.dma_semaphore, #tpu.memory_space<semaphore_mem>>) src(%arg10 : memref<128x128xf32, #tpu.memory_space<vmem>>) dst(%dma_wait3A_73 : memref<128x128xf32, #tpu.memory_space<vmem_shared>>)
      tpu.yield
    }) : () -> ()
    %add3A_36 = arith.constant 256 : i32
    %add3A_37 = arith.addi %mul3A_0, %add3A_36 : i32
    "tpu.region"() ({
      %run_scoped3A = tpu.sem_alloc : memref<!tpu.dma_semaphore, #tpu.memory_space<semaphore_mem>>
      %dma_start3A = arith.constant 0 : i32
      %dma_start3A_68 = tpu.memref_slice %arg11[%add3A_37, %dma_start3A] : memref<6280x128xf32, #tpu.memory_space<vmem_shared>> -> memref<128x128xf32, #tpu.memory_space<vmem_shared>>
      %dma_start3A_69 = arith.constant 0 : i32
      %dma_start3A_70 = tpu.memref_slice %arg11[%add3A_37, %dma_start3A_69] : memref<6280x128xf32, #tpu.memory_space<vmem_shared>> -> memref<128x128xf32, #tpu.memory_space<vmem_shared>>
      tpu.enqueue_dma source(%arg10 : memref<128x128xf32, #tpu.memory_space<vmem>>) target(%dma_start3A_70 : memref<128x128xf32, #tpu.memory_space<vmem_shared>>) target_semaphore(%run_scoped3A : memref<!tpu.dma_semaphore, #tpu.memory_space<semaphore_mem>>)
      %dma_wait3A = arith.constant 0 : i32
      %dma_wait3A_71 = tpu.memref_slice %arg11[%add3A_37, %dma_wait3A] : memref<6280x128xf32, #tpu.memory_space<vmem_shared>> -> memref<128x128xf32, #tpu.memory_space<vmem_shared>>
      %dma_wait3A_72 = arith.constant 0 : i32
      %dma_wait3A_73 = tpu.memref_slice %arg11[%add3A_37, %dma_wait3A_72] : memref<6280x128xf32, #tpu.memory_space<vmem_shared>> -> memref<128x128xf32, #tpu.memory_space<vmem_shared>>
      tpu.wait_dma2 semaphore(%run_scoped3A : memref<!tpu.dma_semaphore, #tpu.memory_space<semaphore_mem>>) src(%arg10 : memref<128x128xf32, #tpu.memory_space<vmem>>) dst(%dma_wait3A_73 : memref<128x128xf32, #tpu.memory_space<vmem_shared>>)
      tpu.yield
    }) : () -> ()
    %add3A_38 = arith.constant 384 : i32
    %add3A_39 = arith.addi %mul3A_0, %add3A_38 : i32
    "tpu.region"() ({
      %run_scoped3A = tpu.sem_alloc : memref<!tpu.dma_semaphore, #tpu.memory_space<semaphore_mem>>
      %dma_start3A = arith.constant 0 : i32
      %dma_start3A_68 = arith.constant 0 : i32
      %dma_start3A_69 = tpu.memref_slice %arg10[%dma_start3A, %dma_start3A_68] : memref<128x128xf32, #tpu.memory_space<vmem>> -> memref<8x128xf32, #tpu.memory_space<vmem>>
      %dma_start3A_70 = arith.constant 0 : i32
      %dma_start3A_71 = tpu.memref_slice %arg11[%add3A_39, %dma_start3A_70] : memref<6280x128xf32, #tpu.memory_space<vmem_shared>> -> memref<8x128xf32, #tpu.memory_space<vmem_shared>>
      %dma_start3A_72 = arith.constant 0 : i32
      %dma_start3A_73 = tpu.memref_slice %arg11[%add3A_39, %dma_start3A_72] : memref<6280x128xf32, #tpu.memory_space<vmem_shared>> -> memref<8x128xf32, #tpu.memory_space<vmem_shared>>
      %dma_start3A_74 = arith.constant 0 : i32
      %dma_start3A_75 = arith.constant 0 : i32
      %dma_start3A_76 = tpu.memref_slice %arg10[%dma_start3A_74, %dma_start3A_75] : memref<128x128xf32, #tpu.memory_space<vmem>> -> memref<8x128xf32, #tpu.memory_space<vmem>>
      tpu.enqueue_dma source(%dma_start3A_76 : memref<8x128xf32, #tpu.memory_space<vmem>>) target(%dma_start3A_73 : memref<8x128xf32, #tpu.memory_space<vmem_shared>>) target_semaphore(%run_scoped3A : memref<!tpu.dma_semaphore, #tpu.memory_space<semaphore_mem>>)
      %dma_wait3A = arith.constant 0 : i32
      %dma_wait3A_77 = arith.constant 0 : i32
      %dma_wait3A_78 = tpu.memref_slice %arg10[%dma_wait3A, %dma_wait3A_77] : memref<128x128xf32, #tpu.memory_space<vmem>> -> memref<8x128xf32, #tpu.memory_space<vmem>>
      %dma_wait3A_79 = arith.constant 0 : i32
      %dma_wait3A_80 = tpu.memref_slice %arg11[%add3A_39, %dma_wait3A_79] : memref<6280x128xf32, #tpu.memory_space<vmem_shared>> -> memref<8x128xf32, #tpu.memory_space<vmem_shared>>
      %dma_wait3A_81 = arith.constant 0 : i32
      %dma_wait3A_82 = tpu.memref_slice %arg11[%add3A_39, %dma_wait3A_81] : memref<6280x128xf32, #tpu.memory_space<vmem_shared>> -> memref<8x128xf32, #tpu.memory_space<vmem_shared>>
      %dma_wait3A_83 = arith.constant 0 : i32
      %dma_wait3A_84 = arith.constant 0 : i32
      %dma_wait3A_85 = tpu.memref_slice %arg10[%dma_wait3A_83, %dma_wait3A_84] : memref<128x128xf32, #tpu.memory_space<vmem>> -> memref<8x128xf32, #tpu.memory_space<vmem>>
      tpu.wait_dma2 semaphore(%run_scoped3A : memref<!tpu.dma_semaphore, #tpu.memory_space<semaphore_mem>>) src(%dma_wait3A_85 : memref<8x128xf32, #tpu.memory_space<vmem>>) dst(%dma_wait3A_82 : memref<8x128xf32, #tpu.memory_space<vmem_shared>>)
      tpu.yield
    }) : () -> ()
    %eq3A_40 = arith.constant 0 : i32
    %eq3A_41 = arith.cmpi eq, %arg1, %eq3A_40 : i32
    %convert_element_type3A_42 = arith.extui %eq3A_41 : i1 to i32
    %cond3A_43 = arith.constant 0 : i32
    %cond3A_44 = arith.cmpi ne, %convert_element_type3A_42, %cond3A_43 : i32
    scf.if %cond3A_44 {
      "tpu.region"() ({
        %run_scoped3A = tpu.sem_alloc : memref<!tpu.dma_semaphore, #tpu.memory_space<semaphore_mem>>
        %dma_start3A = arith.constant 0 : i32
        %dma_start3A_68 = arith.constant 0 : i32
        %dma_start3A_69 = tpu.memref_slice %arg10[%dma_start3A, %dma_start3A_68] : memref<128x128xf32, #tpu.memory_space<vmem>> -> memref<8x128xf32, #tpu.memory_space<vmem>>
        %dma_start3A_70 = arith.constant 6272 : i32
        %dma_start3A_71 = arith.constant 0 : i32
        %dma_start3A_72 = tpu.memref_slice %arg11[%dma_start3A_70, %dma_start3A_71] : memref<6280x128xf32, #tpu.memory_space<vmem_shared>> -> memref<8x128xf32, #tpu.memory_space<vmem_shared>>
        %dma_start3A_73 = arith.constant 6272 : i32
        %dma_start3A_74 = arith.constant 0 : i32
        %dma_start3A_75 = tpu.memref_slice %arg11[%dma_start3A_73, %dma_start3A_74] : memref<6280x128xf32, #tpu.memory_space<vmem_shared>> -> memref<8x128xf32, #tpu.memory_space<vmem_shared>>
        %dma_start3A_76 = arith.constant 0 : i32
        %dma_start3A_77 = arith.constant 0 : i32
        %dma_start3A_78 = tpu.memref_slice %arg10[%dma_start3A_76, %dma_start3A_77] : memref<128x128xf32, #tpu.memory_space<vmem>> -> memref<8x128xf32, #tpu.memory_space<vmem>>
        tpu.enqueue_dma source(%dma_start3A_78 : memref<8x128xf32, #tpu.memory_space<vmem>>) target(%dma_start3A_75 : memref<8x128xf32, #tpu.memory_space<vmem_shared>>) target_semaphore(%run_scoped3A : memref<!tpu.dma_semaphore, #tpu.memory_space<semaphore_mem>>)
        %dma_wait3A = arith.constant 0 : i32
        %dma_wait3A_79 = arith.constant 0 : i32
        %dma_wait3A_80 = tpu.memref_slice %arg10[%dma_wait3A, %dma_wait3A_79] : memref<128x128xf32, #tpu.memory_space<vmem>> -> memref<8x128xf32, #tpu.memory_space<vmem>>
        %dma_wait3A_81 = arith.constant 6272 : i32
        %dma_wait3A_82 = arith.constant 0 : i32
        %dma_wait3A_83 = tpu.memref_slice %arg11[%dma_wait3A_81, %dma_wait3A_82] : memref<6280x128xf32, #tpu.memory_space<vmem_shared>> -> memref<8x128xf32, #tpu.memory_space<vmem_shared>>
        %dma_wait3A_84 = arith.constant 6272 : i32
        %dma_wait3A_85 = arith.constant 0 : i32
        %dma_wait3A_86 = tpu.memref_slice %arg11[%dma_wait3A_84, %dma_wait3A_85] : memref<6280x128xf32, #tpu.memory_space<vmem_shared>> -> memref<8x128xf32, #tpu.memory_space<vmem_shared>>
        %dma_wait3A_87 = arith.constant 0 : i32
        %dma_wait3A_88 = arith.constant 0 : i32
        %dma_wait3A_89 = tpu.memref_slice %arg10[%dma_wait3A_87, %dma_wait3A_88] : memref<128x128xf32, #tpu.memory_space<vmem>> -> memref<8x128xf32, #tpu.memory_space<vmem>>
        tpu.wait_dma2 semaphore(%run_scoped3A : memref<!tpu.dma_semaphore, #tpu.memory_space<semaphore_mem>>) src(%dma_wait3A_89 : memref<8x128xf32, #tpu.memory_space<vmem>>) dst(%dma_wait3A_86 : memref<8x128xf32, #tpu.memory_space<vmem_shared>>)
        tpu.yield
      }) : () -> ()
    } else {
    }
    %barrier3A_45 = arith.constant 0 : index
    tpu.barrier barrier_id(%barrier3A_45)
    %eq3A_46 = arith.constant 0 : i32
    %eq3A_47 = arith.cmpi eq, %arg0, %eq3A_46 : i32
    %convert_element_type3A_48 = arith.extui %eq3A_47 : i1 to i32
    %cond3A_49 = arith.constant 0 : i32
    %cond3A_50 = arith.cmpi ne, %convert_element_type3A_48, %cond3A_49 : i32
    scf.if %cond3A_50 {
      %scan3A = arith.constant 0 : i32
      %scan3A_68 = arith.constant 0 : i32
      %scan3A_69 = arith.constant 391 : i32
      %scan3A_70 = arith.addi %scan3A_68, %scan3A_69 : i32
      %scan3A_71 = arith.constant 1 : i32
      scf.for %scan3A_73 = %scan3A_68 to %scan3A_70 step %scan3A_71  : i32 {
        %mul3A_74 = arith.constant 16 : i32
        %mul3A_75 = arith.muli %scan3A_73, %mul3A_74 : i32
        %add3A_76 = arith.addi %mul3A_75, %arg1 : i32
        %lt3A = arith.constant 6250 : i32
        %lt3A_77 = arith.cmpi slt, %add3A_76, %lt3A : i32
        %convert_element_type3A_78 = arith.extui %lt3A_77 : i1 to i32
        %cond3A_79 = arith.constant 0 : i32
        %cond3A_80 = arith.cmpi ne, %convert_element_type3A_78, %cond3A_79 : i32
        scf.if %cond3A_80 {
          %mul3A_81 = arith.constant 128 : i32
          %mul3A_82 = arith.muli %add3A_76, %mul3A_81 : i32
          %add3A_83 = arith.constant 800000 : i32
          %add3A_84 = arith.addi %add3A_83, %mul3A_82 : i32
          "tpu.region"() ({
            %run_scoped3A = tpu.sem_alloc : memref<!tpu.dma_semaphore, #tpu.memory_space<semaphore_mem>>
            %dma_start3A = tpu.memref_slice %arg4[%add3A_84] : memref<1600000xi32, #tpu.memory_space<hbm>> -> memref<128xi32, #tpu.memory_space<hbm>>
            %dma_start3A_87 = tpu.memref_slice %arg4[%add3A_84] : memref<1600000xi32, #tpu.memory_space<hbm>> -> memref<128xi32, #tpu.memory_space<hbm>>
            tpu.enqueue_dma source(%dma_start3A_87 : memref<128xi32, #tpu.memory_space<hbm>>) target(%arg8 : memref<128xi32, #tpu.memory_space<vmem>>) target_semaphore(%run_scoped3A : memref<!tpu.dma_semaphore, #tpu.memory_space<semaphore_mem>>)
            %dma_wait3A = tpu.memref_slice %arg4[%add3A_84] : memref<1600000xi32, #tpu.memory_space<hbm>> -> memref<128xi32, #tpu.memory_space<hbm>>
            %dma_wait3A_88 = tpu.memref_slice %arg4[%add3A_84] : memref<1600000xi32, #tpu.memory_space<hbm>> -> memref<128xi32, #tpu.memory_space<hbm>>
            tpu.wait_dma2 semaphore(%run_scoped3A : memref<!tpu.dma_semaphore, #tpu.memory_space<semaphore_mem>>) src(%dma_wait3A_88 : memref<128xi32, #tpu.memory_space<hbm>>) dst(%arg8 : memref<128xi32, #tpu.memory_space<vmem>>)
            tpu.yield
          }) : () -> ()
          %mul3A_85 = arith.constant 128 : i32
          %mul3A_86 = arith.muli %add3A_76, %mul3A_85 : i32
          "tpu.region"() ({
            %run_scoped3A = tpu.sem_alloc : memref<!tpu.dma_semaphore, #tpu.memory_space<semaphore_mem>>
            %dma_start3A = arith.constant 0 : i32
            %dma_start3A_87 = tpu.memref_slice %arg2[%mul3A_86, %dma_start3A] : memref<800000x128xf32, #tpu.memory_space<hbm>> -> memref<128x128xf32, #tpu.memory_space<hbm>>
            %dma_start3A_88 = arith.constant 0 : i32
            %dma_start3A_89 = tpu.memref_slice %arg2[%mul3A_86, %dma_start3A_88] : memref<800000x128xf32, #tpu.memory_space<hbm>> -> memref<128x128xf32, #tpu.memory_space<hbm>>
            tpu.enqueue_dma source(%dma_start3A_89 : memref<128x128xf32, #tpu.memory_space<hbm>>) target(%arg9 : memref<128x128xf32, #tpu.memory_space<vmem>>) target_semaphore(%run_scoped3A : memref<!tpu.dma_semaphore, #tpu.memory_space<semaphore_mem>>)
            %dma_wait3A = arith.constant 0 : i32
            %dma_wait3A_90 = tpu.memref_slice %arg2[%mul3A_86, %dma_wait3A] : memref<800000x128xf32, #tpu.memory_space<hbm>> -> memref<128x128xf32, #tpu.memory_space<hbm>>
            %dma_wait3A_91 = arith.constant 0 : i32
            %dma_wait3A_92 = tpu.memref_slice %arg2[%mul3A_86, %dma_wait3A_91] : memref<800000x128xf32, #tpu.memory_space<hbm>> -> memref<128x128xf32, #tpu.memory_space<hbm>>
            tpu.wait_dma2 semaphore(%run_scoped3A : memref<!tpu.dma_semaphore, #tpu.memory_space<semaphore_mem>>) src(%dma_wait3A_92 : memref<128x128xf32, #tpu.memory_space<hbm>>) dst(%arg9 : memref<128x128xf32, #tpu.memory_space<vmem>>)
            tpu.yield
          }) : () -> ()
          "tpu.region"() ({
            %run_scoped3A = tpu.sem_alloc : memref<!tpu.dma_semaphore, #tpu.memory_space<semaphore_mem>>
            %dma_start3A = arith.constant 0 : i32
            %dma_start3A_87 = arith.constant 0 : i32
            %dma_start3A_88 = tpu.memref_slice %arg11[%dma_start3A, %dma_start3A_87] : memref<6280x128xf32, #tpu.memory_space<vmem_shared>> -> memref<6280x128xf32, #tpu.memory_space<vmem_shared>>
            tpu.enqueue_indirect_dma source(%arg9 : memref<128x128xf32, #tpu.memory_space<vmem>>) target(%dma_start3A_88 : memref<6280x128xf32, #tpu.memory_space<vmem_shared>>) offsets(%arg8 : memref<128xi32, #tpu.memory_space<vmem>>) semaphore(%run_scoped3A : memref<!tpu.dma_semaphore, #tpu.memory_space<semaphore_mem>>) {add = true}
            %dma_wait3A = arith.constant 0 : i32
            %dma_wait3A_89 = arith.constant 0 : i32
            %dma_wait3A_90 = tpu.memref_slice %arg11[%dma_wait3A, %dma_wait3A_89] : memref<6280x128xf32, #tpu.memory_space<vmem_shared>> -> memref<6280x128xf32, #tpu.memory_space<vmem_shared>>
            tpu.wait_indirect_dma semaphore(%run_scoped3A : memref<!tpu.dma_semaphore, #tpu.memory_space<semaphore_mem>>) src(%arg9 : memref<128x128xf32, #tpu.memory_space<vmem>>) dst(%dma_wait3A_90 : memref<6280x128xf32, #tpu.memory_space<vmem_shared>>)
            tpu.yield
          }) : () -> ()
        } else {
        }
      }
      %scan3A_72 = arith.constant 391 : i32
    } else {
    }
    %eq3A_51 = arith.constant 1 : i32
    %eq3A_52 = arith.cmpi eq, %arg0, %eq3A_51 : i32
    %convert_element_type3A_53 = arith.extui %eq3A_52 : i1 to i32
    %cond3A_54 = arith.constant 0 : i32
    %cond3A_55 = arith.cmpi ne, %convert_element_type3A_53, %cond3A_54 : i32
    scf.if %cond3A_55 {
      %scan3A = arith.constant 0 : i32
      %scan3A_68 = arith.constant 0 : i32
      %scan3A_69 = arith.constant 391 : i32
      %scan3A_70 = arith.addi %scan3A_68, %scan3A_69 : i32
      %scan3A_71 = arith.constant 1 : i32
      scf.for %scan3A_73 = %scan3A_68 to %scan3A_70 step %scan3A_71  : i32 {
        %mul3A_74 = arith.constant 16 : i32
        %mul3A_75 = arith.muli %scan3A_73, %mul3A_74 : i32
        %add3A_76 = arith.addi %mul3A_75, %arg1 : i32
        %lt3A = arith.constant 6250 : i32
        %lt3A_77 = arith.cmpi slt, %add3A_76, %lt3A : i32
        %convert_element_type3A_78 = arith.extui %lt3A_77 : i1 to i32
        %cond3A_79 = arith.constant 0 : i32
        %cond3A_80 = arith.cmpi ne, %convert_element_type3A_78, %cond3A_79 : i32
        scf.if %cond3A_80 {
          %mul3A_81 = arith.constant 128 : i32
          %mul3A_82 = arith.muli %add3A_76, %mul3A_81 : i32
          %add3A_83 = arith.constant 800000 : i32
          %add3A_84 = arith.addi %add3A_83, %mul3A_82 : i32
          "tpu.region"() ({
            %run_scoped3A = tpu.sem_alloc : memref<!tpu.dma_semaphore, #tpu.memory_space<semaphore_mem>>
            %dma_start3A = tpu.memref_slice %arg4[%add3A_84] : memref<1600000xi32, #tpu.memory_space<hbm>> -> memref<128xi32, #tpu.memory_space<hbm>>
            %dma_start3A_87 = tpu.memref_slice %arg4[%add3A_84] : memref<1600000xi32, #tpu.memory_space<hbm>> -> memref<128xi32, #tpu.memory_space<hbm>>
            tpu.enqueue_dma source(%dma_start3A_87 : memref<128xi32, #tpu.memory_space<hbm>>) target(%arg8 : memref<128xi32, #tpu.memory_space<vmem>>) target_semaphore(%run_scoped3A : memref<!tpu.dma_semaphore, #tpu.memory_space<semaphore_mem>>)
            %dma_wait3A = tpu.memref_slice %arg4[%add3A_84] : memref<1600000xi32, #tpu.memory_space<hbm>> -> memref<128xi32, #tpu.memory_space<hbm>>
            %dma_wait3A_88 = tpu.memref_slice %arg4[%add3A_84] : memref<1600000xi32, #tpu.memory_space<hbm>> -> memref<128xi32, #tpu.memory_space<hbm>>
            tpu.wait_dma2 semaphore(%run_scoped3A : memref<!tpu.dma_semaphore, #tpu.memory_space<semaphore_mem>>) src(%dma_wait3A_88 : memref<128xi32, #tpu.memory_space<hbm>>) dst(%arg8 : memref<128xi32, #tpu.memory_space<vmem>>)
            tpu.yield
          }) : () -> ()
          %mul3A_85 = arith.constant 128 : i32
          %mul3A_86 = arith.muli %add3A_76, %mul3A_85 : i32
          "tpu.region"() ({
            %run_scoped3A = tpu.sem_alloc : memref<!tpu.dma_semaphore, #tpu.memory_space<semaphore_mem>>
            %dma_start3A = arith.constant 0 : i32
            %dma_start3A_87 = tpu.memref_slice %arg3[%mul3A_86, %dma_start3A] : memref<800000x128xf32, #tpu.memory_space<hbm>> -> memref<128x128xf32, #tpu.memory_space<hbm>>
            %dma_start3A_88 = arith.constant 0 : i32
            %dma_start3A_89 = tpu.memref_slice %arg3[%mul3A_86, %dma_start3A_88] : memref<800000x128xf32, #tpu.memory_space<hbm>> -> memref<128x128xf32, #tpu.memory_space<hbm>>
            tpu.enqueue_dma source(%dma_start3A_89 : memref<128x128xf32, #tpu.memory_space<hbm>>) target(%arg9 : memref<128x128xf32, #tpu.memory_space<vmem>>) target_semaphore(%run_scoped3A : memref<!tpu.dma_semaphore, #tpu.memory_space<semaphore_mem>>)
            %dma_wait3A = arith.constant 0 : i32
            %dma_wait3A_90 = tpu.memref_slice %arg3[%mul3A_86, %dma_wait3A] : memref<800000x128xf32, #tpu.memory_space<hbm>> -> memref<128x128xf32, #tpu.memory_space<hbm>>
            %dma_wait3A_91 = arith.constant 0 : i32
            %dma_wait3A_92 = tpu.memref_slice %arg3[%mul3A_86, %dma_wait3A_91] : memref<800000x128xf32, #tpu.memory_space<hbm>> -> memref<128x128xf32, #tpu.memory_space<hbm>>
            tpu.wait_dma2 semaphore(%run_scoped3A : memref<!tpu.dma_semaphore, #tpu.memory_space<semaphore_mem>>) src(%dma_wait3A_92 : memref<128x128xf32, #tpu.memory_space<hbm>>) dst(%arg9 : memref<128x128xf32, #tpu.memory_space<vmem>>)
            tpu.yield
          }) : () -> ()
          "tpu.region"() ({
            %run_scoped3A = tpu.sem_alloc : memref<!tpu.dma_semaphore, #tpu.memory_space<semaphore_mem>>
            %dma_start3A = arith.constant 0 : i32
            %dma_start3A_87 = arith.constant 0 : i32
            %dma_start3A_88 = tpu.memref_slice %arg11[%dma_start3A, %dma_start3A_87] : memref<6280x128xf32, #tpu.memory_space<vmem_shared>> -> memref<6280x128xf32, #tpu.memory_space<vmem_shared>>
            tpu.enqueue_indirect_dma source(%arg9 : memref<128x128xf32, #tpu.memory_space<vmem>>) target(%dma_start3A_88 : memref<6280x128xf32, #tpu.memory_space<vmem_shared>>) offsets(%arg8 : memref<128xi32, #tpu.memory_space<vmem>>) semaphore(%run_scoped3A : memref<!tpu.dma_semaphore, #tpu.memory_space<semaphore_mem>>) {add = true}
            %dma_wait3A = arith.constant 0 : i32
            %dma_wait3A_89 = arith.constant 0 : i32
            %dma_wait3A_90 = tpu.memref_slice %arg11[%dma_wait3A, %dma_wait3A_89] : memref<6280x128xf32, #tpu.memory_space<vmem_shared>> -> memref<6280x128xf32, #tpu.memory_space<vmem_shared>>
            tpu.wait_indirect_dma semaphore(%run_scoped3A : memref<!tpu.dma_semaphore, #tpu.memory_space<semaphore_mem>>) src(%arg9 : memref<128x128xf32, #tpu.memory_space<vmem>>) dst(%dma_wait3A_90 : memref<6280x128xf32, #tpu.memory_space<vmem_shared>>)
            tpu.yield
          }) : () -> ()
        } else {
        }
      }
      %scan3A_72 = arith.constant 391 : i32
    } else {
    }
    %barrier3A_56 = arith.constant 0 : index
    tpu.barrier barrier_id(%barrier3A_56)
    %eq3A_57 = arith.constant 0 : i32
    %eq3A_58 = arith.cmpi eq, %arg0, %eq3A_57 : i32
    %convert_element_type3A_59 = arith.extui %eq3A_58 : i1 to i32
    %cond3A_60 = arith.constant 0 : i32
    %cond3A_61 = arith.cmpi ne, %convert_element_type3A_59, %cond3A_60 : i32
    scf.if %cond3A_61 {
      %add3A_68 = arith.constant 0 : i32
      %add3A_69 = arith.addi %mul3A_0, %add3A_68 : i32
      "tpu.region"() ({
        %run_scoped3A = tpu.sem_alloc : memref<!tpu.dma_semaphore, #tpu.memory_space<semaphore_mem>>
        %dma_start3A = arith.constant 0 : i32
        %dma_start3A_92 = tpu.memref_slice %arg11[%add3A_69, %dma_start3A] : memref<6280x128xf32, #tpu.memory_space<vmem_shared>> -> memref<128x128xf32, #tpu.memory_space<vmem_shared>>
        %dma_start3A_93 = arith.constant 0 : i32
        %dma_start3A_94 = tpu.memref_slice %arg11[%add3A_69, %dma_start3A_93] : memref<6280x128xf32, #tpu.memory_space<vmem_shared>> -> memref<128x128xf32, #tpu.memory_space<vmem_shared>>
        tpu.enqueue_dma source(%dma_start3A_94 : memref<128x128xf32, #tpu.memory_space<vmem_shared>>) target(%arg9 : memref<128x128xf32, #tpu.memory_space<vmem>>) target_semaphore(%run_scoped3A : memref<!tpu.dma_semaphore, #tpu.memory_space<semaphore_mem>>)
        %dma_wait3A = arith.constant 0 : i32
        %dma_wait3A_95 = tpu.memref_slice %arg11[%add3A_69, %dma_wait3A] : memref<6280x128xf32, #tpu.memory_space<vmem_shared>> -> memref<128x128xf32, #tpu.memory_space<vmem_shared>>
        %dma_wait3A_96 = arith.constant 0 : i32
        %dma_wait3A_97 = tpu.memref_slice %arg11[%add3A_69, %dma_wait3A_96] : memref<6280x128xf32, #tpu.memory_space<vmem_shared>> -> memref<128x128xf32, #tpu.memory_space<vmem_shared>>
        tpu.wait_dma2 semaphore(%run_scoped3A : memref<!tpu.dma_semaphore, #tpu.memory_space<semaphore_mem>>) src(%dma_wait3A_97 : memref<128x128xf32, #tpu.memory_space<vmem_shared>>) dst(%arg9 : memref<128x128xf32, #tpu.memory_space<vmem>>)
        tpu.yield
      }) : () -> ()
      %add3A_70 = arith.constant 6272 : i32
      %add3A_71 = arith.addi %add3A_70, %mul3A_0 : i32
      %add3A_72 = arith.constant 0 : i32
      %add3A_73 = arith.addi %add3A_71, %add3A_72 : i32
      "tpu.region"() ({
        %run_scoped3A = tpu.sem_alloc : memref<!tpu.dma_semaphore, #tpu.memory_space<semaphore_mem>>
        %dma_start3A = arith.constant 0 : i32
        %dma_start3A_92 = tpu.memref_slice %arg6[%add3A_73, %dma_start3A] : memref<12544x128xf32, #tpu.memory_space<hbm>> -> memref<128x128xf32, #tpu.memory_space<hbm>>
        %dma_start3A_93 = arith.constant 0 : i32
        %dma_start3A_94 = tpu.memref_slice %arg6[%add3A_73, %dma_start3A_93] : memref<12544x128xf32, #tpu.memory_space<hbm>> -> memref<128x128xf32, #tpu.memory_space<hbm>>
        tpu.enqueue_dma source(%arg9 : memref<128x128xf32, #tpu.memory_space<vmem>>) target(%dma_start3A_94 : memref<128x128xf32, #tpu.memory_space<hbm>>) target_semaphore(%run_scoped3A : memref<!tpu.dma_semaphore, #tpu.memory_space<semaphore_mem>>)
        %dma_wait3A = arith.constant 0 : i32
        %dma_wait3A_95 = tpu.memref_slice %arg6[%add3A_73, %dma_wait3A] : memref<12544x128xf32, #tpu.memory_space<hbm>> -> memref<128x128xf32, #tpu.memory_space<hbm>>
        %dma_wait3A_96 = arith.constant 0 : i32
        %dma_wait3A_97 = tpu.memref_slice %arg6[%add3A_73, %dma_wait3A_96] : memref<12544x128xf32, #tpu.memory_space<hbm>> -> memref<128x128xf32, #tpu.memory_space<hbm>>
        tpu.wait_dma2 semaphore(%run_scoped3A : memref<!tpu.dma_semaphore, #tpu.memory_space<semaphore_mem>>) src(%arg9 : memref<128x128xf32, #tpu.memory_space<vmem>>) dst(%dma_wait3A_97 : memref<128x128xf32, #tpu.memory_space<hbm>>)
        tpu.yield
      }) : () -> ()
      %add3A_74 = arith.constant 128 : i32
      %add3A_75 = arith.addi %mul3A_0, %add3A_74 : i32
      "tpu.region"() ({
        %run_scoped3A = tpu.sem_alloc : memref<!tpu.dma_semaphore, #tpu.memory_space<semaphore_mem>>
        %dma_start3A = arith.constant 0 : i32
        %dma_start3A_92 = tpu.memref_slice %arg11[%add3A_75, %dma_start3A] : memref<6280x128xf32, #tpu.memory_space<vmem_shared>> -> memref<128x128xf32, #tpu.memory_space<vmem_shared>>
        %dma_start3A_93 = arith.constant 0 : i32
        %dma_start3A_94 = tpu.memref_slice %arg11[%add3A_75, %dma_start3A_93] : memref<6280x128xf32, #tpu.memory_space<vmem_shared>> -> memref<128x128xf32, #tpu.memory_space<vmem_shared>>
        tpu.enqueue_dma source(%dma_start3A_94 : memref<128x128xf32, #tpu.memory_space<vmem_shared>>) target(%arg9 : memref<128x128xf32, #tpu.memory_space<vmem>>) target_semaphore(%run_scoped3A : memref<!tpu.dma_semaphore, #tpu.memory_space<semaphore_mem>>)
        %dma_wait3A = arith.constant 0 : i32
        %dma_wait3A_95 = tpu.memref_slice %arg11[%add3A_75, %dma_wait3A] : memref<6280x128xf32, #tpu.memory_space<vmem_shared>> -> memref<128x128xf32, #tpu.memory_space<vmem_shared>>
        %dma_wait3A_96 = arith.constant 0 : i32
        %dma_wait3A_97 = tpu.memref_slice %arg11[%add3A_75, %dma_wait3A_96] : memref<6280x128xf32, #tpu.memory_space<vmem_shared>> -> memref<128x128xf32, #tpu.memory_space<vmem_shared>>
        tpu.wait_dma2 semaphore(%run_scoped3A : memref<!tpu.dma_semaphore, #tpu.memory_space<semaphore_mem>>) src(%dma_wait3A_97 : memref<128x128xf32, #tpu.memory_space<vmem_shared>>) dst(%arg9 : memref<128x128xf32, #tpu.memory_space<vmem>>)
        tpu.yield
      }) : () -> ()
      %add3A_76 = arith.constant 6272 : i32
      %add3A_77 = arith.addi %add3A_76, %mul3A_0 : i32
      %add3A_78 = arith.constant 128 : i32
      %add3A_79 = arith.addi %add3A_77, %add3A_78 : i32
      "tpu.region"() ({
        %run_scoped3A = tpu.sem_alloc : memref<!tpu.dma_semaphore, #tpu.memory_space<semaphore_mem>>
        %dma_start3A = arith.constant 0 : i32
        %dma_start3A_92 = tpu.memref_slice %arg6[%add3A_79, %dma_start3A] : memref<12544x128xf32, #tpu.memory_space<hbm>> -> memref<128x128xf32, #tpu.memory_space<hbm>>
        %dma_start3A_93 = arith.constant 0 : i32
        %dma_start3A_94 = tpu.memref_slice %arg6[%add3A_79, %dma_start3A_93] : memref<12544x128xf32, #tpu.memory_space<hbm>> -> memref<128x128xf32, #tpu.memory_space<hbm>>
        tpu.enqueue_dma source(%arg9 : memref<128x128xf32, #tpu.memory_space<vmem>>) target(%dma_start3A_94 : memref<128x128xf32, #tpu.memory_space<hbm>>) target_semaphore(%run_scoped3A : memref<!tpu.dma_semaphore, #tpu.memory_space<semaphore_mem>>)
        %dma_wait3A = arith.constant 0 : i32
        %dma_wait3A_95 = tpu.memref_slice %arg6[%add3A_79, %dma_wait3A] : memref<12544x128xf32, #tpu.memory_space<hbm>> -> memref<128x128xf32, #tpu.memory_space<hbm>>
        %dma_wait3A_96 = arith.constant 0 : i32
        %dma_wait3A_97 = tpu.memref_slice %arg6[%add3A_79, %dma_wait3A_96] : memref<12544x128xf32, #tpu.memory_space<hbm>> -> memref<128x128xf32, #tpu.memory_space<hbm>>
        tpu.wait_dma2 semaphore(%run_scoped3A : memref<!tpu.dma_semaphore, #tpu.memory_space<semaphore_mem>>) src(%arg9 : memref<128x128xf32, #tpu.memory_space<vmem>>) dst(%dma_wait3A_97 : memref<128x128xf32, #tpu.memory_space<hbm>>)
        tpu.yield
      }) : () -> ()
      %add3A_80 = arith.constant 256 : i32
      %add3A_81 = arith.addi %mul3A_0, %add3A_80 : i32
      "tpu.region"() ({
        %run_scoped3A = tpu.sem_alloc : memref<!tpu.dma_semaphore, #tpu.memory_space<semaphore_mem>>
        %dma_start3A = arith.constant 0 : i32
        %dma_start3A_92 = tpu.memref_slice %arg11[%add3A_81, %dma_start3A] : memref<6280x128xf32, #tpu.memory_space<vmem_shared>> -> memref<128x128xf32, #tpu.memory_space<vmem_shared>>
        %dma_start3A_93 = arith.constant 0 : i32
        %dma_start3A_94 = tpu.memref_slice %arg11[%add3A_81, %dma_start3A_93] : memref<6280x128xf32, #tpu.memory_space<vmem_shared>> -> memref<128x128xf32, #tpu.memory_space<vmem_shared>>
        tpu.enqueue_dma source(%dma_start3A_94 : memref<128x128xf32, #tpu.memory_space<vmem_shared>>) target(%arg9 : memref<128x128xf32, #tpu.memory_space<vmem>>) target_semaphore(%run_scoped3A : memref<!tpu.dma_semaphore, #tpu.memory_space<semaphore_mem>>)
        %dma_wait3A = arith.constant 0 : i32
        %dma_wait3A_95 = tpu.memref_slice %arg11[%add3A_81, %dma_wait3A] : memref<6280x128xf32, #tpu.memory_space<vmem_shared>> -> memref<128x128xf32, #tpu.memory_space<vmem_shared>>
        %dma_wait3A_96 = arith.constant 0 : i32
        %dma_wait3A_97 = tpu.memref_slice %arg11[%add3A_81, %dma_wait3A_96] : memref<6280x128xf32, #tpu.memory_space<vmem_shared>> -> memref<128x128xf32, #tpu.memory_space<vmem_shared>>
        tpu.wait_dma2 semaphore(%run_scoped3A : memref<!tpu.dma_semaphore, #tpu.memory_space<semaphore_mem>>) src(%dma_wait3A_97 : memref<128x128xf32, #tpu.memory_space<vmem_shared>>) dst(%arg9 : memref<128x128xf32, #tpu.memory_space<vmem>>)
        tpu.yield
      }) : () -> ()
      %add3A_82 = arith.constant 6272 : i32
      %add3A_83 = arith.addi %add3A_82, %mul3A_0 : i32
      %add3A_84 = arith.constant 256 : i32
      %add3A_85 = arith.addi %add3A_83, %add3A_84 : i32
      "tpu.region"() ({
        %run_scoped3A = tpu.sem_alloc : memref<!tpu.dma_semaphore, #tpu.memory_space<semaphore_mem>>
        %dma_start3A = arith.constant 0 : i32
        %dma_start3A_92 = tpu.memref_slice %arg6[%add3A_85, %dma_start3A] : memref<12544x128xf32, #tpu.memory_space<hbm>> -> memref<128x128xf32, #tpu.memory_space<hbm>>
        %dma_start3A_93 = arith.constant 0 : i32
        %dma_start3A_94 = tpu.memref_slice %arg6[%add3A_85, %dma_start3A_93] : memref<12544x128xf32, #tpu.memory_space<hbm>> -> memref<128x128xf32, #tpu.memory_space<hbm>>
        tpu.enqueue_dma source(%arg9 : memref<128x128xf32, #tpu.memory_space<vmem>>) target(%dma_start3A_94 : memref<128x128xf32, #tpu.memory_space<hbm>>) target_semaphore(%run_scoped3A : memref<!tpu.dma_semaphore, #tpu.memory_space<semaphore_mem>>)
        %dma_wait3A = arith.constant 0 : i32
        %dma_wait3A_95 = tpu.memref_slice %arg6[%add3A_85, %dma_wait3A] : memref<12544x128xf32, #tpu.memory_space<hbm>> -> memref<128x128xf32, #tpu.memory_space<hbm>>
        %dma_wait3A_96 = arith.constant 0 : i32
        %dma_wait3A_97 = tpu.memref_slice %arg6[%add3A_85, %dma_wait3A_96] : memref<12544x128xf32, #tpu.memory_space<hbm>> -> memref<128x128xf32, #tpu.memory_space<hbm>>
        tpu.wait_dma2 semaphore(%run_scoped3A : memref<!tpu.dma_semaphore, #tpu.memory_space<semaphore_mem>>) src(%arg9 : memref<128x128xf32, #tpu.memory_space<vmem>>) dst(%dma_wait3A_97 : memref<128x128xf32, #tpu.memory_space<hbm>>)
        tpu.yield
      }) : () -> ()
      %add3A_86 = arith.constant 384 : i32
      %add3A_87 = arith.addi %mul3A_0, %add3A_86 : i32
      "tpu.region"() ({
        %run_scoped3A = tpu.sem_alloc : memref<!tpu.dma_semaphore, #tpu.memory_space<semaphore_mem>>
        %dma_start3A = arith.constant 0 : i32
        %dma_start3A_92 = arith.constant 0 : i32
        %dma_start3A_93 = tpu.memref_slice %arg9[%dma_start3A, %dma_start3A_92] : memref<128x128xf32, #tpu.memory_space<vmem>> -> memref<8x128xf32, #tpu.memory_space<vmem>>
        %dma_start3A_94 = arith.constant 0 : i32
        %dma_start3A_95 = tpu.memref_slice %arg11[%add3A_87, %dma_start3A_94] : memref<6280x128xf32, #tpu.memory_space<vmem_shared>> -> memref<8x128xf32, #tpu.memory_space<vmem_shared>>
        %dma_start3A_96 = arith.constant 0 : i32
        %dma_start3A_97 = arith.constant 0 : i32
        %dma_start3A_98 = tpu.memref_slice %arg9[%dma_start3A_96, %dma_start3A_97] : memref<128x128xf32, #tpu.memory_space<vmem>> -> memref<8x128xf32, #tpu.memory_space<vmem>>
        %dma_start3A_99 = arith.constant 0 : i32
        %dma_start3A_100 = tpu.memref_slice %arg11[%add3A_87, %dma_start3A_99] : memref<6280x128xf32, #tpu.memory_space<vmem_shared>> -> memref<8x128xf32, #tpu.memory_space<vmem_shared>>
        tpu.enqueue_dma source(%dma_start3A_100 : memref<8x128xf32, #tpu.memory_space<vmem_shared>>) target(%dma_start3A_98 : memref<8x128xf32, #tpu.memory_space<vmem>>) target_semaphore(%run_scoped3A : memref<!tpu.dma_semaphore, #tpu.memory_space<semaphore_mem>>)
        %dma_wait3A = arith.constant 0 : i32
        %dma_wait3A_101 = arith.constant 0 : i32
        %dma_wait3A_102 = tpu.memref_slice %arg9[%dma_wait3A, %dma_wait3A_101] : memref<128x128xf32, #tpu.memory_space<vmem>> -> memref<8x128xf32, #tpu.memory_space<vmem>>
        %dma_wait3A_103 = arith.constant 0 : i32
        %dma_wait3A_104 = tpu.memref_slice %arg11[%add3A_87, %dma_wait3A_103] : memref<6280x128xf32, #tpu.memory_space<vmem_shared>> -> memref<8x128xf32, #tpu.memory_space<vmem_shared>>
        %dma_wait3A_105 = arith.constant 0 : i32
        %dma_wait3A_106 = arith.constant 0 : i32
        %dma_wait3A_107 = tpu.memref_slice %arg9[%dma_wait3A_105, %dma_wait3A_106] : memref<128x128xf32, #tpu.memory_space<vmem>> -> memref<8x128xf32, #tpu.memory_space<vmem>>
        %dma_wait3A_108 = arith.constant 0 : i32
        %dma_wait3A_109 = tpu.memref_slice %arg11[%add3A_87, %dma_wait3A_108] : memref<6280x128xf32, #tpu.memory_space<vmem_shared>> -> memref<8x128xf32, #tpu.memory_space<vmem_shared>>
        tpu.wait_dma2 semaphore(%run_scoped3A : memref<!tpu.dma_semaphore, #tpu.memory_space<semaphore_mem>>) src(%dma_wait3A_109 : memref<8x128xf32, #tpu.memory_space<vmem_shared>>) dst(%dma_wait3A_107 : memref<8x128xf32, #tpu.memory_space<vmem>>)
        tpu.yield
      }) : () -> ()
      %add3A_88 = arith.constant 6272 : i32
      %add3A_89 = arith.addi %add3A_88, %mul3A_0 : i32
      %add3A_90 = arith.constant 384 : i32
      %add3A_91 = arith.addi %add3A_89, %add3A_90 : i32
      "tpu.region"() ({
        %run_scoped3A = tpu.sem_alloc : memref<!tpu.dma_semaphore, #tpu.memory_space<semaphore_mem>>
        %dma_start3A = arith.constant 0 : i32
        %dma_start3A_92 = arith.constant 0 : i32
        %dma_start3A_93 = tpu.memref_slice %arg9[%dma_start3A, %dma_start3A_92] : memref<128x128xf32, #tpu.memory_space<vmem>> -> memref<8x128xf32, #tpu.memory_space<vmem>>
        %dma_start3A_94 = arith.constant 0 : i32
        %dma_start3A_95 = tpu.memref_slice %arg6[%add3A_91, %dma_start3A_94] : memref<12544x128xf32, #tpu.memory_space<hbm>> -> memref<8x128xf32, #tpu.memory_space<hbm>>
        %dma_start3A_96 = arith.constant 0 : i32
        %dma_start3A_97 = tpu.memref_slice %arg6[%add3A_91, %dma_start3A_96] : memref<12544x128xf32, #tpu.memory_space<hbm>> -> memref<8x128xf32, #tpu.memory_space<hbm>>
        %dma_start3A_98 = arith.constant 0 : i32
        %dma_start3A_99 = arith.constant 0 : i32
        %dma_start3A_100 = tpu.memref_slice %arg9[%dma_start3A_98, %dma_start3A_99] : memref<128x128xf32, #tpu.memory_space<vmem>> -> memref<8x128xf32, #tpu.memory_space<vmem>>
        tpu.enqueue_dma source(%dma_start3A_100 : memref<8x128xf32, #tpu.memory_space<vmem>>) target(%dma_start3A_97 : memref<8x128xf32, #tpu.memory_space<hbm>>) target_semaphore(%run_scoped3A : memref<!tpu.dma_semaphore, #tpu.memory_space<semaphore_mem>>)
        %dma_wait3A = arith.constant 0 : i32
        %dma_wait3A_101 = arith.constant 0 : i32
        %dma_wait3A_102 = tpu.memref_slice %arg9[%dma_wait3A, %dma_wait3A_101] : memref<128x128xf32, #tpu.memory_space<vmem>> -> memref<8x128xf32, #tpu.memory_space<vmem>>
        %dma_wait3A_103 = arith.constant 0 : i32
        %dma_wait3A_104 = tpu.memref_slice %arg6[%add3A_91, %dma_wait3A_103] : memref<12544x128xf32, #tpu.memory_space<hbm>> -> memref<8x128xf32, #tpu.memory_space<hbm>>
        %dma_wait3A_105 = arith.constant 0 : i32
        %dma_wait3A_106 = tpu.memref_slice %arg6[%add3A_91, %dma_wait3A_105] : memref<12544x128xf32, #tpu.memory_space<hbm>> -> memref<8x128xf32, #tpu.memory_space<hbm>>
        %dma_wait3A_107 = arith.constant 0 : i32
        %dma_wait3A_108 = arith.constant 0 : i32
        %dma_wait3A_109 = tpu.memref_slice %arg9[%dma_wait3A_107, %dma_wait3A_108] : memref<128x128xf32, #tpu.memory_space<vmem>> -> memref<8x128xf32, #tpu.memory_space<vmem>>
        tpu.wait_dma2 semaphore(%run_scoped3A : memref<!tpu.dma_semaphore, #tpu.memory_space<semaphore_mem>>) src(%dma_wait3A_109 : memref<8x128xf32, #tpu.memory_space<vmem>>) dst(%dma_wait3A_106 : memref<8x128xf32, #tpu.memory_space<hbm>>)
        tpu.yield
      }) : () -> ()
    } else {
    }
    %eq3A_62 = arith.constant 1 : i32
    %eq3A_63 = arith.cmpi eq, %arg0, %eq3A_62 : i32
    %convert_element_type3A_64 = arith.extui %eq3A_63 : i1 to i32
    %cond3A_65 = arith.constant 0 : i32
    %cond3A_66 = arith.cmpi ne, %convert_element_type3A_64, %cond3A_65 : i32
    scf.if %cond3A_66 {
      %add3A_68 = arith.constant 0 : i32
      %add3A_69 = arith.addi %mul3A_0, %add3A_68 : i32
      "tpu.region"() ({
        %run_scoped3A = tpu.sem_alloc : memref<!tpu.dma_semaphore, #tpu.memory_space<semaphore_mem>>
        %dma_start3A = arith.constant 0 : i32
        %dma_start3A_92 = tpu.memref_slice %arg11[%add3A_69, %dma_start3A] : memref<6280x128xf32, #tpu.memory_space<vmem_shared>> -> memref<128x128xf32, #tpu.memory_space<vmem_shared>>
        %dma_start3A_93 = arith.constant 0 : i32
        %dma_start3A_94 = tpu.memref_slice %arg11[%add3A_69, %dma_start3A_93] : memref<6280x128xf32, #tpu.memory_space<vmem_shared>> -> memref<128x128xf32, #tpu.memory_space<vmem_shared>>
        tpu.enqueue_dma source(%dma_start3A_94 : memref<128x128xf32, #tpu.memory_space<vmem_shared>>) target(%arg9 : memref<128x128xf32, #tpu.memory_space<vmem>>) target_semaphore(%run_scoped3A : memref<!tpu.dma_semaphore, #tpu.memory_space<semaphore_mem>>)
        %dma_wait3A = arith.constant 0 : i32
        %dma_wait3A_95 = tpu.memref_slice %arg11[%add3A_69, %dma_wait3A] : memref<6280x128xf32, #tpu.memory_space<vmem_shared>> -> memref<128x128xf32, #tpu.memory_space<vmem_shared>>
        %dma_wait3A_96 = arith.constant 0 : i32
        %dma_wait3A_97 = tpu.memref_slice %arg11[%add3A_69, %dma_wait3A_96] : memref<6280x128xf32, #tpu.memory_space<vmem_shared>> -> memref<128x128xf32, #tpu.memory_space<vmem_shared>>
        tpu.wait_dma2 semaphore(%run_scoped3A : memref<!tpu.dma_semaphore, #tpu.memory_space<semaphore_mem>>) src(%dma_wait3A_97 : memref<128x128xf32, #tpu.memory_space<vmem_shared>>) dst(%arg9 : memref<128x128xf32, #tpu.memory_space<vmem>>)
        tpu.yield
      }) : () -> ()
      %add3A_70 = arith.constant 6272 : i32
      %add3A_71 = arith.addi %add3A_70, %mul3A_0 : i32
      %add3A_72 = arith.constant 0 : i32
      %add3A_73 = arith.addi %add3A_71, %add3A_72 : i32
      "tpu.region"() ({
        %run_scoped3A = tpu.sem_alloc : memref<!tpu.dma_semaphore, #tpu.memory_space<semaphore_mem>>
        %dma_start3A = arith.constant 0 : i32
        %dma_start3A_92 = tpu.memref_slice %arg7[%add3A_73, %dma_start3A] : memref<12544x128xf32, #tpu.memory_space<hbm>> -> memref<128x128xf32, #tpu.memory_space<hbm>>
        %dma_start3A_93 = arith.constant 0 : i32
        %dma_start3A_94 = tpu.memref_slice %arg7[%add3A_73, %dma_start3A_93] : memref<12544x128xf32, #tpu.memory_space<hbm>> -> memref<128x128xf32, #tpu.memory_space<hbm>>
        tpu.enqueue_dma source(%arg9 : memref<128x128xf32, #tpu.memory_space<vmem>>) target(%dma_start3A_94 : memref<128x128xf32, #tpu.memory_space<hbm>>) target_semaphore(%run_scoped3A : memref<!tpu.dma_semaphore, #tpu.memory_space<semaphore_mem>>)
        %dma_wait3A = arith.constant 0 : i32
        %dma_wait3A_95 = tpu.memref_slice %arg7[%add3A_73, %dma_wait3A] : memref<12544x128xf32, #tpu.memory_space<hbm>> -> memref<128x128xf32, #tpu.memory_space<hbm>>
        %dma_wait3A_96 = arith.constant 0 : i32
        %dma_wait3A_97 = tpu.memref_slice %arg7[%add3A_73, %dma_wait3A_96] : memref<12544x128xf32, #tpu.memory_space<hbm>> -> memref<128x128xf32, #tpu.memory_space<hbm>>
        tpu.wait_dma2 semaphore(%run_scoped3A : memref<!tpu.dma_semaphore, #tpu.memory_space<semaphore_mem>>) src(%arg9 : memref<128x128xf32, #tpu.memory_space<vmem>>) dst(%dma_wait3A_97 : memref<128x128xf32, #tpu.memory_space<hbm>>)
        tpu.yield
      }) : () -> ()
      %add3A_74 = arith.constant 128 : i32
      %add3A_75 = arith.addi %mul3A_0, %add3A_74 : i32
      "tpu.region"() ({
        %run_scoped3A = tpu.sem_alloc : memref<!tpu.dma_semaphore, #tpu.memory_space<semaphore_mem>>
        %dma_start3A = arith.constant 0 : i32
        %dma_start3A_92 = tpu.memref_slice %arg11[%add3A_75, %dma_start3A] : memref<6280x128xf32, #tpu.memory_space<vmem_shared>> -> memref<128x128xf32, #tpu.memory_space<vmem_shared>>
        %dma_start3A_93 = arith.constant 0 : i32
        %dma_start3A_94 = tpu.memref_slice %arg11[%add3A_75, %dma_start3A_93] : memref<6280x128xf32, #tpu.memory_space<vmem_shared>> -> memref<128x128xf32, #tpu.memory_space<vmem_shared>>
        tpu.enqueue_dma source(%dma_start3A_94 : memref<128x128xf32, #tpu.memory_space<vmem_shared>>) target(%arg9 : memref<128x128xf32, #tpu.memory_space<vmem>>) target_semaphore(%run_scoped3A : memref<!tpu.dma_semaphore, #tpu.memory_space<semaphore_mem>>)
        %dma_wait3A = arith.constant 0 : i32
        %dma_wait3A_95 = tpu.memref_slice %arg11[%add3A_75, %dma_wait3A] : memref<6280x128xf32, #tpu.memory_space<vmem_shared>> -> memref<128x128xf32, #tpu.memory_space<vmem_shared>>
        %dma_wait3A_96 = arith.constant 0 : i32
        %dma_wait3A_97 = tpu.memref_slice %arg11[%add3A_75, %dma_wait3A_96] : memref<6280x128xf32, #tpu.memory_space<vmem_shared>> -> memref<128x128xf32, #tpu.memory_space<vmem_shared>>
        tpu.wait_dma2 semaphore(%run_scoped3A : memref<!tpu.dma_semaphore, #tpu.memory_space<semaphore_mem>>) src(%dma_wait3A_97 : memref<128x128xf32, #tpu.memory_space<vmem_shared>>) dst(%arg9 : memref<128x128xf32, #tpu.memory_space<vmem>>)
        tpu.yield
      }) : () -> ()
      %add3A_76 = arith.constant 6272 : i32
      %add3A_77 = arith.addi %add3A_76, %mul3A_0 : i32
      %add3A_78 = arith.constant 128 : i32
      %add3A_79 = arith.addi %add3A_77, %add3A_78 : i32
      "tpu.region"() ({
        %run_scoped3A = tpu.sem_alloc : memref<!tpu.dma_semaphore, #tpu.memory_space<semaphore_mem>>
        %dma_start3A = arith.constant 0 : i32
        %dma_start3A_92 = tpu.memref_slice %arg7[%add3A_79, %dma_start3A] : memref<12544x128xf32, #tpu.memory_space<hbm>> -> memref<128x128xf32, #tpu.memory_space<hbm>>
        %dma_start3A_93 = arith.constant 0 : i32
        %dma_start3A_94 = tpu.memref_slice %arg7[%add3A_79, %dma_start3A_93] : memref<12544x128xf32, #tpu.memory_space<hbm>> -> memref<128x128xf32, #tpu.memory_space<hbm>>
        tpu.enqueue_dma source(%arg9 : memref<128x128xf32, #tpu.memory_space<vmem>>) target(%dma_start3A_94 : memref<128x128xf32, #tpu.memory_space<hbm>>) target_semaphore(%run_scoped3A : memref<!tpu.dma_semaphore, #tpu.memory_space<semaphore_mem>>)
        %dma_wait3A = arith.constant 0 : i32
        %dma_wait3A_95 = tpu.memref_slice %arg7[%add3A_79, %dma_wait3A] : memref<12544x128xf32, #tpu.memory_space<hbm>> -> memref<128x128xf32, #tpu.memory_space<hbm>>
        %dma_wait3A_96 = arith.constant 0 : i32
        %dma_wait3A_97 = tpu.memref_slice %arg7[%add3A_79, %dma_wait3A_96] : memref<12544x128xf32, #tpu.memory_space<hbm>> -> memref<128x128xf32, #tpu.memory_space<hbm>>
        tpu.wait_dma2 semaphore(%run_scoped3A : memref<!tpu.dma_semaphore, #tpu.memory_space<semaphore_mem>>) src(%arg9 : memref<128x128xf32, #tpu.memory_space<vmem>>) dst(%dma_wait3A_97 : memref<128x128xf32, #tpu.memory_space<hbm>>)
        tpu.yield
      }) : () -> ()
      %add3A_80 = arith.constant 256 : i32
      %add3A_81 = arith.addi %mul3A_0, %add3A_80 : i32
      "tpu.region"() ({
        %run_scoped3A = tpu.sem_alloc : memref<!tpu.dma_semaphore, #tpu.memory_space<semaphore_mem>>
        %dma_start3A = arith.constant 0 : i32
        %dma_start3A_92 = tpu.memref_slice %arg11[%add3A_81, %dma_start3A] : memref<6280x128xf32, #tpu.memory_space<vmem_shared>> -> memref<128x128xf32, #tpu.memory_space<vmem_shared>>
        %dma_start3A_93 = arith.constant 0 : i32
        %dma_start3A_94 = tpu.memref_slice %arg11[%add3A_81, %dma_start3A_93] : memref<6280x128xf32, #tpu.memory_space<vmem_shared>> -> memref<128x128xf32, #tpu.memory_space<vmem_shared>>
        tpu.enqueue_dma source(%dma_start3A_94 : memref<128x128xf32, #tpu.memory_space<vmem_shared>>) target(%arg9 : memref<128x128xf32, #tpu.memory_space<vmem>>) target_semaphore(%run_scoped3A : memref<!tpu.dma_semaphore, #tpu.memory_space<semaphore_mem>>)
        %dma_wait3A = arith.constant 0 : i32
        %dma_wait3A_95 = tpu.memref_slice %arg11[%add3A_81, %dma_wait3A] : memref<6280x128xf32, #tpu.memory_space<vmem_shared>> -> memref<128x128xf32, #tpu.memory_space<vmem_shared>>
        %dma_wait3A_96 = arith.constant 0 : i32
        %dma_wait3A_97 = tpu.memref_slice %arg11[%add3A_81, %dma_wait3A_96] : memref<6280x128xf32, #tpu.memory_space<vmem_shared>> -> memref<128x128xf32, #tpu.memory_space<vmem_shared>>
        tpu.wait_dma2 semaphore(%run_scoped3A : memref<!tpu.dma_semaphore, #tpu.memory_space<semaphore_mem>>) src(%dma_wait3A_97 : memref<128x128xf32, #tpu.memory_space<vmem_shared>>) dst(%arg9 : memref<128x128xf32, #tpu.memory_space<vmem>>)
        tpu.yield
      }) : () -> ()
      %add3A_82 = arith.constant 6272 : i32
      %add3A_83 = arith.addi %add3A_82, %mul3A_0 : i32
      %add3A_84 = arith.constant 256 : i32
      %add3A_85 = arith.addi %add3A_83, %add3A_84 : i32
      "tpu.region"() ({
        %run_scoped3A = tpu.sem_alloc : memref<!tpu.dma_semaphore, #tpu.memory_space<semaphore_mem>>
        %dma_start3A = arith.constant 0 : i32
        %dma_start3A_92 = tpu.memref_slice %arg7[%add3A_85, %dma_start3A] : memref<12544x128xf32, #tpu.memory_space<hbm>> -> memref<128x128xf32, #tpu.memory_space<hbm>>
        %dma_start3A_93 = arith.constant 0 : i32
        %dma_start3A_94 = tpu.memref_slice %arg7[%add3A_85, %dma_start3A_93] : memref<12544x128xf32, #tpu.memory_space<hbm>> -> memref<128x128xf32, #tpu.memory_space<hbm>>
        tpu.enqueue_dma source(%arg9 : memref<128x128xf32, #tpu.memory_space<vmem>>) target(%dma_start3A_94 : memref<128x128xf32, #tpu.memory_space<hbm>>) target_semaphore(%run_scoped3A : memref<!tpu.dma_semaphore, #tpu.memory_space<semaphore_mem>>)
        %dma_wait3A = arith.constant 0 : i32
        %dma_wait3A_95 = tpu.memref_slice %arg7[%add3A_85, %dma_wait3A] : memref<12544x128xf32, #tpu.memory_space<hbm>> -> memref<128x128xf32, #tpu.memory_space<hbm>>
        %dma_wait3A_96 = arith.constant 0 : i32
        %dma_wait3A_97 = tpu.memref_slice %arg7[%add3A_85, %dma_wait3A_96] : memref<12544x128xf32, #tpu.memory_space<hbm>> -> memref<128x128xf32, #tpu.memory_space<hbm>>
        tpu.wait_dma2 semaphore(%run_scoped3A : memref<!tpu.dma_semaphore, #tpu.memory_space<semaphore_mem>>) src(%arg9 : memref<128x128xf32, #tpu.memory_space<vmem>>) dst(%dma_wait3A_97 : memref<128x128xf32, #tpu.memory_space<hbm>>)
        tpu.yield
      }) : () -> ()
      %add3A_86 = arith.constant 384 : i32
      %add3A_87 = arith.addi %mul3A_0, %add3A_86 : i32
      "tpu.region"() ({
        %run_scoped3A = tpu.sem_alloc : memref<!tpu.dma_semaphore, #tpu.memory_space<semaphore_mem>>
        %dma_start3A = arith.constant 0 : i32
        %dma_start3A_92 = arith.constant 0 : i32
        %dma_start3A_93 = tpu.memref_slice %arg9[%dma_start3A, %dma_start3A_92] : memref<128x128xf32, #tpu.memory_space<vmem>> -> memref<8x128xf32, #tpu.memory_space<vmem>>
        %dma_start3A_94 = arith.constant 0 : i32
        %dma_start3A_95 = tpu.memref_slice %arg11[%add3A_87, %dma_start3A_94] : memref<6280x128xf32, #tpu.memory_space<vmem_shared>> -> memref<8x128xf32, #tpu.memory_space<vmem_shared>>
        %dma_start3A_96 = arith.constant 0 : i32
        %dma_start3A_97 = arith.constant 0 : i32
        %dma_start3A_98 = tpu.memref_slice %arg9[%dma_start3A_96, %dma_start3A_97] : memref<128x128xf32, #tpu.memory_space<vmem>> -> memref<8x128xf32, #tpu.memory_space<vmem>>
        %dma_start3A_99 = arith.constant 0 : i32
        %dma_start3A_100 = tpu.memref_slice %arg11[%add3A_87, %dma_start3A_99] : memref<6280x128xf32, #tpu.memory_space<vmem_shared>> -> memref<8x128xf32, #tpu.memory_space<vmem_shared>>
        tpu.enqueue_dma source(%dma_start3A_100 : memref<8x128xf32, #tpu.memory_space<vmem_shared>>) target(%dma_start3A_98 : memref<8x128xf32, #tpu.memory_space<vmem>>) target_semaphore(%run_scoped3A : memref<!tpu.dma_semaphore, #tpu.memory_space<semaphore_mem>>)
        %dma_wait3A = arith.constant 0 : i32
        %dma_wait3A_101 = arith.constant 0 : i32
        %dma_wait3A_102 = tpu.memref_slice %arg9[%dma_wait3A, %dma_wait3A_101] : memref<128x128xf32, #tpu.memory_space<vmem>> -> memref<8x128xf32, #tpu.memory_space<vmem>>
        %dma_wait3A_103 = arith.constant 0 : i32
        %dma_wait3A_104 = tpu.memref_slice %arg11[%add3A_87, %dma_wait3A_103] : memref<6280x128xf32, #tpu.memory_space<vmem_shared>> -> memref<8x128xf32, #tpu.memory_space<vmem_shared>>
        %dma_wait3A_105 = arith.constant 0 : i32
        %dma_wait3A_106 = arith.constant 0 : i32
        %dma_wait3A_107 = tpu.memref_slice %arg9[%dma_wait3A_105, %dma_wait3A_106] : memref<128x128xf32, #tpu.memory_space<vmem>> -> memref<8x128xf32, #tpu.memory_space<vmem>>
        %dma_wait3A_108 = arith.constant 0 : i32
        %dma_wait3A_109 = tpu.memref_slice %arg11[%add3A_87, %dma_wait3A_108] : memref<6280x128xf32, #tpu.memory_space<vmem_shared>> -> memref<8x128xf32, #tpu.memory_space<vmem_shared>>
        tpu.wait_dma2 semaphore(%run_scoped3A : memref<!tpu.dma_semaphore, #tpu.memory_space<semaphore_mem>>) src(%dma_wait3A_109 : memref<8x128xf32, #tpu.memory_space<vmem_shared>>) dst(%dma_wait3A_107 : memref<8x128xf32, #tpu.memory_space<vmem>>)
        tpu.yield
      }) : () -> ()
      %add3A_88 = arith.constant 6272 : i32
      %add3A_89 = arith.addi %add3A_88, %mul3A_0 : i32
      %add3A_90 = arith.constant 384 : i32
      %add3A_91 = arith.addi %add3A_89, %add3A_90 : i32
      "tpu.region"() ({
        %run_scoped3A = tpu.sem_alloc : memref<!tpu.dma_semaphore, #tpu.memory_space<semaphore_mem>>
        %dma_start3A = arith.constant 0 : i32
        %dma_start3A_92 = arith.constant 0 : i32
        %dma_start3A_93 = tpu.memref_slice %arg9[%dma_start3A, %dma_start3A_92] : memref<128x128xf32, #tpu.memory_space<vmem>> -> memref<8x128xf32, #tpu.memory_space<vmem>>
        %dma_start3A_94 = arith.constant 0 : i32
        %dma_start3A_95 = tpu.memref_slice %arg7[%add3A_91, %dma_start3A_94] : memref<12544x128xf32, #tpu.memory_space<hbm>> -> memref<8x128xf32, #tpu.memory_space<hbm>>
        %dma_start3A_96 = arith.constant 0 : i32
        %dma_start3A_97 = tpu.memref_slice %arg7[%add3A_91, %dma_start3A_96] : memref<12544x128xf32, #tpu.memory_space<hbm>> -> memref<8x128xf32, #tpu.memory_space<hbm>>
        %dma_start3A_98 = arith.constant 0 : i32
        %dma_start3A_99 = arith.constant 0 : i32
        %dma_start3A_100 = tpu.memref_slice %arg9[%dma_start3A_98, %dma_start3A_99] : memref<128x128xf32, #tpu.memory_space<vmem>> -> memref<8x128xf32, #tpu.memory_space<vmem>>
        tpu.enqueue_dma source(%dma_start3A_100 : memref<8x128xf32, #tpu.memory_space<vmem>>) target(%dma_start3A_97 : memref<8x128xf32, #tpu.memory_space<hbm>>) target_semaphore(%run_scoped3A : memref<!tpu.dma_semaphore, #tpu.memory_space<semaphore_mem>>)
        %dma_wait3A = arith.constant 0 : i32
        %dma_wait3A_101 = arith.constant 0 : i32
        %dma_wait3A_102 = tpu.memref_slice %arg9[%dma_wait3A, %dma_wait3A_101] : memref<128x128xf32, #tpu.memory_space<vmem>> -> memref<8x128xf32, #tpu.memory_space<vmem>>
        %dma_wait3A_103 = arith.constant 0 : i32
        %dma_wait3A_104 = tpu.memref_slice %arg7[%add3A_91, %dma_wait3A_103] : memref<12544x128xf32, #tpu.memory_space<hbm>> -> memref<8x128xf32, #tpu.memory_space<hbm>>
        %dma_wait3A_105 = arith.constant 0 : i32
        %dma_wait3A_106 = tpu.memref_slice %arg7[%add3A_91, %dma_wait3A_105] : memref<12544x128xf32, #tpu.memory_space<hbm>> -> memref<8x128xf32, #tpu.memory_space<hbm>>
        %dma_wait3A_107 = arith.constant 0 : i32
        %dma_wait3A_108 = arith.constant 0 : i32
        %dma_wait3A_109 = tpu.memref_slice %arg9[%dma_wait3A_107, %dma_wait3A_108] : memref<128x128xf32, #tpu.memory_space<vmem>> -> memref<8x128xf32, #tpu.memory_space<vmem>>
        tpu.wait_dma2 semaphore(%run_scoped3A : memref<!tpu.dma_semaphore, #tpu.memory_space<semaphore_mem>>) src(%dma_wait3A_109 : memref<8x128xf32, #tpu.memory_space<vmem>>) dst(%dma_wait3A_106 : memref<8x128xf32, #tpu.memory_space<hbm>>)
        tpu.yield
      }) : () -> ()
    } else {
    }
    %barrier3A_67 = arith.constant 0 : index
    tpu.barrier barrier_id(%barrier3A_67)
    return
  }
}

#map = affine_map<(d0, d1) -> (0, 0)>
#map1 = affine_map<(d0, d1) -> (0)>
module attributes {stable_mosaic.version = 14 : i64} {
  func.func @_gather_body(%arg0: i32, %arg1: i32, %arg2: memref<50000x128xf32, #tpu.memory_space<hbm>>, %arg3: memref<800000xi32, #tpu.memory_space<hbm>>, %arg4: memref<800000x128xf32, #tpu.memory_space<hbm>>, %arg5: memref<25000xi32, #tpu.memory_space<vmem>>, %arg6: memref<2x128x128xf32, #tpu.memory_space<vmem>>, %arg7: memref<40x128xf32, #tpu.memory_space<vmem>>, %arg8: memref<!tpu.dma_semaphore, #tpu.memory_space<semaphore_mem>>, %arg9: memref<!tpu.dma_semaphore, #tpu.memory_space<semaphore_mem>>) attributes {dimension_semantics = [#tpu.dimension_semantics<core_parallel>, #tpu.dimension_semantics<subcore_parallel>], iteration_bounds = array<i64: 2, 16>, scalar_prefetch = 0 : i64, scratch_operands = 5 : i64, tpu.core_type = #tpu.core_type<sc_vector_subcore>, window_params = [{transform_indices = #map}, {transform_indices = #map1}, {transform_indices = #map}]} {
    %mul3A = arith.constant 2 : i32
    %mul3A_0 = arith.muli %arg1, %mul3A : i32
    %add3A = arith.addi %mul3A_0, %arg0 : i32
    %mul3A_1 = arith.constant 25000 : i32
    %mul3A_2 = arith.muli %add3A, %mul3A_1 : i32
    "tpu.region"() ({
      %run_scoped3A = tpu.sem_alloc : memref<!tpu.dma_semaphore, #tpu.memory_space<semaphore_mem>>
      %dma_start3A_48 = tpu.memref_slice %arg3[%mul3A_2] : memref<800000xi32, #tpu.memory_space<hbm>> -> memref<25000xi32, #tpu.memory_space<hbm>>
      %dma_start3A_49 = tpu.memref_slice %arg3[%mul3A_2] : memref<800000xi32, #tpu.memory_space<hbm>> -> memref<25000xi32, #tpu.memory_space<hbm>>
      tpu.enqueue_dma source(%dma_start3A_49 : memref<25000xi32, #tpu.memory_space<hbm>>) target(%arg5 : memref<25000xi32, #tpu.memory_space<vmem>>) target_semaphore(%run_scoped3A : memref<!tpu.dma_semaphore, #tpu.memory_space<semaphore_mem>>)
      %dma_wait3A_50 = tpu.memref_slice %arg3[%mul3A_2] : memref<800000xi32, #tpu.memory_space<hbm>> -> memref<25000xi32, #tpu.memory_space<hbm>>
      %dma_wait3A_51 = tpu.memref_slice %arg3[%mul3A_2] : memref<800000xi32, #tpu.memory_space<hbm>> -> memref<25000xi32, #tpu.memory_space<hbm>>
      tpu.wait_dma2 semaphore(%run_scoped3A : memref<!tpu.dma_semaphore, #tpu.memory_space<semaphore_mem>>) src(%dma_wait3A_51 : memref<25000xi32, #tpu.memory_space<hbm>>) dst(%arg5 : memref<25000xi32, #tpu.memory_space<vmem>>)
      tpu.yield
    }) : () -> ()
    %scan3A = arith.constant 0 : i32
    %scan3A_3 = arith.constant 0 : i32
    %scan3A_4 = arith.constant 98 : i32
    %scan3A_5 = arith.addi %scan3A_3, %scan3A_4 : i32
    %scan3A_6 = arith.constant 1 : i32
    scf.for %scan3A_48 = %scan3A_3 to %scan3A_5 step %scan3A_6  : i32 {
      %mul3A_49 = arith.constant 2 : i32
      %mul3A_50 = arith.muli %scan3A_48, %mul3A_49 : i32
      %add3A_51 = arith.constant 0 : i32
      %add3A_52 = arith.addi %mul3A_50, %add3A_51 : i32
      %lt3A = arith.constant 195 : i32
      %lt3A_53 = arith.cmpi slt, %add3A_52, %lt3A : i32
      %convert_element_type3A = arith.extui %lt3A_53 : i1 to i32
      %cond3A = arith.constant 0 : i32
      %cond3A_54 = arith.cmpi ne, %convert_element_type3A, %cond3A : i32
      scf.if %cond3A_54 {
        %ge3A = arith.constant 2 : i32
        %ge3A_64 = arith.cmpi sge, %add3A_52, %ge3A : i32
        %convert_element_type3A_65 = arith.extui %ge3A_64 : i1 to i32
        %cond3A_66 = arith.constant 0 : i32
        %cond3A_67 = arith.cmpi ne, %convert_element_type3A_65, %cond3A_66 : i32
        scf.if %cond3A_67 {
          %dma_wait3A_104 = arith.constant 0 : i32
          %dma_wait3A_105 = arith.constant 0 : i32
          %dma_wait3A_106 = arith.constant 0 : i32
          %dma_wait3A_107 = tpu.memref_slice %arg6[%dma_wait3A_104, %dma_wait3A_105, %dma_wait3A_106] : memref<2x128x128xf32, #tpu.memory_space<vmem>> -> memref<1x128x128xf32, #tpu.memory_space<vmem>>
          %dma_wait3A_108 = tpu.memref_squeeze %dma_wait3A_107 : memref<1x128x128xf32, #tpu.memory_space<vmem>> -> memref<128x128xf32, #tpu.memory_space<vmem>>
          %dma_wait3A_109 = arith.constant 0 : i32
          %dma_wait3A_110 = arith.constant 0 : i32
          %dma_wait3A_111 = tpu.memref_slice %arg2[%dma_wait3A_109, %dma_wait3A_110] : memref<50000x128xf32, #tpu.memory_space<hbm>> -> memref<128x128xf32, #tpu.memory_space<hbm>>
          %dma_wait3A_112 = arith.constant 0 : i32
          %dma_wait3A_113 = arith.constant 0 : i32
          %dma_wait3A_114 = tpu.memref_slice %arg6[%dma_wait3A_104, %dma_wait3A_112, %dma_wait3A_113] : memref<2x128x128xf32, #tpu.memory_space<vmem>> -> memref<1x128x128xf32, #tpu.memory_space<vmem>>
          %dma_wait3A_115 = tpu.memref_squeeze %dma_wait3A_114 : memref<1x128x128xf32, #tpu.memory_space<vmem>> -> memref<128x128xf32, #tpu.memory_space<vmem>>
          %dma_wait3A_116 = arith.constant 0 : i32
          %dma_wait3A_117 = arith.constant 0 : i32
          %dma_wait3A_118 = tpu.memref_slice %arg2[%dma_wait3A_116, %dma_wait3A_117] : memref<50000x128xf32, #tpu.memory_space<hbm>> -> memref<128x128xf32, #tpu.memory_space<hbm>>
          tpu.wait_dma2 semaphore(%arg9 : memref<!tpu.dma_semaphore, #tpu.memory_space<semaphore_mem>>) src(%dma_wait3A_118 : memref<128x128xf32, #tpu.memory_space<hbm>>) dst(%dma_wait3A_115 : memref<128x128xf32, #tpu.memory_space<vmem>>)
        } else {
        }
        %mul3A_68 = arith.constant 128 : i32
        %mul3A_69 = arith.muli %add3A_52, %mul3A_68 : i32
        %dma_start3A_70 = arith.constant 0 : i32
        %dma_start3A_71 = arith.constant 0 : i32
        %dma_start3A_72 = arith.constant 0 : i32
        %dma_start3A_73 = tpu.memref_slice %arg6[%dma_start3A_70, %dma_start3A_71, %dma_start3A_72] : memref<2x128x128xf32, #tpu.memory_space<vmem>> -> memref<1x128x128xf32, #tpu.memory_space<vmem>>
        %dma_start3A_74 = tpu.memref_squeeze %dma_start3A_73 : memref<1x128x128xf32, #tpu.memory_space<vmem>> -> memref<128x128xf32, #tpu.memory_space<vmem>>
        %dma_start3A_75 = tpu.memref_slice %arg5[%mul3A_69] : memref<25000xi32, #tpu.memory_space<vmem>> -> memref<128xi32, #tpu.memory_space<vmem>>
        %dma_start3A_76 = arith.constant 0 : i32
        %dma_start3A_77 = arith.constant 0 : i32
        %dma_start3A_78 = tpu.memref_slice %arg2[%dma_start3A_76, %dma_start3A_77] : memref<50000x128xf32, #tpu.memory_space<hbm>> -> memref<50000x128xf32, #tpu.memory_space<hbm>>
        tpu.enqueue_indirect_dma source(%dma_start3A_78 : memref<50000x128xf32, #tpu.memory_space<hbm>>) target(%dma_start3A_74 : memref<128x128xf32, #tpu.memory_space<vmem>>) offsets(%dma_start3A_75 : memref<128xi32, #tpu.memory_space<vmem>>) semaphore(%arg8 : memref<!tpu.dma_semaphore, #tpu.memory_space<semaphore_mem>>)
        %dma_wait3A_79 = arith.constant 0 : i32
        %dma_wait3A_80 = arith.constant 0 : i32
        %dma_wait3A_81 = arith.constant 0 : i32
        %dma_wait3A_82 = tpu.memref_slice %arg6[%dma_wait3A_79, %dma_wait3A_80, %dma_wait3A_81] : memref<2x128x128xf32, #tpu.memory_space<vmem>> -> memref<1x128x128xf32, #tpu.memory_space<vmem>>
        %dma_wait3A_83 = tpu.memref_squeeze %dma_wait3A_82 : memref<1x128x128xf32, #tpu.memory_space<vmem>> -> memref<128x128xf32, #tpu.memory_space<vmem>>
        %dma_wait3A_84 = tpu.memref_slice %arg5[%mul3A_69] : memref<25000xi32, #tpu.memory_space<vmem>> -> memref<128xi32, #tpu.memory_space<vmem>>
        %dma_wait3A_85 = arith.constant 0 : i32
        %dma_wait3A_86 = arith.constant 0 : i32
        %dma_wait3A_87 = tpu.memref_slice %arg2[%dma_wait3A_85, %dma_wait3A_86] : memref<50000x128xf32, #tpu.memory_space<hbm>> -> memref<50000x128xf32, #tpu.memory_space<hbm>>
        tpu.wait_indirect_dma semaphore(%arg8 : memref<!tpu.dma_semaphore, #tpu.memory_space<semaphore_mem>>) src(%dma_wait3A_87 : memref<50000x128xf32, #tpu.memory_space<hbm>>) dst(%dma_wait3A_83 : memref<128x128xf32, #tpu.memory_space<vmem>>)
        %mul3A_88 = arith.constant 128 : i32
        %mul3A_89 = arith.muli %add3A_52, %mul3A_88 : i32
        %add3A_90 = arith.addi %mul3A_2, %mul3A_89 : i32
        %dma_start3A_91 = arith.constant 0 : i32
        %dma_start3A_92 = arith.constant 0 : i32
        %dma_start3A_93 = arith.constant 0 : i32
        %dma_start3A_94 = tpu.memref_slice %arg6[%dma_start3A_91, %dma_start3A_92, %dma_start3A_93] : memref<2x128x128xf32, #tpu.memory_space<vmem>> -> memref<1x128x128xf32, #tpu.memory_space<vmem>>
        %dma_start3A_95 = tpu.memref_squeeze %dma_start3A_94 : memref<1x128x128xf32, #tpu.memory_space<vmem>> -> memref<128x128xf32, #tpu.memory_space<vmem>>
        %dma_start3A_96 = arith.constant 0 : i32
        %dma_start3A_97 = tpu.memref_slice %arg4[%add3A_90, %dma_start3A_96] : memref<800000x128xf32, #tpu.memory_space<hbm>> -> memref<128x128xf32, #tpu.memory_space<hbm>>
        %dma_start3A_98 = arith.constant 0 : i32
        %dma_start3A_99 = tpu.memref_slice %arg4[%add3A_90, %dma_start3A_98] : memref<800000x128xf32, #tpu.memory_space<hbm>> -> memref<128x128xf32, #tpu.memory_space<hbm>>
        %dma_start3A_100 = arith.constant 0 : i32
        %dma_start3A_101 = arith.constant 0 : i32
        %dma_start3A_102 = tpu.memref_slice %arg6[%dma_start3A_91, %dma_start3A_100, %dma_start3A_101] : memref<2x128x128xf32, #tpu.memory_space<vmem>> -> memref<1x128x128xf32, #tpu.memory_space<vmem>>
        %dma_start3A_103 = tpu.memref_squeeze %dma_start3A_102 : memref<1x128x128xf32, #tpu.memory_space<vmem>> -> memref<128x128xf32, #tpu.memory_space<vmem>>
        tpu.enqueue_dma source(%dma_start3A_103 : memref<128x128xf32, #tpu.memory_space<vmem>>) target(%dma_start3A_99 : memref<128x128xf32, #tpu.memory_space<hbm>>) target_semaphore(%arg9 : memref<!tpu.dma_semaphore, #tpu.memory_space<semaphore_mem>>)
      } else {
      }
      %mul3A_55 = arith.constant 2 : i32
      %mul3A_56 = arith.muli %scan3A_48, %mul3A_55 : i32
      %add3A_57 = arith.constant 1 : i32
      %add3A_58 = arith.addi %mul3A_56, %add3A_57 : i32
      %lt3A_59 = arith.constant 195 : i32
      %lt3A_60 = arith.cmpi slt, %add3A_58, %lt3A_59 : i32
      %convert_element_type3A_61 = arith.extui %lt3A_60 : i1 to i32
      %cond3A_62 = arith.constant 0 : i32
      %cond3A_63 = arith.cmpi ne, %convert_element_type3A_61, %cond3A_62 : i32
      scf.if %cond3A_63 {
        %ge3A = arith.constant 2 : i32
        %ge3A_64 = arith.cmpi sge, %add3A_58, %ge3A : i32
        %convert_element_type3A_65 = arith.extui %ge3A_64 : i1 to i32
        %cond3A_66 = arith.constant 0 : i32
        %cond3A_67 = arith.cmpi ne, %convert_element_type3A_65, %cond3A_66 : i32
        scf.if %cond3A_67 {
          %dma_wait3A_104 = arith.constant 1 : i32
          %dma_wait3A_105 = arith.constant 0 : i32
          %dma_wait3A_106 = arith.constant 0 : i32
          %dma_wait3A_107 = tpu.memref_slice %arg6[%dma_wait3A_104, %dma_wait3A_105, %dma_wait3A_106] : memref<2x128x128xf32, #tpu.memory_space<vmem>> -> memref<1x128x128xf32, #tpu.memory_space<vmem>>
          %dma_wait3A_108 = tpu.memref_squeeze %dma_wait3A_107 : memref<1x128x128xf32, #tpu.memory_space<vmem>> -> memref<128x128xf32, #tpu.memory_space<vmem>>
          %dma_wait3A_109 = arith.constant 0 : i32
          %dma_wait3A_110 = arith.constant 0 : i32
          %dma_wait3A_111 = tpu.memref_slice %arg2[%dma_wait3A_109, %dma_wait3A_110] : memref<50000x128xf32, #tpu.memory_space<hbm>> -> memref<128x128xf32, #tpu.memory_space<hbm>>
          %dma_wait3A_112 = arith.constant 0 : i32
          %dma_wait3A_113 = arith.constant 0 : i32
          %dma_wait3A_114 = tpu.memref_slice %arg6[%dma_wait3A_104, %dma_wait3A_112, %dma_wait3A_113] : memref<2x128x128xf32, #tpu.memory_space<vmem>> -> memref<1x128x128xf32, #tpu.memory_space<vmem>>
          %dma_wait3A_115 = tpu.memref_squeeze %dma_wait3A_114 : memref<1x128x128xf32, #tpu.memory_space<vmem>> -> memref<128x128xf32, #tpu.memory_space<vmem>>
          %dma_wait3A_116 = arith.constant 0 : i32
          %dma_wait3A_117 = arith.constant 0 : i32
          %dma_wait3A_118 = tpu.memref_slice %arg2[%dma_wait3A_116, %dma_wait3A_117] : memref<50000x128xf32, #tpu.memory_space<hbm>> -> memref<128x128xf32, #tpu.memory_space<hbm>>
          tpu.wait_dma2 semaphore(%arg9 : memref<!tpu.dma_semaphore, #tpu.memory_space<semaphore_mem>>) src(%dma_wait3A_118 : memref<128x128xf32, #tpu.memory_space<hbm>>) dst(%dma_wait3A_115 : memref<128x128xf32, #tpu.memory_space<vmem>>)
        } else {
        }
        %mul3A_68 = arith.constant 128 : i32
        %mul3A_69 = arith.muli %add3A_58, %mul3A_68 : i32
        %dma_start3A_70 = arith.constant 1 : i32
        %dma_start3A_71 = arith.constant 0 : i32
        %dma_start3A_72 = arith.constant 0 : i32
        %dma_start3A_73 = tpu.memref_slice %arg6[%dma_start3A_70, %dma_start3A_71, %dma_start3A_72] : memref<2x128x128xf32, #tpu.memory_space<vmem>> -> memref<1x128x128xf32, #tpu.memory_space<vmem>>
        %dma_start3A_74 = tpu.memref_squeeze %dma_start3A_73 : memref<1x128x128xf32, #tpu.memory_space<vmem>> -> memref<128x128xf32, #tpu.memory_space<vmem>>
        %dma_start3A_75 = tpu.memref_slice %arg5[%mul3A_69] : memref<25000xi32, #tpu.memory_space<vmem>> -> memref<128xi32, #tpu.memory_space<vmem>>
        %dma_start3A_76 = arith.constant 0 : i32
        %dma_start3A_77 = arith.constant 0 : i32
        %dma_start3A_78 = tpu.memref_slice %arg2[%dma_start3A_76, %dma_start3A_77] : memref<50000x128xf32, #tpu.memory_space<hbm>> -> memref<50000x128xf32, #tpu.memory_space<hbm>>
        tpu.enqueue_indirect_dma source(%dma_start3A_78 : memref<50000x128xf32, #tpu.memory_space<hbm>>) target(%dma_start3A_74 : memref<128x128xf32, #tpu.memory_space<vmem>>) offsets(%dma_start3A_75 : memref<128xi32, #tpu.memory_space<vmem>>) semaphore(%arg8 : memref<!tpu.dma_semaphore, #tpu.memory_space<semaphore_mem>>)
        %dma_wait3A_79 = arith.constant 1 : i32
        %dma_wait3A_80 = arith.constant 0 : i32
        %dma_wait3A_81 = arith.constant 0 : i32
        %dma_wait3A_82 = tpu.memref_slice %arg6[%dma_wait3A_79, %dma_wait3A_80, %dma_wait3A_81] : memref<2x128x128xf32, #tpu.memory_space<vmem>> -> memref<1x128x128xf32, #tpu.memory_space<vmem>>
        %dma_wait3A_83 = tpu.memref_squeeze %dma_wait3A_82 : memref<1x128x128xf32, #tpu.memory_space<vmem>> -> memref<128x128xf32, #tpu.memory_space<vmem>>
        %dma_wait3A_84 = tpu.memref_slice %arg5[%mul3A_69] : memref<25000xi32, #tpu.memory_space<vmem>> -> memref<128xi32, #tpu.memory_space<vmem>>
        %dma_wait3A_85 = arith.constant 0 : i32
        %dma_wait3A_86 = arith.constant 0 : i32
        %dma_wait3A_87 = tpu.memref_slice %arg2[%dma_wait3A_85, %dma_wait3A_86] : memref<50000x128xf32, #tpu.memory_space<hbm>> -> memref<50000x128xf32, #tpu.memory_space<hbm>>
        tpu.wait_indirect_dma semaphore(%arg8 : memref<!tpu.dma_semaphore, #tpu.memory_space<semaphore_mem>>) src(%dma_wait3A_87 : memref<50000x128xf32, #tpu.memory_space<hbm>>) dst(%dma_wait3A_83 : memref<128x128xf32, #tpu.memory_space<vmem>>)
        %mul3A_88 = arith.constant 128 : i32
        %mul3A_89 = arith.muli %add3A_58, %mul3A_88 : i32
        %add3A_90 = arith.addi %mul3A_2, %mul3A_89 : i32
        %dma_start3A_91 = arith.constant 1 : i32
        %dma_start3A_92 = arith.constant 0 : i32
        %dma_start3A_93 = arith.constant 0 : i32
        %dma_start3A_94 = tpu.memref_slice %arg6[%dma_start3A_91, %dma_start3A_92, %dma_start3A_93] : memref<2x128x128xf32, #tpu.memory_space<vmem>> -> memref<1x128x128xf32, #tpu.memory_space<vmem>>
        %dma_start3A_95 = tpu.memref_squeeze %dma_start3A_94 : memref<1x128x128xf32, #tpu.memory_space<vmem>> -> memref<128x128xf32, #tpu.memory_space<vmem>>
        %dma_start3A_96 = arith.constant 0 : i32
        %dma_start3A_97 = tpu.memref_slice %arg4[%add3A_90, %dma_start3A_96] : memref<800000x128xf32, #tpu.memory_space<hbm>> -> memref<128x128xf32, #tpu.memory_space<hbm>>
        %dma_start3A_98 = arith.constant 0 : i32
        %dma_start3A_99 = tpu.memref_slice %arg4[%add3A_90, %dma_start3A_98] : memref<800000x128xf32, #tpu.memory_space<hbm>> -> memref<128x128xf32, #tpu.memory_space<hbm>>
        %dma_start3A_100 = arith.constant 0 : i32
        %dma_start3A_101 = arith.constant 0 : i32
        %dma_start3A_102 = tpu.memref_slice %arg6[%dma_start3A_91, %dma_start3A_100, %dma_start3A_101] : memref<2x128x128xf32, #tpu.memory_space<vmem>> -> memref<1x128x128xf32, #tpu.memory_space<vmem>>
        %dma_start3A_103 = tpu.memref_squeeze %dma_start3A_102 : memref<1x128x128xf32, #tpu.memory_space<vmem>> -> memref<128x128xf32, #tpu.memory_space<vmem>>
        tpu.enqueue_dma source(%dma_start3A_103 : memref<128x128xf32, #tpu.memory_space<vmem>>) target(%dma_start3A_99 : memref<128x128xf32, #tpu.memory_space<hbm>>) target_semaphore(%arg9 : memref<!tpu.dma_semaphore, #tpu.memory_space<semaphore_mem>>)
      } else {
      }
    }
    %scan3A_7 = arith.constant 98 : i32
    %dma_wait3A = arith.constant 0 : i32
    %dma_wait3A_8 = arith.constant 0 : i32
    %dma_wait3A_9 = arith.constant 0 : i32
    %dma_wait3A_10 = tpu.memref_slice %arg6[%dma_wait3A, %dma_wait3A_8, %dma_wait3A_9] : memref<2x128x128xf32, #tpu.memory_space<vmem>> -> memref<1x128x128xf32, #tpu.memory_space<vmem>>
    %dma_wait3A_11 = tpu.memref_squeeze %dma_wait3A_10 : memref<1x128x128xf32, #tpu.memory_space<vmem>> -> memref<128x128xf32, #tpu.memory_space<vmem>>
    %dma_wait3A_12 = arith.constant 0 : i32
    %dma_wait3A_13 = arith.constant 0 : i32
    %dma_wait3A_14 = tpu.memref_slice %arg2[%dma_wait3A_12, %dma_wait3A_13] : memref<50000x128xf32, #tpu.memory_space<hbm>> -> memref<128x128xf32, #tpu.memory_space<hbm>>
    %dma_wait3A_15 = arith.constant 0 : i32
    %dma_wait3A_16 = arith.constant 0 : i32
    %dma_wait3A_17 = tpu.memref_slice %arg6[%dma_wait3A, %dma_wait3A_15, %dma_wait3A_16] : memref<2x128x128xf32, #tpu.memory_space<vmem>> -> memref<1x128x128xf32, #tpu.memory_space<vmem>>
    %dma_wait3A_18 = tpu.memref_squeeze %dma_wait3A_17 : memref<1x128x128xf32, #tpu.memory_space<vmem>> -> memref<128x128xf32, #tpu.memory_space<vmem>>
    %dma_wait3A_19 = arith.constant 0 : i32
    %dma_wait3A_20 = arith.constant 0 : i32
    %dma_wait3A_21 = tpu.memref_slice %arg2[%dma_wait3A_19, %dma_wait3A_20] : memref<50000x128xf32, #tpu.memory_space<hbm>> -> memref<128x128xf32, #tpu.memory_space<hbm>>
    tpu.wait_dma2 semaphore(%arg9 : memref<!tpu.dma_semaphore, #tpu.memory_space<semaphore_mem>>) src(%dma_wait3A_21 : memref<128x128xf32, #tpu.memory_space<hbm>>) dst(%dma_wait3A_18 : memref<128x128xf32, #tpu.memory_space<vmem>>)
    %dma_wait3A_22 = arith.constant 1 : i32
    %dma_wait3A_23 = arith.constant 0 : i32
    %dma_wait3A_24 = arith.constant 0 : i32
    %dma_wait3A_25 = tpu.memref_slice %arg6[%dma_wait3A_22, %dma_wait3A_23, %dma_wait3A_24] : memref<2x128x128xf32, #tpu.memory_space<vmem>> -> memref<1x128x128xf32, #tpu.memory_space<vmem>>
    %dma_wait3A_26 = tpu.memref_squeeze %dma_wait3A_25 : memref<1x128x128xf32, #tpu.memory_space<vmem>> -> memref<128x128xf32, #tpu.memory_space<vmem>>
    %dma_wait3A_27 = arith.constant 0 : i32
    %dma_wait3A_28 = arith.constant 0 : i32
    %dma_wait3A_29 = tpu.memref_slice %arg2[%dma_wait3A_27, %dma_wait3A_28] : memref<50000x128xf32, #tpu.memory_space<hbm>> -> memref<128x128xf32, #tpu.memory_space<hbm>>
    %dma_wait3A_30 = arith.constant 0 : i32
    %dma_wait3A_31 = arith.constant 0 : i32
    %dma_wait3A_32 = tpu.memref_slice %arg6[%dma_wait3A_22, %dma_wait3A_30, %dma_wait3A_31] : memref<2x128x128xf32, #tpu.memory_space<vmem>> -> memref<1x128x128xf32, #tpu.memory_space<vmem>>
    %dma_wait3A_33 = tpu.memref_squeeze %dma_wait3A_32 : memref<1x128x128xf32, #tpu.memory_space<vmem>> -> memref<128x128xf32, #tpu.memory_space<vmem>>
    %dma_wait3A_34 = arith.constant 0 : i32
    %dma_wait3A_35 = arith.constant 0 : i32
    %dma_wait3A_36 = tpu.memref_slice %arg2[%dma_wait3A_34, %dma_wait3A_35] : memref<50000x128xf32, #tpu.memory_space<hbm>> -> memref<128x128xf32, #tpu.memory_space<hbm>>
    tpu.wait_dma2 semaphore(%arg9 : memref<!tpu.dma_semaphore, #tpu.memory_space<semaphore_mem>>) src(%dma_wait3A_36 : memref<128x128xf32, #tpu.memory_space<hbm>>) dst(%dma_wait3A_33 : memref<128x128xf32, #tpu.memory_space<vmem>>)
    %dma_start3A = arith.constant 24960 : i32
    %dma_start3A_37 = tpu.memref_slice %arg5[%dma_start3A] : memref<25000xi32, #tpu.memory_space<vmem>> -> memref<40xi32, #tpu.memory_space<vmem>>
    %dma_start3A_38 = arith.constant 0 : i32
    %dma_start3A_39 = arith.constant 0 : i32
    %dma_start3A_40 = tpu.memref_slice %arg2[%dma_start3A_38, %dma_start3A_39] : memref<50000x128xf32, #tpu.memory_space<hbm>> -> memref<50000x128xf32, #tpu.memory_space<hbm>>
    tpu.enqueue_indirect_dma source(%dma_start3A_40 : memref<50000x128xf32, #tpu.memory_space<hbm>>) target(%arg7 : memref<40x128xf32, #tpu.memory_space<vmem>>) offsets(%dma_start3A_37 : memref<40xi32, #tpu.memory_space<vmem>>) semaphore(%arg8 : memref<!tpu.dma_semaphore, #tpu.memory_space<semaphore_mem>>)
    %dma_wait3A_41 = arith.constant 24960 : i32
    %dma_wait3A_42 = tpu.memref_slice %arg5[%dma_wait3A_41] : memref<25000xi32, #tpu.memory_space<vmem>> -> memref<40xi32, #tpu.memory_space<vmem>>
    %dma_wait3A_43 = arith.constant 0 : i32
    %dma_wait3A_44 = arith.constant 0 : i32
    %dma_wait3A_45 = tpu.memref_slice %arg2[%dma_wait3A_43, %dma_wait3A_44] : memref<50000x128xf32, #tpu.memory_space<hbm>> -> memref<50000x128xf32, #tpu.memory_space<hbm>>
    tpu.wait_indirect_dma semaphore(%arg8 : memref<!tpu.dma_semaphore, #tpu.memory_space<semaphore_mem>>) src(%dma_wait3A_45 : memref<50000x128xf32, #tpu.memory_space<hbm>>) dst(%arg7 : memref<40x128xf32, #tpu.memory_space<vmem>>)
    %add3A_46 = arith.constant 24960 : i32
    %add3A_47 = arith.addi %mul3A_2, %add3A_46 : i32
    "tpu.region"() ({
      %run_scoped3A = tpu.sem_alloc : memref<!tpu.dma_semaphore, #tpu.memory_space<semaphore_mem>>
      %dma_start3A_48 = arith.constant 0 : i32
      %dma_start3A_49 = tpu.memref_slice %arg4[%add3A_47, %dma_start3A_48] : memref<800000x128xf32, #tpu.memory_space<hbm>> -> memref<40x128xf32, #tpu.memory_space<hbm>>
      %dma_start3A_50 = arith.constant 0 : i32
      %dma_start3A_51 = tpu.memref_slice %arg4[%add3A_47, %dma_start3A_50] : memref<800000x128xf32, #tpu.memory_space<hbm>> -> memref<40x128xf32, #tpu.memory_space<hbm>>
      tpu.enqueue_dma source(%arg7 : memref<40x128xf32, #tpu.memory_space<vmem>>) target(%dma_start3A_51 : memref<40x128xf32, #tpu.memory_space<hbm>>) target_semaphore(%run_scoped3A : memref<!tpu.dma_semaphore, #tpu.memory_space<semaphore_mem>>)
      %dma_wait3A_52 = arith.constant 0 : i32
      %dma_wait3A_53 = tpu.memref_slice %arg4[%add3A_47, %dma_wait3A_52] : memref<800000x128xf32, #tpu.memory_space<hbm>> -> memref<40x128xf32, #tpu.memory_space<hbm>>
      %dma_wait3A_54 = arith.constant 0 : i32
      %dma_wait3A_55 = tpu.memref_slice %arg4[%add3A_47, %dma_wait3A_54] : memref<800000x128xf32, #tpu.memory_space<hbm>> -> memref<40x128xf32, #tpu.memory_space<hbm>>
      tpu.wait_dma2 semaphore(%run_scoped3A : memref<!tpu.dma_semaphore, #tpu.memory_space<semaphore_mem>>) src(%arg7 : memref<40x128xf32, #tpu.memory_space<vmem>>) dst(%dma_wait3A_55 : memref<40x128xf32, #tpu.memory_space<hbm>>)
      tpu.yield
    }) : () -> ()
    return
  }
}

module attributes {stable_mosaic.version = 14 : i64} {
  func.func @_edge_body(%arg0: i32, %arg1: memref<2000x128xf32, #tpu.memory_space<vmem>>, %arg2: memref<2000x8xf32, #tpu.memory_space<vmem>>, %arg3: memref<2000x4xf32, #tpu.memory_space<vmem>>, %arg4: memref<2000x4xf32, #tpu.memory_space<vmem>>, %arg5: memref<128x64xf32, #tpu.memory_space<vmem>>, %arg6: memref<8x64xf32, #tpu.memory_space<vmem>>, %arg7: memref<64x64xf32, #tpu.memory_space<vmem>>, %arg8: memref<64x64xf32, #tpu.memory_space<vmem>>, %arg9: memref<64x64xf32, #tpu.memory_space<vmem>>, %arg10: memref<4x48xf32, #tpu.memory_space<vmem>>, %arg11: memref<16x48xf32, #tpu.memory_space<vmem>>, %arg12: memref<48x16xf32, #tpu.memory_space<vmem>>, %arg13: memref<16x64xf32, #tpu.memory_space<vmem>>, %arg14: memref<16x64xf32, #tpu.memory_space<vmem>>, %arg15: memref<48x64xf32, #tpu.memory_space<vmem>>, %arg16: memref<48x64xf32, #tpu.memory_space<vmem>>, %arg17: memref<2000x128xf32, #tpu.memory_space<vmem>>, %arg18: memref<2000x128xf32, #tpu.memory_space<vmem>>) attributes {dimension_semantics = [#tpu.dimension_semantics<arbitrary>], iteration_bounds = array<i64: 400>, scalar_prefetch = 0 : i64, scratch_operands = 0 : i64, tpu.core_type = #tpu.core_type<tc>, window_params = [{transform_indices = @transform_0, window_bounds = array<i64: 2000, 128>}, {transform_indices = @transform_1, window_bounds = array<i64: 2000, 8>}, {transform_indices = @transform_2, window_bounds = array<i64: 2000, 4>}, {transform_indices = @transform_3, window_bounds = array<i64: 2000, 4>}, {pipeline_mode = #tpu.pipeline_mode<synchronous>, transform_indices = @transform_4, window_bounds = array<i64: 128, 64>}, {pipeline_mode = #tpu.pipeline_mode<synchronous>, transform_indices = @transform_5, window_bounds = array<i64: 8, 64>}, {pipeline_mode = #tpu.pipeline_mode<synchronous>, transform_indices = @transform_6, window_bounds = array<i64: 64, 64>}, {pipeline_mode = #tpu.pipeline_mode<synchronous>, transform_indices = @transform_7, window_bounds = array<i64: 64, 64>}, {pipeline_mode = #tpu.pipeline_mode<synchronous>, transform_indices = @transform_8, window_bounds = array<i64: 64, 64>}, {pipeline_mode = #tpu.pipeline_mode<synchronous>, transform_indices = @transform_9, window_bounds = array<i64: 4, 48>}, {pipeline_mode = #tpu.pipeline_mode<synchronous>, transform_indices = @transform_10, window_bounds = array<i64: 16, 48>}, {pipeline_mode = #tpu.pipeline_mode<synchronous>, transform_indices = @transform_11, window_bounds = array<i64: 48, 16>}, {pipeline_mode = #tpu.pipeline_mode<synchronous>, transform_indices = @transform_12, window_bounds = array<i64: 16, 64>}, {pipeline_mode = #tpu.pipeline_mode<synchronous>, transform_indices = @transform_13, window_bounds = array<i64: 16, 64>}, {pipeline_mode = #tpu.pipeline_mode<synchronous>, transform_indices = @transform_14, window_bounds = array<i64: 48, 64>}, {pipeline_mode = #tpu.pipeline_mode<synchronous>, transform_indices = @transform_15, window_bounds = array<i64: 48, 64>}, {transform_indices = @transform_16, window_bounds = array<i64: 2000, 128>}, {transform_indices = @transform_17, window_bounds = array<i64: 2000, 128>}]} {
    %get3A = arith.constant 0 : index
    %get3A_0 = arith.constant 0 : index
    %get3A_1 = vector.load %arg1[%get3A, %get3A_0] : memref<2000x128xf32, #tpu.memory_space<vmem>>, vector<2000x128xf32>
    %get3A_2 = arith.constant 0 : index
    %get3A_3 = arith.constant 0 : index
    %get3A_4 = vector.load %arg5[%get3A_2, %get3A_3] : memref<128x64xf32, #tpu.memory_space<vmem>>, vector<128x64xf32>
    %dot_general3A = arith.constant dense<0.000000e+00> : vector<2000x64xf32>
    %dot_general3A_5 = tpu.matmul %get3A_1, %get3A_4, %dot_general3A {dimension_numbers = #tpu.dot_dimension_numbers<[1], [0], [0], [1], [0, 0, 1, 1], [], []>, transpose_lhs_hint = false} : vector<2000x128xf32>, vector<128x64xf32>, vector<2000x64xf32> -> vector<2000x64xf32>
    %slice3A = vector.extract_strided_slice %dot_general3A_5 {offsets = [0, 0], sizes = [2000, 16], strides = [1, 1]} : vector<2000x64xf32> to vector<2000x16xf32>
    %slice3A_6 = vector.extract_strided_slice %dot_general3A_5 {offsets = [0, 16], sizes = [2000, 48], strides = [1, 1]} : vector<2000x64xf32> to vector<2000x48xf32>
    %get3A_7 = arith.constant 0 : index
    %get3A_8 = arith.constant 0 : index
    %get3A_9 = vector.load %arg2[%get3A_7, %get3A_8] : memref<2000x8xf32, #tpu.memory_space<vmem>>, vector<2000x8xf32>
    %get3A_10 = arith.constant 0 : index
    %get3A_11 = arith.constant 0 : index
    %get3A_12 = vector.load %arg6[%get3A_10, %get3A_11] : memref<8x64xf32, #tpu.memory_space<vmem>>, vector<8x64xf32>
    %dot_general3A_13 = arith.constant dense<0.000000e+00> : vector<2000x64xf32>
    %dot_general3A_14 = tpu.matmul %get3A_9, %get3A_12, %dot_general3A_13 {dimension_numbers = #tpu.dot_dimension_numbers<[1], [0], [0], [1], [0, 0, 1, 1], [], []>, transpose_lhs_hint = false} : vector<2000x8xf32>, vector<8x64xf32>, vector<2000x64xf32> -> vector<2000x64xf32>
    %logistic3A = arith.negf %dot_general3A_14 : vector<2000x64xf32>
    %logistic3A_15 = math.exp %logistic3A : vector<2000x64xf32>
    %logistic3A_16 = arith.constant 1.000000e+00 : f32
    %logistic3A_17 = vector.broadcast %logistic3A_16 : f32 to vector<2000x64xf32>
    %logistic3A_18 = arith.addf %logistic3A_17, %logistic3A_15 : vector<2000x64xf32>
    %logistic3A_19 = arith.divf %logistic3A_17, %logistic3A_18 : vector<2000x64xf32>
    %mul3A = arith.mulf %dot_general3A_14, %logistic3A_19 : vector<2000x64xf32>
    %get3A_20 = arith.constant 0 : index
    %get3A_21 = arith.constant 0 : index
    %get3A_22 = vector.load %arg7[%get3A_20, %get3A_21] : memref<64x64xf32, #tpu.memory_space<vmem>>, vector<64x64xf32>
    %dot_general3A_23 = arith.constant dense<0.000000e+00> : vector<2000x64xf32>
    %dot_general3A_24 = tpu.matmul %mul3A, %get3A_22, %dot_general3A_23 {dimension_numbers = #tpu.dot_dimension_numbers<[1], [0], [0], [1], [0, 0, 1, 1], [], []>, transpose_lhs_hint = false} : vector<2000x64xf32>, vector<64x64xf32>, vector<2000x64xf32> -> vector<2000x64xf32>
    %logistic3A_25 = arith.negf %dot_general3A_24 : vector<2000x64xf32>
    %logistic3A_26 = math.exp %logistic3A_25 : vector<2000x64xf32>
    %logistic3A_27 = arith.constant 1.000000e+00 : f32
    %logistic3A_28 = vector.broadcast %logistic3A_27 : f32 to vector<2000x64xf32>
    %logistic3A_29 = arith.addf %logistic3A_28, %logistic3A_26 : vector<2000x64xf32>
    %logistic3A_30 = arith.divf %logistic3A_28, %logistic3A_29 : vector<2000x64xf32>
    %mul3A_31 = arith.mulf %dot_general3A_24, %logistic3A_30 : vector<2000x64xf32>
    %get3A_32 = arith.constant 0 : index
    %get3A_33 = arith.constant 0 : index
    %get3A_34 = vector.load %arg8[%get3A_32, %get3A_33] : memref<64x64xf32, #tpu.memory_space<vmem>>, vector<64x64xf32>
    %dot_general3A_35 = arith.constant dense<0.000000e+00> : vector<2000x64xf32>
    %dot_general3A_36 = tpu.matmul %mul3A_31, %get3A_34, %dot_general3A_35 {dimension_numbers = #tpu.dot_dimension_numbers<[1], [0], [0], [1], [0, 0, 1, 1], [], []>, transpose_lhs_hint = false} : vector<2000x64xf32>, vector<64x64xf32>, vector<2000x64xf32> -> vector<2000x64xf32>
    %logistic3A_37 = arith.negf %dot_general3A_36 : vector<2000x64xf32>
    %logistic3A_38 = math.exp %logistic3A_37 : vector<2000x64xf32>
    %logistic3A_39 = arith.constant 1.000000e+00 : f32
    %logistic3A_40 = vector.broadcast %logistic3A_39 : f32 to vector<2000x64xf32>
    %logistic3A_41 = arith.addf %logistic3A_40, %logistic3A_38 : vector<2000x64xf32>
    %logistic3A_42 = arith.divf %logistic3A_40, %logistic3A_41 : vector<2000x64xf32>
    %mul3A_43 = arith.mulf %dot_general3A_36, %logistic3A_42 : vector<2000x64xf32>
    %get3A_44 = arith.constant 0 : index
    %get3A_45 = arith.constant 0 : index
    %get3A_46 = vector.load %arg9[%get3A_44, %get3A_45] : memref<64x64xf32, #tpu.memory_space<vmem>>, vector<64x64xf32>
    %dot_general3A_47 = arith.constant dense<0.000000e+00> : vector<2000x64xf32>
    %dot_general3A_48 = tpu.matmul %mul3A_43, %get3A_46, %dot_general3A_47 {dimension_numbers = #tpu.dot_dimension_numbers<[1], [0], [0], [1], [0, 0, 1, 1], [], []>, transpose_lhs_hint = false} : vector<2000x64xf32>, vector<64x64xf32>, vector<2000x64xf32> -> vector<2000x64xf32>
    %slice3A_49 = vector.extract_strided_slice %dot_general3A_48 {offsets = [0, 0], sizes = [2000, 16], strides = [1, 1]} : vector<2000x64xf32> to vector<2000x16xf32>
    %slice3A_50 = vector.extract_strided_slice %dot_general3A_48 {offsets = [0, 16], sizes = [2000, 16], strides = [1, 1]} : vector<2000x64xf32> to vector<2000x16xf32>
    %slice3A_51 = vector.extract_strided_slice %dot_general3A_48 {offsets = [0, 32], sizes = [2000, 16], strides = [1, 1]} : vector<2000x64xf32> to vector<2000x16xf32>
    %slice3A_52 = vector.extract_strided_slice %dot_general3A_48 {offsets = [0, 48], sizes = [2000, 16], strides = [1, 1]} : vector<2000x64xf32> to vector<2000x16xf32>
    %get3A_53 = arith.constant 0 : index
    %get3A_54 = arith.constant 0 : index
    %get3A_55 = vector.load %arg3[%get3A_53, %get3A_54] : memref<2000x4xf32, #tpu.memory_space<vmem>>, vector<2000x4xf32>
    %slice3A_56 = vector.extract_strided_slice %get3A_55 {offsets = [0, 0], sizes = [2000, 1], strides = [1, 1]} : vector<2000x4xf32> to vector<2000x1xf32>
    %get3A_57 = arith.constant 0 : index
    %get3A_58 = arith.constant 0 : index
    %get3A_59 = vector.load %arg10[%get3A_57, %get3A_58] : memref<4x48xf32, #tpu.memory_space<vmem>>, vector<4x48xf32>
    %dot_general3A_60 = arith.constant dense<0.000000e+00> : vector<2000x48xf32>
    %dot_general3A_61 = tpu.matmul %get3A_55, %get3A_59, %dot_general3A_60 {dimension_numbers = #tpu.dot_dimension_numbers<[1], [0], [0], [1], [0, 0, 1, 1], [], []>, transpose_lhs_hint = false} : vector<2000x4xf32>, vector<4x48xf32>, vector<2000x48xf32> -> vector<2000x48xf32>
    %mul3A_62 = arith.mulf %slice3A_49, %slice3A : vector<2000x16xf32>
    %mul3A_63 = vector.broadcast %slice3A_56 : vector<2000x1xf32> to vector<2000x16xf32>
    %mul3A_64 = arith.mulf %mul3A_62, %mul3A_63 : vector<2000x16xf32>
    %mul3A_65 = arith.mulf %slice3A_6, %dot_general3A_61 : vector<2000x48xf32>
    %get3A_66 = arith.constant 0 : index
    %get3A_67 = arith.constant 0 : index
    %get3A_68 = vector.load %arg12[%get3A_66, %get3A_67] : memref<48x16xf32, #tpu.memory_space<vmem>>, vector<48x16xf32>
    %dot_general3A_69 = arith.constant dense<0.000000e+00> : vector<2000x16xf32>
    %dot_general3A_70 = tpu.matmul %mul3A_65, %get3A_68, %dot_general3A_69 {dimension_numbers = #tpu.dot_dimension_numbers<[1], [0], [0], [1], [0, 0, 1, 1], [], []>, transpose_lhs_hint = false} : vector<2000x48xf32>, vector<48x16xf32>, vector<2000x16xf32> -> vector<2000x16xf32>
    %mul3A_71 = arith.mulf %slice3A_52, %dot_general3A_70 : vector<2000x16xf32>
    %mul3A_72 = arith.mulf %slice3A_50, %slice3A : vector<2000x16xf32>
    %get3A_73 = arith.constant 0 : index
    %get3A_74 = arith.constant 0 : index
    %get3A_75 = vector.load %arg11[%get3A_73, %get3A_74] : memref<16x48xf32, #tpu.memory_space<vmem>>, vector<16x48xf32>
    %dot_general3A_76 = arith.constant dense<0.000000e+00> : vector<2000x48xf32>
    %dot_general3A_77 = tpu.matmul %mul3A_72, %get3A_75, %dot_general3A_76 {dimension_numbers = #tpu.dot_dimension_numbers<[1], [0], [0], [1], [0, 0, 1, 1], [], []>, transpose_lhs_hint = false} : vector<2000x16xf32>, vector<16x48xf32>, vector<2000x48xf32> -> vector<2000x48xf32>
    %mul3A_78 = arith.mulf %dot_general3A_77, %dot_general3A_61 : vector<2000x48xf32>
    %get3A_79 = arith.constant 0 : index
    %get3A_80 = arith.constant 0 : index
    %get3A_81 = vector.load %arg11[%get3A_79, %get3A_80] : memref<16x48xf32, #tpu.memory_space<vmem>>, vector<16x48xf32>
    %dot_general3A_82 = arith.constant dense<0.000000e+00> : vector<2000x48xf32>
    %dot_general3A_83 = tpu.matmul %slice3A_51, %get3A_81, %dot_general3A_82 {dimension_numbers = #tpu.dot_dimension_numbers<[1], [0], [0], [1], [0, 0, 1, 1], [], []>, transpose_lhs_hint = false} : vector<2000x16xf32>, vector<16x48xf32>, vector<2000x48xf32> -> vector<2000x48xf32>
    %mul3A_84 = arith.mulf %dot_general3A_83, %slice3A_6 : vector<2000x48xf32>
    %mul3A_85 = vector.broadcast %slice3A_56 : vector<2000x1xf32> to vector<2000x48xf32>
    %mul3A_86 = arith.mulf %mul3A_84, %mul3A_85 : vector<2000x48xf32>
    %get3A_87 = arith.constant 0 : index
    %get3A_88 = arith.constant 0 : index
    %get3A_89 = vector.load %arg13[%get3A_87, %get3A_88] : memref<16x64xf32, #tpu.memory_space<vmem>>, vector<16x64xf32>
    %dot_general3A_90 = arith.constant dense<0.000000e+00> : vector<2000x64xf32>
    %dot_general3A_91 = tpu.matmul %mul3A_64, %get3A_89, %dot_general3A_90 {dimension_numbers = #tpu.dot_dimension_numbers<[1], [0], [0], [1], [0, 0, 1, 1], [], []>, transpose_lhs_hint = false} : vector<2000x16xf32>, vector<16x64xf32>, vector<2000x64xf32> -> vector<2000x64xf32>
    %get3A_92 = arith.constant 0 : index
    %get3A_93 = arith.constant 0 : index
    %get3A_94 = vector.load %arg14[%get3A_92, %get3A_93] : memref<16x64xf32, #tpu.memory_space<vmem>>, vector<16x64xf32>
    %dot_general3A_95 = arith.constant dense<0.000000e+00> : vector<2000x64xf32>
    %dot_general3A_96 = tpu.matmul %mul3A_71, %get3A_94, %dot_general3A_95 {dimension_numbers = #tpu.dot_dimension_numbers<[1], [0], [0], [1], [0, 0, 1, 1], [], []>, transpose_lhs_hint = false} : vector<2000x16xf32>, vector<16x64xf32>, vector<2000x64xf32> -> vector<2000x64xf32>
    %add3A = arith.addf %dot_general3A_91, %dot_general3A_96 : vector<2000x64xf32>
    %get3A_97 = arith.constant 0 : index
    %get3A_98 = arith.constant 0 : index
    %get3A_99 = vector.load %arg15[%get3A_97, %get3A_98] : memref<48x64xf32, #tpu.memory_space<vmem>>, vector<48x64xf32>
    %dot_general3A_100 = arith.constant dense<0.000000e+00> : vector<2000x64xf32>
    %dot_general3A_101 = tpu.matmul %mul3A_78, %get3A_99, %dot_general3A_100 {dimension_numbers = #tpu.dot_dimension_numbers<[1], [0], [0], [1], [0, 0, 1, 1], [], []>, transpose_lhs_hint = false} : vector<2000x48xf32>, vector<48x64xf32>, vector<2000x64xf32> -> vector<2000x64xf32>
    %add3A_102 = arith.addf %add3A, %dot_general3A_101 : vector<2000x64xf32>
    %get3A_103 = arith.constant 0 : index
    %get3A_104 = arith.constant 0 : index
    %get3A_105 = vector.load %arg16[%get3A_103, %get3A_104] : memref<48x64xf32, #tpu.memory_space<vmem>>, vector<48x64xf32>
    %dot_general3A_106 = arith.constant dense<0.000000e+00> : vector<2000x64xf32>
    %dot_general3A_107 = tpu.matmul %mul3A_86, %get3A_105, %dot_general3A_106 {dimension_numbers = #tpu.dot_dimension_numbers<[1], [0], [0], [1], [0, 0, 1, 1], [], []>, transpose_lhs_hint = false} : vector<2000x48xf32>, vector<48x64xf32>, vector<2000x64xf32> -> vector<2000x64xf32>
    %add3A_108 = arith.addf %add3A_102, %dot_general3A_107 : vector<2000x64xf32>
    %get3A_109 = arith.constant 0 : index
    %get3A_110 = arith.constant 0 : index
    %get3A_111 = vector.load %arg4[%get3A_109, %get3A_110] : memref<2000x4xf32, #tpu.memory_space<vmem>>, vector<2000x4xf32>
    %slice3A_112 = vector.extract_strided_slice %add3A_108 {offsets = [0, 0], sizes = [2000, 32], strides = [1, 1]} : vector<2000x64xf32> to vector<2000x32xf32>
    %slice3A_113 = vector.extract_strided_slice %add3A_108 {offsets = [0, 32], sizes = [2000, 32], strides = [1, 1]} : vector<2000x64xf32> to vector<2000x32xf32>
    %slice3A_114 = vector.extract_strided_slice %get3A_111 {offsets = [0, 0], sizes = [2000, 1], strides = [1, 1]} : vector<2000x4xf32> to vector<2000x1xf32>
    %mul3A_115 = vector.broadcast %slice3A_114 : vector<2000x1xf32> to vector<2000x32xf32>
    %mul3A_116 = arith.mulf %slice3A_112, %mul3A_115 : vector<2000x32xf32>
    %slice3A_117 = vector.extract_strided_slice %get3A_111 {offsets = [0, 1], sizes = [2000, 1], strides = [1, 1]} : vector<2000x4xf32> to vector<2000x1xf32>
    %mul3A_118 = vector.broadcast %slice3A_117 : vector<2000x1xf32> to vector<2000x32xf32>
    %mul3A_119 = arith.mulf %slice3A_112, %mul3A_118 : vector<2000x32xf32>
    %slice3A_120 = vector.extract_strided_slice %get3A_111 {offsets = [0, 2], sizes = [2000, 1], strides = [1, 1]} : vector<2000x4xf32> to vector<2000x1xf32>
    %mul3A_121 = vector.broadcast %slice3A_120 : vector<2000x1xf32> to vector<2000x32xf32>
    %mul3A_122 = arith.mulf %slice3A_112, %mul3A_121 : vector<2000x32xf32>
    %slice3A_123 = vector.extract_strided_slice %get3A_111 {offsets = [0, 3], sizes = [2000, 1], strides = [1, 1]} : vector<2000x4xf32> to vector<2000x1xf32>
    %mul3A_124 = vector.broadcast %slice3A_123 : vector<2000x1xf32> to vector<2000x32xf32>
    %mul3A_125 = arith.mulf %slice3A_112, %mul3A_124 : vector<2000x32xf32>
    %concatenate3A = tpu.concatenate %mul3A_116, %mul3A_119, %mul3A_122, %mul3A_125 in 1 : vector<2000x32xf32>, vector<2000x32xf32>, vector<2000x32xf32>, vector<2000x32xf32> -> vector<2000x128xf32>
    %swap3A = arith.constant 0 : index
    %swap3A_126 = arith.constant 0 : index
    %swap3A_127 = vector.load %arg17[%swap3A, %swap3A_126] : memref<2000x128xf32, #tpu.memory_space<vmem>>, vector<2000x128xf32>
    tpu.vector_store %arg17[%swap3A, %swap3A_126], %concatenate3A {strides = array<i32>} : memref<2000x128xf32, #tpu.memory_space<vmem>>, vector<2000x128xf32>,
    %slice3A_128 = vector.extract_strided_slice %get3A_111 {offsets = [0, 0], sizes = [2000, 1], strides = [1, 1]} : vector<2000x4xf32> to vector<2000x1xf32>
    %mul3A_129 = vector.broadcast %slice3A_128 : vector<2000x1xf32> to vector<2000x32xf32>
    %mul3A_130 = arith.mulf %slice3A_113, %mul3A_129 : vector<2000x32xf32>
    %slice3A_131 = vector.extract_strided_slice %get3A_111 {offsets = [0, 1], sizes = [2000, 1], strides = [1, 1]} : vector<2000x4xf32> to vector<2000x1xf32>
    %mul3A_132 = vector.broadcast %slice3A_131 : vector<2000x1xf32> to vector<2000x32xf32>
    %mul3A_133 = arith.mulf %slice3A_113, %mul3A_132 : vector<2000x32xf32>
    %slice3A_134 = vector.extract_strided_slice %get3A_111 {offsets = [0, 2], sizes = [2000, 1], strides = [1, 1]} : vector<2000x4xf32> to vector<2000x1xf32>
    %mul3A_135 = vector.broadcast %slice3A_134 : vector<2000x1xf32> to vector<2000x32xf32>
    %mul3A_136 = arith.mulf %slice3A_113, %mul3A_135 : vector<2000x32xf32>
    %slice3A_137 = vector.extract_strided_slice %get3A_111 {offsets = [0, 3], sizes = [2000, 1], strides = [1, 1]} : vector<2000x4xf32> to vector<2000x1xf32>
    %mul3A_138 = vector.broadcast %slice3A_137 : vector<2000x1xf32> to vector<2000x32xf32>
    %mul3A_139 = arith.mulf %slice3A_113, %mul3A_138 : vector<2000x32xf32>
    %concatenate3A_140 = tpu.concatenate %mul3A_130, %mul3A_133, %mul3A_136, %mul3A_139 in 1 : vector<2000x32xf32>, vector<2000x32xf32>, vector<2000x32xf32>, vector<2000x32xf32> -> vector<2000x128xf32>
    %swap3A_141 = arith.constant 0 : index
    %swap3A_142 = arith.constant 0 : index
    %swap3A_143 = vector.load %arg18[%swap3A_141, %swap3A_142] : memref<2000x128xf32, #tpu.memory_space<vmem>>, vector<2000x128xf32>
    tpu.vector_store %arg18[%swap3A_141, %swap3A_142], %concatenate3A_140 {strides = array<i32>} : memref<2000x128xf32, #tpu.memory_space<vmem>>, vector<2000x128xf32>,
    return
  }
  func.func @transform_0(%arg0: i32) -> (i32, i32) {
    %c0_i32 = arith.constant 0 : i32
    %c0_i32_0 = arith.constant 0 : i32
    return %arg0, %c0_i32 : i32, i32
  }
  func.func @transform_1(%arg0: i32) -> (i32, i32) {
    %c0_i32 = arith.constant 0 : i32
    %c0_i32_0 = arith.constant 0 : i32
    return %arg0, %c0_i32 : i32, i32
  }
  func.func @transform_2(%arg0: i32) -> (i32, i32) {
    %c0_i32 = arith.constant 0 : i32
    %c0_i32_0 = arith.constant 0 : i32
    return %arg0, %c0_i32 : i32, i32
  }
  func.func @transform_3(%arg0: i32) -> (i32, i32) {
    %c0_i32 = arith.constant 0 : i32
    %c0_i32_0 = arith.constant 0 : i32
    return %arg0, %c0_i32 : i32, i32
  }
  func.func @transform_4(%arg0: i32) -> (i32, i32) {
    %c0_i32 = arith.constant 0 : i32
    %c0_i32_0 = arith.constant 0 : i32
    %c0_i32_1 = arith.constant 0 : i32
    return %c0_i32, %c0_i32_0 : i32, i32
  }
  func.func @transform_5(%arg0: i32) -> (i32, i32) {
    %c0_i32 = arith.constant 0 : i32
    %c0_i32_0 = arith.constant 0 : i32
    %c0_i32_1 = arith.constant 0 : i32
    return %c0_i32, %c0_i32_0 : i32, i32
  }
  func.func @transform_6(%arg0: i32) -> (i32, i32) {
    %c0_i32 = arith.constant 0 : i32
    %c0_i32_0 = arith.constant 0 : i32
    %c0_i32_1 = arith.constant 0 : i32
    return %c0_i32, %c0_i32_0 : i32, i32
  }
  func.func @transform_7(%arg0: i32) -> (i32, i32) {
    %c0_i32 = arith.constant 0 : i32
    %c0_i32_0 = arith.constant 0 : i32
    %c0_i32_1 = arith.constant 0 : i32
    return %c0_i32, %c0_i32_0 : i32, i32
  }
  func.func @transform_8(%arg0: i32) -> (i32, i32) {
    %c0_i32 = arith.constant 0 : i32
    %c0_i32_0 = arith.constant 0 : i32
    %c0_i32_1 = arith.constant 0 : i32
    return %c0_i32, %c0_i32_0 : i32, i32
  }
  func.func @transform_9(%arg0: i32) -> (i32, i32) {
    %c0_i32 = arith.constant 0 : i32
    %c0_i32_0 = arith.constant 0 : i32
    %c0_i32_1 = arith.constant 0 : i32
    return %c0_i32, %c0_i32_0 : i32, i32
  }
  func.func @transform_10(%arg0: i32) -> (i32, i32) {
    %c0_i32 = arith.constant 0 : i32
    %c0_i32_0 = arith.constant 0 : i32
    %c0_i32_1 = arith.constant 0 : i32
    return %c0_i32, %c0_i32_0 : i32, i32
  }
  func.func @transform_11(%arg0: i32) -> (i32, i32) {
    %c0_i32 = arith.constant 0 : i32
    %c0_i32_0 = arith.constant 0 : i32
    %c0_i32_1 = arith.constant 0 : i32
    return %c0_i32, %c0_i32_0 : i32, i32
  }
  func.func @transform_12(%arg0: i32) -> (i32, i32) {
    %c0_i32 = arith.constant 0 : i32
    %c0_i32_0 = arith.constant 0 : i32
    %c0_i32_1 = arith.constant 0 : i32
    return %c0_i32, %c0_i32_0 : i32, i32
  }
  func.func @transform_13(%arg0: i32) -> (i32, i32) {
    %c0_i32 = arith.constant 0 : i32
    %c0_i32_0 = arith.constant 0 : i32
    %c0_i32_1 = arith.constant 0 : i32
    return %c0_i32, %c0_i32_0 : i32, i32
  }
  func.func @transform_14(%arg0: i32) -> (i32, i32) {
    %c0_i32 = arith.constant 0 : i32
    %c0_i32_0 = arith.constant 0 : i32
    %c0_i32_1 = arith.constant 0 : i32
    return %c0_i32, %c0_i32_0 : i32, i32
  }
  func.func @transform_15(%arg0: i32) -> (i32, i32) {
    %c0_i32 = arith.constant 0 : i32
    %c0_i32_0 = arith.constant 0 : i32
    %c0_i32_1 = arith.constant 0 : i32
    return %c0_i32, %c0_i32_0 : i32, i32
  }
  func.func @transform_16(%arg0: i32) -> (i32, i32) {
    %c0_i32 = arith.constant 0 : i32
    %c0_i32_0 = arith.constant 0 : i32
    return %arg0, %c0_i32 : i32, i32
  }
  func.func @transform_17(%arg0: i32) -> (i32, i32) {
    %c0_i32 = arith.constant 0 : i32
    %c0_i32_0 = arith.constant 0 : i32
    return %arg0, %c0_i32 : i32, i32
  }
}

</mosaic_0001>

<sc_bundles>
// kernel: kernel.5.cloned.1.call-start
scs
__scs_entry_jumppad:
0x0: {  	(pc) =	sbr.rel $0x88, $3  }
0x1: {  	(tag) =	ssettag $0x0;
	lr =	simm.s32 $0x1  }
0x2: {  	[smem:$0x3F95] =	sst lr;
	_ =	strace $0xD0000000  }
0x3: {  	_ = 	snop  }
0x4: {  	_ = 	snop  }
0x5: {  	_ = 	snop  }
0x6: {  	_ = 	snop  }
0x7: {  	_ = 	snop  }
__scs_overlays_trampoline_lowered:
0x8: {  	[smem:$0x3FA4] =	sst s0  }
0x9: {  	[smem:$0x3FA5] =	sst s1  }
0xa: {  	[smem:$0x3FA6] =	sst s2  }
0xb: {  	[smem:$0x3FA7] =	sst s3  }
0xc: {  	[smem:$0x3FA8] =	sst s4  }
0xd: {  	[smem:$0x3FA9] =	sst s5  }
0xe: {  	[smem:$0x3FAA] =	sst s6  }
0xf: {  	[smem:$0x3FAB] =	sst s7  }
0x10: {  	[smem:$0x3FAC] =	sst s8  }
0x11: {  	[smem:$0x3FAD] =	sst s9;
	s0 =	simm.s32 @!p0 $0x0  }
0x12: {  	s1 =	sld [smem:$0x3F93];
	s0 =	simm.s32 @p0 $0x1  }
0x13: {  	[smem:$0x3FAE] =	sst s0;
	s0 =	simm.s32 @!p1 $0x0  }
0x14: {  	s2 =	sld [smem:$0x3F92];
	s0 =	simm.s32 @p1 $0x1  }
0x15: {  	[smem:$0x3FAF] =	sst s0;
	s0 =	simm.s32 @!p2 $0x0  }
0x16: {  	s3 =	sld [smem:$0x3FDB];
	s0 =	simm.s32 @p2 $0x1  }
0x17: {  	s4 =	simm.s32 $0x1BF5;
	[smem:$0x3FB1] =	sst s0  }
0x18: {  	s0 =	sld [smem:$0x3F94];
	_ =	swait.ge [sflag:s4], $0x0  }
0x19: {  	s7 =	sld [smem:$0x3F95]  }
0x1a: {  	s8 =	sadd.s32 $0xFFFFE003, lr  }
0x1b: {  	s9 =	sadd.s32 $0xFFFFFEF7, lr;
	s5 =	simm.s32 $0xFFFFFFFF;
	p2 =	slt.u32 s8, $0xFFFFF086  }
0x1c: {  	p1 =	slt.u32 s9, $0xF7A;
	s5 =	simm.s32 @!p2 $0x0  }
0x1d: {  	s5 =	simm.s32 @p1 $0x1;
	p0 =	seq.s32 s7, s2  }
0x1e: {  	s7 =	smul.u32 @!p0 $0xF7A, s2;
	p2 =	seq.s32 @!p0 s5, $0x0  }
0x1f: {  	s9 =	smul.u32 $0xF7A, s1;
	s8 =	simm.s32 @!p0 $0x1BF5;
	p2 =	por !p2, p0  }
0x20: {  	[sflag:s8] =	ssyncset.s32 @!p0 $0xFFFFF086;
	s6 =	sadd.s32 @!p0 s3, s7;
	s7 =	simm.s32 @!p0 $0x108  }
0x21: {  	s3 =	sadd.s32 s3, s9;
	s6 =	sadd.s32 @!p0 $0x88, s6;
	s7 =	simm.s32 @p2 $0x1082  }
0x22: {  	[simem:s7], [sflag:s8] =	dma.local @!p0 [hbm:s6], $0xF7A  }
0x23: {  	s9 =	sor.u32 $0xD0000000, s2;
	s6 =	simm.s32 $0x108;
	_ =	swait.ge @!p0 [sflag:s8], $0x0  }
0x24: {  	s3 =	sadd.s32 $0x88, s3;
	s6 =	simm.s32 @!p1 $0x1082;
	[sflag:s4] =	ssyncset.s32 $0xFFFFF086  }
0x25: {  	[simem:s6], [sflag:s4] =	dma.local [hbm:s3], $0xF7A  }
0x26: {  	[smem:$0x3F95] =	sst s1;
	(tag) =	ssettag s2;
	_ =	strace s9  }
0x27: {  	s1 =	sld [smem:$0x3FA5]  }
0x28: {  	s2 =	sld [smem:$0x3FA6]  }
0x29: {  	s4 =	sld [smem:$0x3FA8]  }
0x2a: {  	p0 =	seq.s32 s5, $0x0;
	s5 =	sld [smem:$0x3FA9]  }
0x2b: {  	s6 =	sld [smem:$0x3FAA]  }
0x2c: {  	s7 =	sld [smem:$0x3FAB]  }
0x2d: {  	s3 =	simm.s32 $0x108;
	s8 =	sld [smem:$0x3FAC]  }
0x2e: {  	s3 =	simm.s32 @!p0 $0x1082;
	s9 =	sld [smem:$0x3FAD]  }
0x2f: {  	lr =	sadd.s32 s0, s3;
	s0 =	sld [smem:$0x3FA4]  }
0x30: {  	s3 =	sld [smem:$0x3FA7]  }
0x31: {  	[smem:$0x3FB0] =	sst s10  }
0x32: {  	s10 =	sld [smem:$0x3FAE];
	_ =	sdelay $0x3  }
0x33: {  	p0 =	seq.s32 s10, $0x1;
	s10 =	sld [smem:$0x3FB0];
	_ =	sdelay $0x3  }
0x34: {  	[smem:$0x3FB0] =	sst s10  }
0x35: {  	s10 =	sld [smem:$0x3FAF];
	_ =	sdelay $0x3  }
0x36: {  	p1 =	seq.s32 s10, $0x1;
	s10 =	sld [smem:$0x3FB0];
	_ =	sdelay $0x3  }
0x37: {  	[smem:$0x3FB0] =	sst s10  }
0x38: {  	s10 =	sld [smem:$0x3FB1]  }
0x39: {  	_ = 	snop;
	(pc) =	sbr.ind lr, $3  }
0x3a: {  	_ = 	snop  }
0x3b: {  	_ = 	snop  }
0x3c: {  	p2 =	seq.s32 s10, $0x1;
	s10 =	sld [smem:$0x3FB0]  }
0x3d: {  	_ =	shalt  }
0x3e: {  	_ =	shalt  }
0x3f: {  	_ =	shalt  }
0x40: {  	_ =	shalt  }
0x41: {  	_ =	shalt  }
0x42: {  	_ =	shalt  }
0x43: {  	_ =	shalt  }
0x44: {  	_ =	shalt  }
0x45: {  	_ =	shalt  }
0x46: {  	_ =	shalt  }
0x47: {  	_ =	shalt  }
0x48: {  	_ =	shalt  }
0x49: {  	_ =	shalt  }
0x4a: {  	_ =	shalt  }
0x4b: {  	_ =	shalt  }
0x4c: {  	_ =	shalt  }
0x4d: {  	_ =	shalt  }
0x4e: {  	_ =	shalt  }
0x4f: {  	_ =	shalt  }
0x50: {  	_ =	shalt  }
0x51: {  	_ =	shalt  }
0x52: {  	_ =	shalt  }
0x53: {  	_ =	shalt  }
0x54: {  	_ =	shalt  }
0x55: {  	_ =	shalt  }
0x56: {  	_ =	shalt  }
0x57: {  	_ =	shalt  }
0x58: {  	_ =	shalt  }
0x59: {  	_ =	shalt  }
0x5a: {  	_ =	shalt  }
0x5b: {  	_ =	shalt  }
0x5c: {  	_ =	shalt  }
0x5d: {  	_ =	shalt  }
0x5e: {  	_ =	shalt  }
0x5f: {  	_ =	shalt  }
0x60: {  	_ =	shalt  }
0x61: {  	_ =	shalt  }
0x62: {  	_ =	shalt  }
0x63: {  	_ =	shalt  }
0x64: {  	_ =	shalt  }
0x65: {  	_ =	shalt  }
0x66: {  	_ =	shalt  }
0x67: {  	_ =	shalt  }
0x68: {  	_ =	shalt  }
0x69: {  	_ =	shalt  }
0x6a: {  	_ =	shalt  }
0x6b: {  	_ =	shalt  }
0x6c: {  	_ =	shalt  }
0x6d: {  	_ =	shalt  }
0x6e: {  	_ =	shalt  }
0x6f: {  	_ =	shalt  }
0x70: {  	_ =	shalt  }
0x71: {  	_ =	shalt  }
0x72: {  	_ =	shalt  }
0x73: {  	_ =	shalt  }
0x74: {  	_ =	shalt  }
0x75: {  	_ =	shalt  }
0x76: {  	_ =	shalt  }
0x77: {  	_ =	shalt  }
0x78: {  	_ =	shalt  }
0x79: {  	_ =	shalt  }
0x7a: {  	_ =	shalt  }
0x7b: {  	_ =	shalt  }
0x7c: {  	_ =	shalt  }
0x7d: {  	_ =	shalt  }
0x7e: {  	_ =	shalt  }
0x7f: {  	_ =	shalt  }
0x80: {  	_ =	shalt  }
0x81: {  	_ =	shalt  }
0x82: {  	_ =	shalt  }
0x83: {  	_ =	shalt  }
0x84: {  	_ =	shalt  }
0x85: {  	_ =	shalt  }
0x86: {  	_ =	shalt  }
0x87: {  	_ =	shalt  }
.Lfunc_end0:
.L_simem_size_0:
called_computation_lowered:
.L_overlay_start_0:
0x88: {  	s2 =	sld [smem:$0x3FD9]  }
0x89: {  	s3 =	sld [smem:$0x3FFE];
	_ =	sdelay $0x1  }
0x8a: {  	s1 =	srdreg.scid  }
0x8b: {  	s0 =	sand.u32 $0x1, s1  }
0x8c: {  	s16 =	sshll.u32 s0, $0xA;
	s2 =	sadd.s32 s3, s2  }
0x8d: {  	s2 =	sadd.s32 s2, s16  }
0x8e: {  	[smem:$0x3FBC] =	sst s2  }
0x8f: {  	_ = 	snop  }
0x90: {  	(tm) =	ssettm $0x1  }
0x91: {  	s17 =	sld [smem:$0x3FFB];
	_ =	sdelay $0x3  }
0x92: {  	_ =	strace s17  }
0x93: {  	s2 =	sld [smem:$0x3FFC];
	_ =	sdelay $0x3  }
0x94: {  	_ =	strace s2  }
0x95: {  	s2 =	sld [smem:$0x3FFD];
	_ =	sdelay $0x3  }
0x96: {  	_ =	strace s2  }
0x97: {  	_ =	strace $0x8FFFFFFF  }
0x98: {  	s18 =	sld [smem:$0x3FDB];
	_ =	sdelay $0x1  }
0x99: {  	s19 =	simm.s32 $_scs_section_size  }
0x9a: {  	s4 =	simm.s32 $_size__tile_overlayer_lowered;
	s5 =	simm.s32 $_tile_overlayer_lowered  }
0x9b: {  	s22 =	simm.s32 $0x1BFF;
	s21 =	sshll.u32 s5, $0x1;
	s2 =	sadd.s32 s19, s18  }
0x9c: {  	s6 =	simm.s32 $0x0;
	s20 =	sshll.u32 s4, $0x1;
	s4 =	sadd.s32 s21, s2  }
0x9d: {  	[timem:s6], [sflag:s22] =	dma.local [hbm:s4], s20  }
0x9e: {  	_ =	swait.ge [sflag:s22], s20  }
0x9f: {  	s3 =	ssub.s32 $0x0, s20;
	[sflag:s22] =	ssyncset.done $0x0  }
0xa0: {  	[sflag:s22] =	ssyncadd.s32 s3;
	_ =	sdelay $0x1  }
0xa1: {  	s23 =	simm.s32 $0x1B8B  }
0xa2: {  	_ =	swait.ge [sflag:s23], $0x1  }
0xa3: {  	[sflag:s23] =	ssyncset.done $0x0  }
0xa4: {  	s25 =	simm.s32 $0x1B8E;
	s24 =	sld [smem:$0x3FFE];
	[sflag:s23] =	ssyncadd.s32 $0xFFFFFFFF  }
0xa5: {  	s26 =	simm.s32 $execute0_lowered;
	[smem:$0x3FD2] =	sst s25  }
0xa6: {  	s4 =	sshll.u32 s26, $0x1;
	_ =	strace $0x80000046;
	[dreg:$0x1] =	wrdreg $0xFFFFFFFF  }
0xa7: {  	s28 =	simm.s32 $_size_execute0_lowered;
	s2 =	sadd.s32 s2, s4;
	[dreg:$0x0] =	wrdreg $0x0  }
0xa8: {  	s4 =	sshll.u32 s28, $0x1;
	[dreg:$0x2] =	wrdreg s2  }
0xa9: {  	[dreg:$0x3] =	wrdreg s4  }
0xaa: {  	[dreg:$0x4] =	wrdreg $0xC0  }
0xab: {  	_ =	task [dreg:s6], $0x5FFFF  }
0xac: {  	[dreg:$0x1] =	wrdreg $0xFFFFFFFF  }
0xad: {  	[dreg:$0x0] =	wrdreg $0x60  }
0xae: {  	[dreg:$0x2] =	wrdreg s24  }
0xaf: {  	[dreg:$0x3] =	wrdreg $0x9  }
0xb0: {  	_ =	task.clear_ibuf [dreg:s6], $0x4FFFF;
	_ =	strace $0x90000046  }
0xb1: {  	s29 =	simm.s32 $0x9;
	_ =	strace $0x80000048  }
0xb2: {  	_ =	swait.ge [sflag:s29], $0x1  }
0xb3: {  	[sflag:s29] =	ssyncadd.s32 $0xFFFFFFFF  }
0xb4: {  	_ =	strace $0x90000048  }
0xb5: {  	_ =	sfence  }
0xb6: {  	s30 =	sld [smem:$0x0];
	_ =	sdelay $0x2  }
0xb7: {  	s31 =	sshll.u32 s1, $0xD;
	s1 =	sshrl.u32 s1, $0x2  }
0xb8: {  	s3 =	sand.u32 $0x4000, s31;
	s1 =	sadd.s32 s1, s30  }
0xb9: {  	s0 =	sor.u32 s3, s0;
	s1 =	sshll.u32 s1, $0x11  }
0xba: {  	s0 =	sor.u32 s1, s0  }
0xbb: {  	s0 =	sadd.s32 $0x8F2B, s0  }
0xbc: {  	[sflag:s0] =	ssyncadd.remote.s32 $0x1  }
0xbd: {  	_ =	sfence.sel $0xFFFF  }
0xbe: {  	[dreg:$0x0] =	wrdreg $0xFFFFFFFF;
	(pc) =	sbr.abs _section_cstart, $3  }
0xbf: {  	[dreg:$0x1] =	wrdreg $0xFFFFFFFF  }
0xc0: {  	_ =	task.clear_ibuf [dreg:s6], $0x2FFFF;
	_ =	strace $0x9FFFFFFF  }
0xc1: {  	(tm) =	ssettm $0x7FFFFFFF  }
tec
execute0_lowered:
.L_overlay_start_1:
0x0: {  	(tag) =	ssettag $0x1  }
0x1: {  	s1 =	srdreg.scid;
	s0 =	stileid.u32  }
0x2: {  	s4 =	rddreg [dreg:$0x0];
	s2 =	simm.s32 $0x0;
	s15 =	simm.s32 $0x1  }
0x3: {  	s16 =	simm.s32 $0xA200;
	s17 =	simm.s32 $0x2;
	s18 =	simm.s32 $0x6100  }
0x4: {  	s19 =	simm.s32 $0x28;
	s20 =	simm.s32 $0x6180;
	s12 =	smul.u32 $0xC3500, s0  }
0x5: {  	s21 =	simm.s32 $0xE200;
	s7 =	sand.u32 $0x1, s1;
	s28 =	smul.u32 $0x61A800, s0  }
0x6: {  	s22 =	simm.s32 $0x0;
	s3 =	sshll.u32 s0, $0x1;
	s14 =	smul.u32 $0x30D400, s7  }
0x7: {  	s1 =	rddreg [dreg:$0x1];
	s5 =	sor.u32 s7, s3;
	s29 =	smul.u32 $0x61A80, s7  }
0x8: {  	[smem:$0x7FF] =	sst s2;
	s11 =	sadd.s32 $0xDF000, s4;
	s6 =	smul.u32 $0x61A8, s5  }
0x9: {  	_ =	strace $0x80000047;
	s9 =	ssub.s32 $0x2, s7;
	s8 =	smul.u32 $0x30D400, s5  }
0xa: {  	s3 =	sadd.s32 $0x1BA00, s4;
	s10 =	smul.u32 $0x61A80, s5;
	s25 =	sshrl.u32 s9, $0x1  }
0xb: {  	s30 =	sadd.s32 s12, s11;
	s9 =	ssub.s32 s9, s25;
	s31 =	sadd.s32 s14, s28  }
0xc: {  	s14 =	simm.s32 $0x6200;
	s6 =	sshrl.u32 s6, $0x3;
	s26 =	sshrl.u32 s8, $0x3  }
0xd: {  	s7 =	sadd.s32 s11, s10;
	s10 =	sadd.s32 s29, s30;
	s12 =	sadd.s32 $0xC000, s31  }
0xe: {  	s6 =	sadd.s32 s6, s4;
	s13 =	sadd.s32 s11, s26;
	s10 =	sadd.s32 $0x1000, s10  }
0xf: {  	s12 =	sshrl.u32 s12, $0x3;
	s4 =	sadd.s32 $0x3200, s6;
	s5 =	sadd.s32 $0x61800, s13  }
0x10: {  	s6 =	smax.u32 s9, $0x1;
	s8 =	sadd.s32 $0x800, s13;
	s9 =	sadd.s32 $0x61000, s7  }
0x11: {  	s11 =	sadd.s32 s12, s11;
	s12 =	simm.s32 $0x3;
	s13 =	simm.s32 $0x80  }
.LBB2_1:
0x12: {  	[tilespmem:s2], [sflag:$0x3] =	stream.linear.gather [hbm4b:s4+s2], $0x61A8, $0x38;
	[tilespmem:$0xF600] =	vst v63  }
0x13: {  	_ =	swait.ge [sflag:s12], $0x61A8  }
0x14: {  	[sflag:s12] =	ssyncset.done $0x0  }
0x15: {  	[sflag:s12] =	ssyncadd.s32 $0xFFFF9E58  }
0x16: {  	[tilespmem:s14], [sflag:$0x1] =	stream.indirect.gather [hbm4b:s3+s13], $0x80, s2, s13, $0xb8;
	[tilespmem:$0xF600] =	vst v63  }
0x17: {  	_ =	swait.ge [sflag:s15], $0x4000  }
0x18: {  	[sflag:s15] =	ssyncset.done $0x0  }
0x19: {  	[sflag:s15] =	ssyncadd.s32 $0xFFFFC000  }
0x1a: {  	[hbm4b:s7+s2] =	stream.linear.scatter [tilespmem:s14], [sflag:$0x2], $0x4000, $0x38;
	[tilespmem:$0xF600] =	vst v63  }
0x1b: {  	_ = 	snop  }
0x1c: {  	[tilespmem:s16], [sflag:$0x1] =	stream.indirect.gather [hbm4b:s3+s13], $0x80, s13, s13, $0xb8;
	[tilespmem:$0xF600] =	vst v63  }
0x1d: {  	_ =	swait.ge [sflag:s15], $0x4000  }
0x1e: {  	[sflag:s15] =	ssyncset.done $0x0  }
0x1f: {  	[sflag:s15] =	ssyncadd.s32 $0xFFFFC000  }
0x20: {  	[hbm4b:s8+s2] =	stream.linear.scatter [tilespmem:s16], [sflag:$0x2], $0x4000, $0x38;
	[tilespmem:$0xF600] =	vst v63  }
0x21: {  	_ =	swait.ge [sflag:s17], $0x4000  }
0x22: {  	[sflag:s17] =	ssyncset.done $0x0  }
0x23: {  	s23 =	simm.s32 $0x100;
	[sflag:s17] =	ssyncadd.s32 $0xFFFFC000  }
0x24: {  	[tilespmem:s14], [sflag:$0x1] =	stream.indirect.gather [hbm4b:s3+s13], $0x80, s23, s13, $0xb8;
	[tilespmem:$0xF600] =	vst v63  }
0x25: {  	_ =	swait.ge [sflag:s15], $0x4000  }
0x26: {  	[sflag:s15] =	ssyncset.done $0x0  }
0x27: {  	s30 =	sadd.s32 $0x0, s10;
	[sflag:s15] =	ssyncadd.s32 $0xFFFFC000  }
0x28: {  	[hbm4b:s30+s2] =	stream.linear.scatter [tilespmem:s14], [sflag:$0x2], $0x4000, $0x38;
	[tilespmem:$0xF600] =	vst v63  }
0x29: {  	_ =	swait.ge [sflag:s17], $0x4000  }
0x2a: {  	[sflag:s17] =	ssyncset.done $0x0  }
0x2b: {  	s31 =	simm.s32 $0x180;
	[sflag:s17] =	ssyncadd.s32 $0xFFFFC000  }
0x2c: {  	[tilespmem:s16], [sflag:$0x1] =	stream.indirect.gather [hbm4b:s3+s13], $0x80, s31, s13, $0xb8;
	[tilespmem:$0xF600] =	vst v63  }
0x2d: {  	_ =	swait.ge [sflag:s15], $0x4000  }
0x2e: {  	s25 =	sadd.s32 $0x0, s11;
	[sflag:s15] =	ssyncset.done $0x0  }
0x2f: {  	s24 =	simm.s32 $0x200;
	s23 =	simm.s32 $0x1000;
	[sflag:s15] =	ssyncadd.s32 $0xFFFFC000  }
.LBB2_2:
0x30: {  	[hbm4b:s25+s2] =	stream.linear.scatter [tilespmem:s16], [sflag:$0x2], $0x4000, $0x38;
	[tilespmem:$0xF600] =	vst v63  }
0x31: {  	s25 =	smov.u32 s23  }
0x32: {  	p0 =	sne.s32 s23, $0x5F000;
	s23 =	sadd.s32 $0x1000, s23;
	_ =	swait.ge [sflag:s17], $0x4000  }
0x33: {  	[sflag:s17] =	ssyncset.done $0x0  }
0x34: {  	[sflag:s17] =	ssyncadd.s32 $0xFFFFC000  }
0x35: {  	[tilespmem:s14], [sflag:$0x1] =	stream.indirect.gather [hbm4b:s3+s13], $0x80, s24, s13, $0xb8;
	[tilespmem:$0xF600] =	vst v63  }
0x36: {  	_ =	swait.ge [sflag:s15], $0x4000  }
0x37: {  	[sflag:s15] =	ssyncset.done $0x0  }
0x38: {  	s26 =	sadd.s32 s25, s10;
	[sflag:s15] =	ssyncadd.s32 $0xFFFFC000  }
0x39: {  	[hbm4b:s26+s2] =	stream.linear.scatter [tilespmem:s14], [sflag:$0x2], $0x4000, $0x38;
	[tilespmem:$0xF600] =	vst v63  }
0x3a: {  	_ =	swait.ge [sflag:s17], $0x4000  }
0x3b: {  	[sflag:s17] =	ssyncset.done $0x0  }
.Ltmp0:
0x3c: {  	s26 =	sadd.s32 $0x80, s24;
	[sflag:s17] =	ssyncadd.s32 $0xFFFFC000;
	(pc) =	sbr.rel @p0 .LBB2_2-.Ltmp0, $4  }
0x3d: {  	[tilespmem:s16], [sflag:$0x1] =	stream.indirect.gather [hbm4b:s3+s13], $0x80, s26, s13, $0xb8;
	[tilespmem:$0xF600] =	vst v63  }
0x3e: {  	_ =	swait.ge [sflag:s15], $0x4000  }
0x3f: {  	[sflag:s15] =	ssyncset.done $0x0  }
0x40: {  	s25 =	sadd.s32 s25, s11;
	s24 =	sadd.s32 $0x100, s24;
	[sflag:s15] =	ssyncadd.s32 $0xFFFFC000  }
0x41: {  	[hbm4b:s25+s2] =	stream.linear.scatter [tilespmem:s16], [sflag:$0x2], $0x4000, $0x38;
	[tilespmem:$0xF600] =	vst v63  }
0x42: {  	_ =	swait.ge [sflag:s17], $0x4000  }
0x43: {  	[sflag:s17] =	ssyncset.done $0x0  }
0x44: {  	[sflag:s17] =	ssyncadd.s32 $0xFFFFC000  }
0x45: {  	[tilespmem:s14], [sflag:$0x1] =	stream.indirect.gather [hbm4b:s3+s13], $0x80, s18, s13, $0xb8;
	[tilespmem:$0xF600] =	vst v63  }
0x46: {  	_ =	swait.ge [sflag:s15], $0x4000  }
0x47: {  	[sflag:s15] =	ssyncset.done $0x0  }
0x48: {  	[sflag:s15] =	ssyncadd.s32 $0xFFFFC000  }
0x49: {  	[hbm4b:s9+s2] =	stream.linear.scatter [tilespmem:s14], [sflag:$0x2], $0x4000, $0x38;
	[tilespmem:$0xF600] =	vst v63  }
0x4a: {  	_ =	swait.ge [sflag:s17], $0x4000  }
0x4b: {  	[sflag:s17] =	ssyncset.done $0x0  }
0x4c: {  	[sflag:s17] =	ssyncadd.s32 $0xFFFFC000  }
0x4d: {  	_ =	swait.ge [sflag:s17], $0x4000  }
0x4e: {  	[sflag:s17] =	ssyncset.done $0x0  }
0x4f: {  	[sflag:s17] =	ssyncadd.s32 $0xFFFFC000  }
0x50: {  	[tilespmem:s21], [sflag:$0x1] =	stream.indirect.gather [hbm4b:s3+s19], $0x80, s20, s19, $0xb8;
	[tilespmem:$0xF600] =	vst v63  }
0x51: {  	s22 =	sadd.s32 $0x1, s22;
	_ =	swait.ge [sflag:s15], $0x1400  }
0x52: {  	p0 =	sne.s32 s22, s6;
	[sflag:s15] =	ssyncset.done $0x0  }
.Ltmp1:
0x53: {  	[sflag:s15] =	ssyncadd.s32 $0xFFFFEC00;
	(pc) =	sbr.rel @p0 .LBB2_1-.Ltmp1, $4  }
0x54: {  	[hbm4b:s5+s2] =	stream.linear.scatter [tilespmem:s21], [sflag:$0x3], $0x1400, $0x38;
	[tilespmem:$0xF600] =	vst v63  }
0x55: {  	_ =	swait.ge [sflag:s12], $0x1400  }
0x56: {  	[sflag:s12] =	ssyncset.done $0x0  }
0x57: {  	[sflag:s12] =	ssyncadd.s32 $0xFFFFEC00  }
0x58: {  	_ =	sfence.sel $0x180000  }
0x59: {  	[bflag:$0x0] =	sbarrier.arrive $0xFFFF  }
0x5a: {  	p0 =	sne.s32 s0, $0x0;
	_ =	strace $0x90000047  }
0x5b: {  	s0 =	sadd.s32 @!p0 $0x100000, s1;
	[bflag:$0x2] =	sbarrier.arrive $0xFFFF  }
0x5c: {  	[sflag:s0] =	ssyncadd.tile.s32 @!p0 $0x1;
	_ =	shalt  }
.Lfunc_end2:
_tile_overlayer_lowered:
.L_overlay_start_2:
0x5d: {  	(tag) =	ssettag $0x2  }
0x5e: {  	s0 =	rddreg [dreg:$0x0];
	s2 =	stileid.u32  }
0x5f: {  	s1 =	rddreg [dreg:$0x1];
	p0 =	sne.s32 s2, $0x0  }
0x60: {  	s3 =	rddreg [dreg:$0x2];
	[bflag:$0x3] =	sbarrier.arrive $0xFFFF;
	s2 =	simm.s32 @!p0 $0x1C03  }
0x61: {  	[timem:s3], [sflag:s2] =	dma.local @!p0 [hbm:s0], s1  }
0x62: {  	s0 =	simm.s32 @!p0 $0x3  }
0x63: {  	_ =	swait.ge @!p0 [sflag:s0], s1  }
0x64: {  	s1 =	ssub.s32 @!p0 $0x0, s1;
	[sflag:s0] =	ssyncset.done @!p0 $0x0  }
0x65: {  	[sflag:s0] =	ssyncadd.s32 @!p0 s1  }
0x66: {  	[bflag:$0x3] =	sbarrier.arrive $0xFFFF  }
0x67: {  	_ =	shalt  }

// kernel: kernel.8.cloned.1.call-start
scs
__scs_entry_jumppad:
0x0: {  	(pc) =	sbr.rel $0x88, $3  }
0x1: {  	(tag) =	ssettag $0x0;
	lr =	simm.s32 $0x1  }
0x2: {  	[smem:$0x3F95] =	sst lr;
	_ =	strace $0xD0000000  }
0x3: {  	_ = 	snop  }
0x4: {  	_ = 	snop  }
0x5: {  	_ = 	snop  }
0x6: {  	_ = 	snop  }
0x7: {  	_ = 	snop  }
__scs_overlays_trampoline_lowered:
0x8: {  	[smem:$0x3FA4] =	sst s0  }
0x9: {  	[smem:$0x3FA5] =	sst s1  }
0xa: {  	[smem:$0x3FA6] =	sst s2  }
0xb: {  	[smem:$0x3FA7] =	sst s3  }
0xc: {  	[smem:$0x3FA8] =	sst s4  }
0xd: {  	[smem:$0x3FA9] =	sst s5  }
0xe: {  	[smem:$0x3FAA] =	sst s6  }
0xf: {  	[smem:$0x3FAB] =	sst s7  }
0x10: {  	[smem:$0x3FAC] =	sst s8  }
0x11: {  	[smem:$0x3FAD] =	sst s9;
	s0 =	simm.s32 @!p0 $0x0  }
0x12: {  	s1 =	sld [smem:$0x3F93];
	s0 =	simm.s32 @p0 $0x1  }
0x13: {  	[smem:$0x3FAE] =	sst s0;
	s0 =	simm.s32 @!p1 $0x0  }
0x14: {  	s2 =	sld [smem:$0x3F92];
	s0 =	simm.s32 @p1 $0x1  }
0x15: {  	[smem:$0x3FAF] =	sst s0;
	s0 =	simm.s32 @!p2 $0x0  }
0x16: {  	s3 =	sld [smem:$0x3FDB];
	s0 =	simm.s32 @p2 $0x1  }
0x17: {  	s4 =	simm.s32 $0x1BF5;
	[smem:$0x3FB1] =	sst s0  }
0x18: {  	s0 =	sld [smem:$0x3F94];
	_ =	swait.ge [sflag:s4], $0x0  }
0x19: {  	s7 =	sld [smem:$0x3F95]  }
0x1a: {  	s8 =	sadd.s32 $0xFFFFE003, lr  }
0x1b: {  	s9 =	sadd.s32 $0xFFFFFEF7, lr;
	s5 =	simm.s32 $0xFFFFFFFF;
	p2 =	slt.u32 s8, $0xFFFFF086  }
0x1c: {  	p1 =	slt.u32 s9, $0xF7A;
	s5 =	simm.s32 @!p2 $0x0  }
0x1d: {  	s5 =	simm.s32 @p1 $0x1;
	p0 =	seq.s32 s7, s2  }
0x1e: {  	s7 =	smul.u32 @!p0 $0xF7A, s2;
	p2 =	seq.s32 @!p0 s5, $0x0  }
0x1f: {  	s9 =	smul.u32 $0xF7A, s1;
	s8 =	simm.s32 @!p0 $0x1BF5;
	p2 =	por !p2, p0  }
0x20: {  	[sflag:s8] =	ssyncset.s32 @!p0 $0xFFFFF086;
	s6 =	sadd.s32 @!p0 s3, s7;
	s7 =	simm.s32 @!p0 $0x108  }
0x21: {  	s3 =	sadd.s32 s3, s9;
	s6 =	sadd.s32 @!p0 $0x88, s6;
	s7 =	simm.s32 @p2 $0x1082  }
0x22: {  	[simem:s7], [sflag:s8] =	dma.local @!p0 [hbm:s6], $0xF7A  }
0x23: {  	s9 =	sor.u32 $0xD0000000, s2;
	s6 =	simm.s32 $0x108;
	_ =	swait.ge @!p0 [sflag:s8], $0x0  }
0x24: {  	s3 =	sadd.s32 $0x88, s3;
	s6 =	simm.s32 @!p1 $0x1082;
	[sflag:s4] =	ssyncset.s32 $0xFFFFF086  }
0x25: {  	[simem:s6], [sflag:s4] =	dma.local [hbm:s3], $0xF7A  }
0x26: {  	[smem:$0x3F95] =	sst s1;
	(tag) =	ssettag s2;
	_ =	strace s9  }
0x27: {  	s1 =	sld [smem:$0x3FA5]  }
0x28: {  	s2 =	sld [smem:$0x3FA6]  }
0x29: {  	s4 =	sld [smem:$0x3FA8]  }
0x2a: {  	p0 =	seq.s32 s5, $0x0;
	s5 =	sld [smem:$0x3FA9]  }
0x2b: {  	s6 =	sld [smem:$0x3FAA]  }
0x2c: {  	s7 =	sld [smem:$0x3FAB]  }
0x2d: {  	s3 =	simm.s32 $0x108;
	s8 =	sld [smem:$0x3FAC]  }
0x2e: {  	s3 =	simm.s32 @!p0 $0x1082;
	s9 =	sld [smem:$0x3FAD]  }
0x2f: {  	lr =	sadd.s32 s0, s3;
	s0 =	sld [smem:$0x3FA4]  }
0x30: {  	s3 =	sld [smem:$0x3FA7]  }
0x31: {  	[smem:$0x3FB0] =	sst s10  }
0x32: {  	s10 =	sld [smem:$0x3FAE];
	_ =	sdelay $0x3  }
0x33: {  	p0 =	seq.s32 s10, $0x1;
	s10 =	sld [smem:$0x3FB0];
	_ =	sdelay $0x3  }
0x34: {  	[smem:$0x3FB0] =	sst s10  }
0x35: {  	s10 =	sld [smem:$0x3FAF];
	_ =	sdelay $0x3  }
0x36: {  	p1 =	seq.s32 s10, $0x1;
	s10 =	sld [smem:$0x3FB0];
	_ =	sdelay $0x3  }
0x37: {  	[smem:$0x3FB0] =	sst s10  }
0x38: {  	s10 =	sld [smem:$0x3FB1]  }
0x39: {  	_ = 	snop;
	(pc) =	sbr.ind lr, $3  }
0x3a: {  	_ = 	snop  }
0x3b: {  	_ = 	snop  }
0x3c: {  	p2 =	seq.s32 s10, $0x1;
	s10 =	sld [smem:$0x3FB0]  }
0x3d: {  	_ =	shalt  }
0x3e: {  	_ =	shalt  }
0x3f: {  	_ =	shalt  }
0x40: {  	_ =	shalt  }
0x41: {  	_ =	shalt  }
0x42: {  	_ =	shalt  }
0x43: {  	_ =	shalt  }
0x44: {  	_ =	shalt  }
0x45: {  	_ =	shalt  }
0x46: {  	_ =	shalt  }
0x47: {  	_ =	shalt  }
0x48: {  	_ =	shalt  }
0x49: {  	_ =	shalt  }
0x4a: {  	_ =	shalt  }
0x4b: {  	_ =	shalt  }
0x4c: {  	_ =	shalt  }
0x4d: {  	_ =	shalt  }
0x4e: {  	_ =	shalt  }
0x4f: {  	_ =	shalt  }
0x50: {  	_ =	shalt  }
0x51: {  	_ =	shalt  }
0x52: {  	_ =	shalt  }
0x53: {  	_ =	shalt  }
0x54: {  	_ =	shalt  }
0x55: {  	_ =	shalt  }
0x56: {  	_ =	shalt  }
0x57: {  	_ =	shalt  }
0x58: {  	_ =	shalt  }
0x59: {  	_ =	shalt  }
0x5a: {  	_ =	shalt  }
0x5b: {  	_ =	shalt  }
0x5c: {  	_ =	shalt  }
0x5d: {  	_ =	shalt  }
0x5e: {  	_ =	shalt  }
0x5f: {  	_ =	shalt  }
0x60: {  	_ =	shalt  }
0x61: {  	_ =	shalt  }
0x62: {  	_ =	shalt  }
0x63: {  	_ =	shalt  }
0x64: {  	_ =	shalt  }
0x65: {  	_ =	shalt  }
0x66: {  	_ =	shalt  }
0x67: {  	_ =	shalt  }
0x68: {  	_ =	shalt  }
0x69: {  	_ =	shalt  }
0x6a: {  	_ =	shalt  }
0x6b: {  	_ =	shalt  }
0x6c: {  	_ =	shalt  }
0x6d: {  	_ =	shalt  }
0x6e: {  	_ =	shalt  }
0x6f: {  	_ =	shalt  }
0x70: {  	_ =	shalt  }
0x71: {  	_ =	shalt  }
0x72: {  	_ =	shalt  }
0x73: {  	_ =	shalt  }
0x74: {  	_ =	shalt  }
0x75: {  	_ =	shalt  }
0x76: {  	_ =	shalt  }
0x77: {  	_ =	shalt  }
0x78: {  	_ =	shalt  }
0x79: {  	_ =	shalt  }
0x7a: {  	_ =	shalt  }
0x7b: {  	_ =	shalt  }
0x7c: {  	_ =	shalt  }
0x7d: {  	_ =	shalt  }
0x7e: {  	_ =	shalt  }
0x7f: {  	_ =	shalt  }
0x80: {  	_ =	shalt  }
0x81: {  	_ =	shalt  }
0x82: {  	_ =	shalt  }
0x83: {  	_ =	shalt  }
0x84: {  	_ =	shalt  }
0x85: {  	_ =	shalt  }
0x86: {  	_ =	shalt  }
0x87: {  	_ =	shalt  }
.Lfunc_end0:
.L_simem_size_0:
called_computation.1_lowered:
.L_overlay_start_0:
0x88: {  	s2 =	sld [smem:$0x3FD9]  }
0x89: {  	s3 =	sld [smem:$0x3FFE];
	_ =	sdelay $0x1  }
0x8a: {  	s1 =	srdreg.scid  }
0x8b: {  	s0 =	sand.u32 $0x1, s1  }
0x8c: {  	s17 =	sshll.u32 s0, $0xA;
	s2 =	sadd.s32 s3, s2  }
0x8d: {  	s2 =	sadd.s32 s2, s17  }
0x8e: {  	[smem:$0x3FBC] =	sst s2  }
0x8f: {  	_ = 	snop  }
0x90: {  	s2 =	sld [smem:$0x3FD0];
	(tm) =	ssettm $0x1  }
0x91: {  	s18 =	sld [smem:$0x3FFB];
	_ =	sdelay $0x3  }
0x92: {  	_ =	strace s18  }
0x93: {  	s3 =	sld [smem:$0x3FFC];
	_ =	sdelay $0x3  }
0x94: {  	_ =	strace s3  }
0x95: {  	s3 =	sld [smem:$0x3FFD];
	_ =	sdelay $0x3  }
0x96: {  	_ =	strace s3  }
0x97: {  	_ =	strace $0x8FFFFFFF  }
0x98: {  	s19 =	sld [smem:$0x3FDB];
	_ =	sdelay $0x1  }
0x99: {  	s4 =	simm.s32 $_scs_section_size  }
0x9a: {  	s5 =	simm.s32 $_size__tile_overlayer_lowered;
	s6 =	simm.s32 $_tile_overlayer_lowered  }
0x9b: {  	s22 =	simm.s32 $0x1BFF;
	s21 =	sshll.u32 s6, $0x1;
	s3 =	sadd.s32 s4, s19  }
0x9c: {  	s7 =	simm.s32 $0x0;
	s20 =	sshll.u32 s5, $0x1;
	s5 =	sadd.s32 s21, s3  }
0x9d: {  	[timem:s7], [sflag:s22] =	dma.local [hbm:s5], s20  }
0x9e: {  	_ =	swait.ge [sflag:s22], s20  }
0x9f: {  	s4 =	ssub.s32 $0x0, s20;
	[sflag:s22] =	ssyncset.done $0x0  }
0xa0: {  	[sflag:s22] =	ssyncadd.s32 s4;
	_ =	sdelay $0x1  }
0xa1: {  	s23 =	simm.s32 $0x1B8B  }
0xa2: {  	_ =	swait.ge [sflag:s23], $0x1  }
0xa3: {  	[sflag:s23] =	ssyncset.done $0x0  }
0xa4: {  	s25 =	simm.s32 $0x1B8E;
	s24 =	sld [smem:$0x3FFE];
	[sflag:s23] =	ssyncadd.s32 $0xFFFFFFFF  }
0xa5: {  	s26 =	simm.s32 $execute0_lowered;
	[smem:$0x3FD2] =	sst s25  }
0xa6: {  	s5 =	sshll.u32 s26, $0x1;
	_ =	strace $0x80000049;
	[dreg:$0x1] =	wrdreg $0xFFFFFFFF  }
0xa7: {  	s28 =	simm.s32 $_size_execute0_lowered;
	s3 =	sadd.s32 s3, s5;
	[dreg:$0x0] =	wrdreg $0x0  }
0xa8: {  	s5 =	sshll.u32 s28, $0x1;
	[dreg:$0x2] =	wrdreg s3  }
0xa9: {  	[dreg:$0x3] =	wrdreg s5  }
0xaa: {  	[dreg:$0x4] =	wrdreg $0xC0  }
0xab: {  	_ =	task [dreg:s7], $0x5FFFF  }
0xac: {  	[dreg:$0x1] =	wrdreg $0xFFFFFFFF  }
0xad: {  	[dreg:$0x0] =	wrdreg $0x60  }
0xae: {  	[dreg:$0x2] =	wrdreg s24  }
0xaf: {  	[dreg:$0x3] =	wrdreg s2  }
0xb0: {  	[dreg:$0x4] =	wrdreg $0x80800  }
0xb1: {  	[dreg:$0x5] =	wrdreg $0x9  }
0xb2: {  	_ =	task.clear_ibuf [dreg:s7], $0x6FFFF;
	_ =	strace $0x90000049  }
0xb3: {  	s29 =	simm.s32 $0x9;
	_ =	strace $0x8000004B  }
0xb4: {  	_ =	swait.ge [sflag:s29], $0x1  }
0xb5: {  	[sflag:s29] =	ssyncadd.s32 $0xFFFFFFFF  }
0xb6: {  	_ =	strace $0x9000004B  }
0xb7: {  	_ =	sfence  }
0xb8: {  	s30 =	sld [smem:$0x0];
	_ =	sdelay $0x2  }
0xb9: {  	s31 =	sshll.u32 s1, $0xD;
	s1 =	sshrl.u32 s1, $0x2  }
0xba: {  	s3 =	sand.u32 $0x4000, s31;
	s1 =	sadd.s32 s1, s30  }
0xbb: {  	s0 =	sor.u32 s3, s0;
	s1 =	sshll.u32 s1, $0x11  }
0xbc: {  	s0 =	sor.u32 s1, s0  }
0xbd: {  	s0 =	sadd.s32 $0x8F2B, s0  }
0xbe: {  	[sflag:s0] =	ssyncadd.remote.s32 $0x1  }
0xbf: {  	_ =	sfence.sel $0xFFFF  }
0xc0: {  	[dreg:$0x0] =	wrdreg $0xFFFFFFFF;
	(pc) =	sbr.abs _section_cstart, $3  }
0xc1: {  	[dreg:$0x1] =	wrdreg $0xFFFFFFFF  }
0xc2: {  	_ =	task.clear_ibuf [dreg:s7], $0x2FFFF;
	_ =	strace $0x9FFFFFFF  }
0xc3: {  	(tm) =	ssettm $0x7FFFFFFF  }
tec
execute0_lowered:
.L_overlay_start_1:
0x0: {  	(tag) =	ssettag $0x1  }
0x1: {  	s0 =	rddreg [dreg:$0x0]  }
0x2: {  	s2 =	rddreg [dreg:$0x2];
	s3 =	simm.s32 $0x0  }
0x3: {  	s4 =	stileid.u32;
	s6 =	srdreg.scid;
	s28 =	simm.s32 $0x80  }
0x4: {  	s29 =	simm.s32 $0x0;
	[smem:$0x7FF] =	sst s3;
	s7 =	smul.u32 $0x31000, s4  }
0x5: {  	s1 =	sshll.u32 s4, $0xB;
	s5 =	sshll.u32 s4, $0x4;
	s9 =	smul.u32 $0x188, s4  }
0x6: {  	s25 =	sand.u32 $0x1, s6;
	s21 =	sadd.s32 $0x25AFC00, s0;
	s15 =	smul.u32 $0xC400, s4  }
0x7: {  	s11 =	sadd.s32 $0xC4000, s2;
	s30 =	smul.u32 $0x1880, s4;
	p0 =	sne.s32 s4, $0x0  }
0x8: {  	_ =	strace $0x8000004A;
	s1 =	sadd.s32 s1, s0;
	s24 =	sadd.s32 s5, s0  }
0x9: {  	[dreg:$0x4] =	wrdreg s21;
	s8 =	ssub.s32 $0x2, s25;
	s0 =	sadd.s32 $0x25B0400, s0  }
0xa: {  	p1 =	sne.s32 s25, $0x0;
	s25 =	simm.s32 $0x4080;
	[dreg:$0x5] =	wrdreg s0  }
0xb: {  	s22 =	sshrl.u32 s8, $0x1;
	s7 =	sshrl.u32 s7, $0x2;
	s13 =	sadd.s32 $0x80, s9  }
0xc: {  	s14 =	sadd.s32 $0x100, s9;
	s19 =	sadd.s32 $0x180, s9;
	[dreg:$0x6] =	wrdreg s30  }
0xd: {  	s18 =	sshrl.u32 s15, $0x3;
	s20 =	sadd.s32 $0x257EE00, s24;
	s21 =	sadd.s32 $0x3E19C00, s1  }
0xe: {  	s24 =	sadd.s32 $0x25974A0, s24;
	s0 =	ssub.s32 s8, s22;
	s7 =	sadd.s32 s7, s2  }
0xf: {  	s23 =	sshll.u32 s13, $0x7;
	s26 =	sshll.u32 s14, $0x7;
	s10 =	sshll.u32 s19, $0x7  }
.Ltmp0:
0x10: {  	s31 =	sshll.u32 s13, $0x4;
	s14 =	sshll.u32 s14, $0x4;
	(pc) =	sbr.rel .LBB2_1-.Ltmp0, $4  }
0x11: {  	s15 =	sadd.s32 $0x18800, s18;
	s16 =	sadd.s32 $0x19000, s18;
	s17 =	sadd.s32 $0x19800, s18  }
0x12: {  	s18 =	sadd.s32 $0x1A000, s18;
	s19 =	sshll.u32 s19, $0x4;
	s8 =	sadd.s32 s23, s2  }
0x13: {  	s9 =	sadd.s32 s26, s2;
	s10 =	sadd.s32 s10, s2;
	[dreg:$0x7] =	wrdreg s31  }
0x14: {  	s22 =	smax.u32 s0, $0x1;
	s23 =	sadd.s32 $0x31E4C00, s1;
	s26 =	simm.s32 $0x1  }
.LBB2_14:
0x15: {  	s5 =	simm.s32 @!p3 $0x0;
	s6 =	simm.s32 @!p3 $0x2;
	[sflag:s1] =	ssyncadd.s32 @!p2 $0xFFFFC000  }
0x16: {  	[tilespmem:s5], [sflag:$0x2] =	stream.linear.gather @!p3 [hbm4b:s0+s5], $0x80, $0x38;
	[tilespmem:$0x144C0] =	vst v63  }
0x17: {  	_ =	swait.ge @!p3 [sflag:s6], $0x80  }
0x18: {  	p2 =	por p3, p3;
	[sflag:s6] =	ssyncset.done @!p3 $0x0  }
0x19: {  	s0 =	simm.s32 @!p2 $0x80;
	[sflag:s6] =	ssyncadd.s32 @!p2 $0xFFFFFF80  }
0x1a: {  	[tilespmem:s0], [sflag:$0x2] =	stream.linear.gather @!p2 [hbm4b:s30+s5], $0x4000, $0x38;
	[tilespmem:$0x144C0] =	vst v63  }
0x1b: {  	_ =	swait.ge @!p2 [sflag:s6], $0x4000  }
0x1c: {  	[sflag:s6] =	ssyncset.done @!p2 $0x0  }
0x1d: {  	s1 =	simm.s32 @!p2 $0x1;
	[sflag:s6] =	ssyncadd.s32 @!p2 $0xFFFFC000  }
0x1e: {  	[spmem:s2] =	stream.indirect.scatter.add.f32 @!p2 [tilespmem:s0], [sflag:$0x1], $0x80, s5, s0, $0xb8;
	[tilespmem:$0x144C0] =	vst v63  }
0x1f: {  	_ =	swait.ge @!p2 [sflag:s1], $0x4000  }
0x20: {  	[sflag:s1] =	ssyncset.done @!p2 $0x0  }
0x21: {  	s0 =	rddreg [dreg:$0x5];
	[sflag:s1] =	ssyncadd.s32 @!p2 $0xFFFFC000  }
.LBB2_15:
0x22: {  	[bflag:$0x0] =	sbarrier.arrive $0xFFFF  }
0x23: {  	[tilespmem:s28], [sflag:$0x1] =	stream.linear.gather [spmem:s7], $0x4000, $0x38;
	[tilespmem:$0x144C0] =	vst v63  }
0x24: {  	_ =	swait.ge [sflag:s26], $0x4000  }
0x25: {  	[sflag:s26] =	ssyncset.done $0x0  }
0x26: {  	s1 =	sadd.s32 s0, s15;
	[sflag:s26] =	ssyncadd.s32 $0xFFFFC000  }
0x27: {  	[hbm4b:s1+s3] =	stream.linear.scatter [tilespmem:s28], [sflag:$0x1], $0x4000, $0x38;
	[tilespmem:$0x144C0] =	vst v63  }
0x28: {  	_ =	swait.ge [sflag:s26], $0x4000  }
0x29: {  	[sflag:s26] =	ssyncset.done $0x0  }
0x2a: {  	[sflag:s26] =	ssyncadd.s32 $0xFFFFC000  }
0x2b: {  	[tilespmem:s28], [sflag:$0x1] =	stream.linear.gather [spmem:s8], $0x4000, $0x38;
	[tilespmem:$0x144C0] =	vst v63  }
0x2c: {  	_ =	swait.ge [sflag:s26], $0x4000  }
0x2d: {  	[sflag:s26] =	ssyncset.done $0x0  }
0x2e: {  	s13 =	sadd.s32 s0, s16;
	[sflag:s26] =	ssyncadd.s32 $0xFFFFC000  }
0x2f: {  	[hbm4b:s13+s3] =	stream.linear.scatter [tilespmem:s28], [sflag:$0x1], $0x4000, $0x38;
	[tilespmem:$0x144C0] =	vst v63  }
0x30: {  	_ =	swait.ge [sflag:s26], $0x4000  }
0x31: {  	[sflag:s26] =	ssyncset.done $0x0  }
0x32: {  	[sflag:s26] =	ssyncadd.s32 $0xFFFFC000  }
0x33: {  	[tilespmem:s28], [sflag:$0x1] =	stream.linear.gather [spmem:s9], $0x4000, $0x38;
	[tilespmem:$0x144C0] =	vst v63  }
0x34: {  	_ =	swait.ge [sflag:s26], $0x4000  }
0x35: {  	[sflag:s26] =	ssyncset.done $0x0  }
0x36: {  	s30 =	sadd.s32 s0, s17;
	[sflag:s26] =	ssyncadd.s32 $0xFFFFC000  }
0x37: {  	[hbm4b:s30+s3] =	stream.linear.scatter [tilespmem:s28], [sflag:$0x1], $0x4000, $0x38;
	[tilespmem:$0x144C0] =	vst v63  }
0x38: {  	_ =	swait.ge [sflag:s26], $0x4000  }
0x39: {  	[sflag:s26] =	ssyncset.done $0x0  }
0x3a: {  	[sflag:s26] =	ssyncadd.s32 $0xFFFFC000  }
0x3b: {  	[tilespmem:s28], [sflag:$0x1] =	stream.linear.gather [spmem:s10], $0x400, $0x38;
	[tilespmem:$0x144C0] =	vst v63  }
0x3c: {  	_ =	swait.ge [sflag:s26], $0x400  }
0x3d: {  	s29 =	sadd.s32 $0x1, s29;
	[sflag:s26] =	ssyncset.done $0x0  }
0x3e: {  	s31 =	sadd.s32 s0, s18;
	p2 =	sne.s32 s29, s22;
	[sflag:s26] =	ssyncadd.s32 $0xFFFFFC00  }
0x3f: {  	[hbm4b:s31+s3] =	stream.linear.scatter [tilespmem:s28], [sflag:$0x1], $0x400, $0x38;
	[tilespmem:$0x144C0] =	vst v63  }
.Ltmp1:
0x40: {  	_ =	swait.ge [sflag:s26], $0x400;
	(pc) =	sbr.rel @!p2 .LBB2_16-.Ltmp1, $3  }
0x41: {  	[sflag:s26] =	ssyncset.done $0x0  }
0x42: {  	[sflag:s26] =	ssyncadd.s32 $0xFFFFFC00  }
0x43: {  	[bflag:$0x0] =	sbarrier.arrive $0xFFFF;
	_ =	sdelay $0x1  }
.LBB2_1:
0x44: {  	s0 =	rddreg [dreg:$0x4]  }
0x45: {  	[tilespmem:s25], [sflag:$0x1] =	stream.linear.gather [hbm4b:s0+s3], $0x4000, $0x38;
	[tilespmem:$0x144C0] =	vst v63  }
0x46: {  	_ =	swait.ge [sflag:s26], $0x4000  }
0x47: {  	[sflag:s26] =	ssyncset.done $0x0  }
0x48: {  	[sflag:s26] =	ssyncadd.s32 $0xFFFFC000  }
0x49: {  	[spmem:s7] =	stream.linear.scatter [tilespmem:s25], [sflag:$0x1], $0x4000, $0x38;
	[tilespmem:$0x144C0] =	vst v63  }
0x4a: {  	_ =	swait.ge [sflag:s26], $0x4000  }
0x4b: {  	[sflag:s26] =	ssyncset.done $0x0  }
0x4c: {  	[sflag:s26] =	ssyncadd.s32 $0xFFFFC000  }
0x4d: {  	[spmem:s8] =	stream.linear.scatter [tilespmem:s25], [sflag:$0x1], $0x4000, $0x38;
	[tilespmem:$0x144C0] =	vst v63  }
0x4e: {  	_ =	swait.ge [sflag:s26], $0x4000  }
0x4f: {  	[sflag:s26] =	ssyncset.done $0x0  }
0x50: {  	[sflag:s26] =	ssyncadd.s32 $0xFFFFC000  }
0x51: {  	[spmem:s9] =	stream.linear.scatter [tilespmem:s25], [sflag:$0x1], $0x4000, $0x38;
	[tilespmem:$0x144C0] =	vst v63  }
0x52: {  	_ =	swait.ge [sflag:s26], $0x4000  }
0x53: {  	[sflag:s26] =	ssyncset.done $0x0  }
0x54: {  	[sflag:s26] =	ssyncadd.s32 $0xFFFFC000  }
0x55: {  	[spmem:s10] =	stream.linear.scatter [tilespmem:s25], [sflag:$0x1], $0x400, $0x38;
	[tilespmem:$0x144C0] =	vst v63  }
0x56: {  	_ =	swait.ge [sflag:s26], $0x400  }
0x57: {  	[sflag:s26] =	ssyncset.done $0x0  }
0x58: {  	s0 =	simm.s32 @!p0 $0x4080;
	[sflag:s26] =	ssyncadd.s32 $0xFFFFFC00  }
0x59: {  	[spmem:s11] =	stream.linear.scatter @!p0 [tilespmem:s0], [sflag:$0x1], $0x400, $0x38;
	[tilespmem:$0x144C0] =	vst v63  }
0x5a: {  	s0 =	simm.s32 @!p0 $0x1  }
.Ltmp2:
0x5b: {  	_ =	swait.ge @!p0 [sflag:s0], $0x400;
	(pc) =	sbr.rel @p1 .LBB2_5-.Ltmp2, $4  }
0x5c: {  	[sflag:s0] =	ssyncset.done @!p0 $0x0  }
0x5d: {  	[sflag:s0] =	ssyncadd.s32 @!p0 $0xFFFFFC00  }
0x5e: {  	s31 =	sadd.s32 $0x0, s4;
	[bflag:$0x0] =	sbarrier.arrive $0xFFFF  }
0x5f: {  	p2 =	sgt.u32 s31, $0x1869  }
0x60: {  	s0 =	simm.s32 @!p2 $0x0;
	s1 =	simm.s32 @!p2 $0x2  }
0x61: {  	[tilespmem:s0], [sflag:$0x2] =	stream.linear.gather @!p2 [hbm4b:s20+s0], $0x80, $0x38;
	[tilespmem:$0x144C0] =	vst v63  }
0x62: {  	_ =	swait.ge @!p2 [sflag:s1], $0x80  }
0x63: {  	[sflag:s1] =	ssyncset.done @!p2 $0x0;
	p2 =	por p2, p2  }
0x64: {  	[sflag:s1] =	ssyncadd.s32 @!p2 $0xFFFFFF80;
	s30 =	simm.s32 @!p2 $0x80  }
0x65: {  	[tilespmem:s30], [sflag:$0x2] =	stream.linear.gather @!p2 [hbm4b:s23+s0], $0x4000, $0x38;
	[tilespmem:$0x144C0] =	vst v63  }
0x66: {  	_ =	swait.ge @!p2 [sflag:s1], $0x4000  }
0x67: {  	[sflag:s1] =	ssyncset.done @!p2 $0x0  }
0x68: {  	s13 =	sadd.s32 $0x10, s4;
	[sflag:s1] =	ssyncadd.s32 @!p2 $0xFFFFC000;
	s1 =	simm.s32 @!p2 $0x1  }
0x69: {  	[spmem:s2] =	stream.indirect.scatter.add.f32 @!p2 [tilespmem:s30], [sflag:$0x1], $0x80, s0, s30, $0xb8;
	[tilespmem:$0x144C0] =	vst v63  }
0x6a: {  	s31 =	simm.s32 $0x20;
	p3 =	sgt.u32 s13, $0x1869;
	_ =	swait.ge @!p2 [sflag:s1], $0x4000  }
0x6b: {  	s30 =	sadd.s32 $0x8000, s23;
	s0 =	sadd.s32 $0x100, s20;
	[sflag:s1] =	ssyncset.done @!p2 $0x0  }
.LBB2_3:
0x6c: {  	s5 =	simm.s32 @!p3 $0x0;
	s6 =	simm.s32 @!p3 $0x2;
	[sflag:s1] =	ssyncadd.s32 @!p2 $0xFFFFC000  }
0x6d: {  	[tilespmem:s5], [sflag:$0x2] =	stream.linear.gather @!p3 [hbm4b:s0+s5], $0x80, $0x38;
	[tilespmem:$0x144C0] =	vst v63  }
0x6e: {  	s12 =	smov.u32 s31;
	s31 =	sadd.s32 $0x10, s31;
	_ =	swait.ge @!p3 [sflag:s6], $0x80  }
0x6f: {  	p2 =	por p3, p3;
	p4 =	seq.s32 s31, $0x1870;
	[sflag:s6] =	ssyncset.done @!p3 $0x0  }
0x70: {  	s13 =	simm.s32 @!p2 $0x80;
	[sflag:s6] =	ssyncadd.s32 @!p2 $0xFFFFFF80  }
0x71: {  	[tilespmem:s13], [sflag:$0x2] =	stream.linear.gather @!p2 [hbm4b:s30+s5], $0x4000, $0x38;
	[tilespmem:$0x144C0] =	vst v63  }
0x72: {  	_ =	swait.ge @!p2 [sflag:s6], $0x4000  }
.Ltmp3:
0x73: {  	[sflag:s6] =	ssyncset.done @!p2 $0x0;
	(pc) =	sbr.rel @!p4 .LBB2_3-.Ltmp3, $4  }
0x74: {  	s1 =	simm.s32 @!p2 $0x1;
	[sflag:s6] =	ssyncadd.s32 @!p2 $0xFFFFC000  }
0x75: {  	[spmem:s2] =	stream.indirect.scatter.add.f32 @!p2 [tilespmem:s13], [sflag:$0x1], $0x80, s5, s13, $0xb8;
	[tilespmem:$0x144C0] =	vst v63  }
0x76: {  	s30 =	sadd.s32 $0x8000, s30;
	s5 =	sadd.s32 s12, s4;
	_ =	swait.ge @!p2 [sflag:s1], $0x4000  }
0x77: {  	s0 =	sadd.s32 $0x100, s0;
	p3 =	sgt.u32 s5, $0x1869;
	[sflag:s1] =	ssyncset.done @!p2 $0x0  }
0x78: {  	s5 =	simm.s32 @!p3 $0x0;
	s6 =	simm.s32 @!p3 $0x2;
	[sflag:s1] =	ssyncadd.s32 @!p2 $0xFFFFC000  }
0x79: {  	[tilespmem:s5], [sflag:$0x2] =	stream.linear.gather @!p3 [hbm4b:s0+s5], $0x80, $0x38;
	[tilespmem:$0x144C0] =	vst v63  }
0x7a: {  	_ =	swait.ge @!p3 [sflag:s6], $0x80  }
0x7b: {  	p2 =	por p3, p3;
	[sflag:s6] =	ssyncset.done @!p3 $0x0  }
0x7c: {  	s0 =	simm.s32 @!p2 $0x80;
	[sflag:s6] =	ssyncadd.s32 @!p2 $0xFFFFFF80  }
0x7d: {  	[tilespmem:s0], [sflag:$0x2] =	stream.linear.gather @!p2 [hbm4b:s30+s5], $0x4000, $0x38;
	[tilespmem:$0x144C0] =	vst v63  }
0x7e: {  	_ =	swait.ge @!p2 [sflag:s6], $0x4000  }
0x7f: {  	[sflag:s6] =	ssyncset.done @!p2 $0x0  }
0x80: {  	[sflag:s6] =	ssyncadd.s32 @!p2 $0xFFFFC000  }
0x81: {  	[spmem:s2] =	stream.indirect.scatter.add.f32 @!p2 [tilespmem:s0], [sflag:$0x1], $0x80, s5, s0, $0xb8;
	[tilespmem:$0x144C0] =	vst v63  }
.Ltmp4:
0x82: {  	s1 =	simm.s32 @!p2 $0x1;
	(pc) =	sbr.rel .LBB2_8-.Ltmp4, $4  }
0x83: {  	_ =	swait.ge @!p2 [sflag:s1], $0x4000  }
0x84: {  	[sflag:s1] =	ssyncset.done @!p2 $0x0  }
0x85: {  	[sflag:s1] =	ssyncadd.s32 @!p2 $0xFFFFC000  }
0x86: {  	s0 =	rddreg [dreg:$0x1]  }
.LBB2_5:
0x87: {  	s0 =	simm.s32 @!p2 $0x0;
	s1 =	simm.s32 @!p2 $0x2  }
0x88: {  	[tilespmem:s0], [sflag:$0x2] =	stream.linear.gather @!p2 [hbm4b:s20+s0], $0x80, $0x38;
	[tilespmem:$0x144C0] =	vst v63  }
0x89: {  	_ =	swait.ge @!p2 [sflag:s1], $0x80  }
0x8a: {  	[sflag:s1] =	ssyncset.done @!p2 $0x0;
	p2 =	por p2, p2  }
0x8b: {  	[sflag:s1] =	ssyncadd.s32 @!p2 $0xFFFFFF80;
	s5 =	simm.s32 @!p2 $0x80  }
0x8c: {  	[tilespmem:s5], [sflag:$0x2] =	stream.linear.gather @!p2 [hbm4b:s21+s0], $0x4000, $0x38;
	[tilespmem:$0x144C0] =	vst v63  }
0x8d: {  	_ =	swait.ge @!p2 [sflag:s1], $0x4000  }
0x8e: {  	[sflag:s1] =	ssyncset.done @!p2 $0x0  }
0x8f: {  	s31 =	simm.s32 $0x20;
	[sflag:s1] =	ssyncadd.s32 @!p2 $0xFFFFC000;
	s1 =	simm.s32 @!p2 $0x1  }
0x90: {  	[spmem:s2] =	stream.indirect.scatter.add.f32 @!p2 [tilespmem:s5], [sflag:$0x1], $0x80, s0, s5, $0xb8;
	[tilespmem:$0x144C0] =	vst v63  }
0x91: {  	s13 =	sadd.s32 $0x10, s4;
	s30 =	sadd.s32 $0x8000, s21;
	_ =	swait.ge @!p2 [sflag:s1], $0x4000  }
0x92: {  	p3 =	sgt.u32 s13, $0x1869;
	s0 =	sadd.s32 $0x100, s20;
	[sflag:s1] =	ssyncset.done @!p2 $0x0  }
.LBB2_6:
0x93: {  	s5 =	simm.s32 @!p3 $0x0;
	s6 =	simm.s32 @!p3 $0x2;
	[sflag:s1] =	ssyncadd.s32 @!p2 $0xFFFFC000  }
0x94: {  	[tilespmem:s5], [sflag:$0x2] =	stream.linear.gather @!p3 [hbm4b:s0+s5], $0x80, $0x38;
	[tilespmem:$0x144C0] =	vst v63  }
0x95: {  	s12 =	smov.u32 s31;
	s31 =	sadd.s32 $0x10, s31;
	_ =	swait.ge @!p3 [sflag:s6], $0x80  }
0x96: {  	p2 =	por p3, p3;
	p4 =	sne.s32 s31, $0x1870;
	[sflag:s6] =	ssyncset.done @!p3 $0x0  }
0x97: {  	s13 =	simm.s32 @!p2 $0x80;
	[sflag:s6] =	ssyncadd.s32 @!p2 $0xFFFFFF80  }
0x98: {  	[tilespmem:s13], [sflag:$0x2] =	stream.linear.gather @!p2 [hbm4b:s30+s5], $0x4000, $0x38;
	[tilespmem:$0x144C0] =	vst v63  }
0x99: {  	_ =	swait.ge @!p2 [sflag:s6], $0x4000  }
.Ltmp5:
0x9a: {  	[sflag:s6] =	ssyncset.done @!p2 $0x0;
	(pc) =	sbr.rel @p4 .LBB2_6-.Ltmp5, $4  }
0x9b: {  	s1 =	simm.s32 @!p2 $0x1;
	[sflag:s6] =	ssyncadd.s32 @!p2 $0xFFFFC000  }
0x9c: {  	[spmem:s2] =	stream.indirect.scatter.add.f32 @!p2 [tilespmem:s13], [sflag:$0x1], $0x80, s5, s13, $0xb8;
	[tilespmem:$0x144C0] =	vst v63  }
0x9d: {  	s30 =	sadd.s32 $0x8000, s30;
	s5 =	sadd.s32 s12, s4;
	_ =	swait.ge @!p2 [sflag:s1], $0x4000  }
0x9e: {  	s0 =	sadd.s32 $0x100, s0;
	p3 =	sgt.u32 s5, $0x1869;
	[sflag:s1] =	ssyncset.done @!p2 $0x0  }
0x9f: {  	s5 =	simm.s32 @!p3 $0x0;
	s6 =	simm.s32 @!p3 $0x2;
	[sflag:s1] =	ssyncadd.s32 @!p2 $0xFFFFC000  }
0xa0: {  	[tilespmem:s5], [sflag:$0x2] =	stream.linear.gather @!p3 [hbm4b:s0+s5], $0x80, $0x38;
	[tilespmem:$0x144C0] =	vst v63  }
0xa1: {  	_ =	swait.ge @!p3 [sflag:s6], $0x80  }
0xa2: {  	p2 =	por p3, p3;
	[sflag:s6] =	ssyncset.done @!p3 $0x0  }
0xa3: {  	s0 =	simm.s32 @!p2 $0x80;
	[sflag:s6] =	ssyncadd.s32 @!p2 $0xFFFFFF80  }
0xa4: {  	[tilespmem:s0], [sflag:$0x2] =	stream.linear.gather @!p2 [hbm4b:s30+s5], $0x4000, $0x38;
	[tilespmem:$0x144C0] =	vst v63  }
0xa5: {  	_ =	swait.ge @!p2 [sflag:s6], $0x4000  }
0xa6: {  	[sflag:s6] =	ssyncset.done @!p2 $0x0  }
0xa7: {  	s1 =	simm.s32 @!p2 $0x1;
	[sflag:s6] =	ssyncadd.s32 @!p2 $0xFFFFC000  }
0xa8: {  	[spmem:s2] =	stream.indirect.scatter.add.f32 @!p2 [tilespmem:s0], [sflag:$0x1], $0x80, s5, s0, $0xb8;
	[tilespmem:$0x144C0] =	vst v63  }
0xa9: {  	_ =	swait.ge @!p2 [sflag:s1], $0x4000  }
0xaa: {  	[sflag:s1] =	ssyncset.done @!p2 $0x0  }
0xab: {  	s0 =	rddreg [dreg:$0x5];
	[sflag:s1] =	ssyncadd.s32 @!p2 $0xFFFFC000  }
.LBB2_8:
0xac: {  	[bflag:$0x0] =	sbarrier.arrive $0xFFFF  }
0xad: {  	[tilespmem:s28], [sflag:$0x1] =	stream.linear.gather [spmem:s7], $0x4000, $0x38;
	[tilespmem:$0x144C0] =	vst v63  }
0xae: {  	_ =	swait.ge [sflag:s26], $0x4000  }
0xaf: {  	[sflag:s26] =	ssyncset.done $0x0;
	s1 =	rddreg [dreg:$0x6]  }
0xb0: {  	s1 =	sadd.s32 s0, s1;
	[sflag:s26] =	ssyncadd.s32 $0xFFFFC000  }
0xb1: {  	[hbm4b:s1+s3] =	stream.linear.scatter [tilespmem:s28], [sflag:$0x1], $0x4000, $0x38;
	[tilespmem:$0x144C0] =	vst v63  }
0xb2: {  	_ =	swait.ge [sflag:s26], $0x4000  }
0xb3: {  	[sflag:s26] =	ssyncset.done $0x0  }
0xb4: {  	[sflag:s26] =	ssyncadd.s32 $0xFFFFC000  }
0xb5: {  	[tilespmem:s28], [sflag:$0x1] =	stream.linear.gather [spmem:s8], $0x4000, $0x38;
	[tilespmem:$0x144C0] =	vst v63  }
0xb6: {  	_ =	swait.ge [sflag:s26], $0x4000  }
0xb7: {  	[sflag:s26] =	ssyncset.done $0x0;
	s12 =	rddreg [dreg:$0x7]  }
0xb8: {  	s1 =	sadd.s32 s0, s12;
	[sflag:s26] =	ssyncadd.s32 $0xFFFFC000  }
0xb9: {  	[hbm4b:s1+s3] =	stream.linear.scatter [tilespmem:s28], [sflag:$0x1], $0x4000, $0x38;
	[tilespmem:$0x144C0] =	vst v63  }
0xba: {  	_ =	swait.ge [sflag:s26], $0x4000  }
0xbb: {  	[sflag:s26] =	ssyncset.done $0x0  }
0xbc: {  	[sflag:s26] =	ssyncadd.s32 $0xFFFFC000  }
0xbd: {  	[tilespmem:s28], [sflag:$0x1] =	stream.linear.gather [spmem:s9], $0x4000, $0x38;
	[tilespmem:$0x144C0] =	vst v63  }
0xbe: {  	_ =	swait.ge [sflag:s26], $0x4000  }
0xbf: {  	[sflag:s26] =	ssyncset.done $0x0  }
0xc0: {  	s13 =	sadd.s32 s0, s14;
	[sflag:s26] =	ssyncadd.s32 $0xFFFFC000  }
0xc1: {  	[hbm4b:s13+s3] =	stream.linear.scatter [tilespmem:s28], [sflag:$0x1], $0x4000, $0x38;
	[tilespmem:$0x144C0] =	vst v63  }
0xc2: {  	_ =	swait.ge [sflag:s26], $0x4000  }
0xc3: {  	[sflag:s26] =	ssyncset.done $0x0  }
0xc4: {  	[sflag:s26] =	ssyncadd.s32 $0xFFFFC000  }
0xc5: {  	[tilespmem:s28], [sflag:$0x1] =	stream.linear.gather [spmem:s10], $0x400, $0x38;
	[tilespmem:$0x144C0] =	vst v63  }
0xc6: {  	_ =	swait.ge [sflag:s26], $0x400  }
0xc7: {  	[sflag:s26] =	ssyncset.done $0x0  }
0xc8: {  	s30 =	sadd.s32 s0, s19;
	[sflag:s26] =	ssyncadd.s32 $0xFFFFFC00  }
0xc9: {  	[hbm4b:s30+s3] =	stream.linear.scatter [tilespmem:s28], [sflag:$0x1], $0x400, $0x38;
	[tilespmem:$0x144C0] =	vst v63  }
0xca: {  	_ =	swait.ge [sflag:s26], $0x400  }
0xcb: {  	[sflag:s26] =	ssyncset.done $0x0  }
0xcc: {  	[sflag:s26] =	ssyncadd.s32 $0xFFFFFC00  }
0xcd: {  	[bflag:$0x0] =	sbarrier.arrive $0xFFFF  }
0xce: {  	[spmem:s7] =	stream.linear.scatter [tilespmem:s25], [sflag:$0x1], $0x4000, $0x38;
	[tilespmem:$0x144C0] =	vst v63  }
0xcf: {  	_ =	swait.ge [sflag:s26], $0x4000  }
0xd0: {  	[sflag:s26] =	ssyncset.done $0x0  }
0xd1: {  	[sflag:s26] =	ssyncadd.s32 $0xFFFFC000  }
0xd2: {  	[spmem:s8] =	stream.linear.scatter [tilespmem:s25], [sflag:$0x1], $0x4000, $0x38;
	[tilespmem:$0x144C0] =	vst v63  }
0xd3: {  	_ =	swait.ge [sflag:s26], $0x4000  }
0xd4: {  	[sflag:s26] =	ssyncset.done $0x0  }
0xd5: {  	[sflag:s26] =	ssyncadd.s32 $0xFFFFC000  }
0xd6: {  	[spmem:s9] =	stream.linear.scatter [tilespmem:s25], [sflag:$0x1], $0x4000, $0x38;
	[tilespmem:$0x144C0] =	vst v63  }
0xd7: {  	_ =	swait.ge [sflag:s26], $0x4000  }
0xd8: {  	[sflag:s26] =	ssyncset.done $0x0  }
0xd9: {  	[sflag:s26] =	ssyncadd.s32 $0xFFFFC000  }
0xda: {  	[spmem:s10] =	stream.linear.scatter [tilespmem:s25], [sflag:$0x1], $0x400, $0x38;
	[tilespmem:$0x144C0] =	vst v63  }
0xdb: {  	_ =	swait.ge [sflag:s26], $0x400  }
0xdc: {  	[sflag:s26] =	ssyncset.done $0x0  }
0xdd: {  	s0 =	simm.s32 @!p0 $0x4080;
	[sflag:s26] =	ssyncadd.s32 $0xFFFFFC00  }
0xde: {  	[spmem:s11] =	stream.linear.scatter @!p0 [tilespmem:s0], [sflag:$0x1], $0x400, $0x38;
	[tilespmem:$0x144C0] =	vst v63  }
0xdf: {  	s0 =	simm.s32 @!p0 $0x1  }
.Ltmp6:
0xe0: {  	_ =	swait.ge @!p0 [sflag:s0], $0x400;
	(pc) =	sbr.rel @p1 .LBB2_12-.Ltmp6, $4  }
0xe1: {  	[sflag:s0] =	ssyncset.done @!p0 $0x0  }
0xe2: {  	[sflag:s0] =	ssyncadd.s32 @!p0 $0xFFFFFC00  }
0xe3: {  	s31 =	sadd.s32 $0x0, s4;
	[bflag:$0x0] =	sbarrier.arrive $0xFFFF  }
0xe4: {  	p2 =	sgt.u32 s31, $0x1869  }
0xe5: {  	s0 =	simm.s32 @!p2 $0x0;
	s1 =	simm.s32 @!p2 $0x2  }
0xe6: {  	[tilespmem:s0], [sflag:$0x2] =	stream.linear.gather @!p2 [hbm4b:s24+s0], $0x80, $0x38;
	[tilespmem:$0x144C0] =	vst v63  }
0xe7: {  	_ =	swait.ge @!p2 [sflag:s1], $0x80  }
0xe8: {  	[sflag:s1] =	ssyncset.done @!p2 $0x0;
	p2 =	por p2, p2  }
0xe9: {  	[sflag:s1] =	ssyncadd.s32 @!p2 $0xFFFFFF80;
	s5 =	simm.s32 @!p2 $0x80  }
0xea: {  	[tilespmem:s5], [sflag:$0x2] =	stream.linear.gather @!p2 [hbm4b:s23+s0], $0x4000, $0x38;
	[tilespmem:$0x144C0] =	vst v63  }
0xeb: {  	_ =	swait.ge @!p2 [sflag:s1], $0x4000  }
0xec: {  	[sflag:s1] =	ssyncset.done @!p2 $0x0  }
0xed: {  	s31 =	simm.s32 $0x20;
	[sflag:s1] =	ssyncadd.s32 @!p2 $0xFFFFC000;
	s1 =	simm.s32 @!p2 $0x1  }
0xee: {  	[spmem:s2] =	stream.indirect.scatter.add.f32 @!p2 [tilespmem:s5], [sflag:$0x1], $0x80, s0, s5, $0xb8;
	[tilespmem:$0x144C0] =	vst v63  }
0xef: {  	s13 =	sadd.s32 $0x10, s4;
	s30 =	sadd.s32 $0x8000, s23;
	_ =	swait.ge @!p2 [sflag:s1], $0x4000  }
0xf0: {  	p3 =	sgt.u32 s13, $0x1869;
	s0 =	sadd.s32 $0x100, s24;
	[sflag:s1] =	ssyncset.done @!p2 $0x0  }
.LBB2_10:
0xf1: {  	s5 =	simm.s32 @!p3 $0x0;
	s6 =	simm.s32 @!p3 $0x2;
	[sflag:s1] =	ssyncadd.s32 @!p2 $0xFFFFC000  }
0xf2: {  	[tilespmem:s5], [sflag:$0x2] =	stream.linear.gather @!p3 [hbm4b:s0+s5], $0x80, $0x38;
	[tilespmem:$0x144C0] =	vst v63  }
0xf3: {  	s12 =	smov.u32 s31;
	s31 =	sadd.s32 $0x10, s31;
	_ =	swait.ge @!p3 [sflag:s6], $0x80  }
0xf4: {  	p2 =	por p3, p3;
	p4 =	seq.s32 s31, $0x1870;
	[sflag:s6] =	ssyncset.done @!p3 $0x0  }
0xf5: {  	s13 =	simm.s32 @!p2 $0x80;
	[sflag:s6] =	ssyncadd.s32 @!p2 $0xFFFFFF80  }
0xf6: {  	[tilespmem:s13], [sflag:$0x2] =	stream.linear.gather @!p2 [hbm4b:s30+s5], $0x4000, $0x38;
	[tilespmem:$0x144C0] =	vst v63  }
0xf7: {  	_ =	swait.ge @!p2 [sflag:s6], $0x4000  }
.Ltmp7:
0xf8: {  	[sflag:s6] =	ssyncset.done @!p2 $0x0;
	(pc) =	sbr.rel @!p4 .LBB2_10-.Ltmp7, $4  }
0xf9: {  	s1 =	simm.s32 @!p2 $0x1;
	[sflag:s6] =	ssyncadd.s32 @!p2 $0xFFFFC000  }
0xfa: {  	[spmem:s2] =	stream.indirect.scatter.add.f32 @!p2 [tilespmem:s13], [sflag:$0x1], $0x80, s5, s13, $0xb8;
	[tilespmem:$0x144C0] =	vst v63  }
0xfb: {  	s30 =	sadd.s32 $0x8000, s30;
	s5 =	sadd.s32 s12, s4;
	_ =	swait.ge @!p2 [sflag:s1], $0x4000  }
0xfc: {  	s0 =	sadd.s32 $0x100, s0;
	p3 =	sgt.u32 s5, $0x1869;
	[sflag:s1] =	ssyncset.done @!p2 $0x0  }
0xfd: {  	s5 =	simm.s32 @!p3 $0x0;
	s6 =	simm.s32 @!p3 $0x2;
	[sflag:s1] =	ssyncadd.s32 @!p2 $0xFFFFC000  }
0xfe: {  	[tilespmem:s5], [sflag:$0x2] =	stream.linear.gather @!p3 [hbm4b:s0+s5], $0x80, $0x38;
	[tilespmem:$0x144C0] =	vst v63  }
0xff: {  	_ =	swait.ge @!p3 [sflag:s6], $0x80  }
0x100: {  	p2 =	por p3, p3;
	[sflag:s6] =	ssyncset.done @!p3 $0x0  }
0x101: {  	s0 =	simm.s32 @!p2 $0x80;
	[sflag:s6] =	ssyncadd.s32 @!p2 $0xFFFFFF80  }
0x102: {  	[tilespmem:s0], [sflag:$0x2] =	stream.linear.gather @!p2 [hbm4b:s30+s5], $0x4000, $0x38;
	[tilespmem:$0x144C0] =	vst v63  }
0x103: {  	_ =	swait.ge @!p2 [sflag:s6], $0x4000  }
0x104: {  	[sflag:s6] =	ssyncset.done @!p2 $0x0  }
0x105: {  	[sflag:s6] =	ssyncadd.s32 @!p2 $0xFFFFC000  }
0x106: {  	[spmem:s2] =	stream.indirect.scatter.add.f32 @!p2 [tilespmem:s0], [sflag:$0x1], $0x80, s5, s0, $0xb8;
	[tilespmem:$0x144C0] =	vst v63  }
.Ltmp8:
0x107: {  	s1 =	simm.s32 @!p2 $0x1;
	(pc) =	sbr.rel .LBB2_15-.Ltmp8, $4  }
0x108: {  	_ =	swait.ge @!p2 [sflag:s1], $0x4000  }
0x109: {  	[sflag:s1] =	ssyncset.done @!p2 $0x0  }
0x10a: {  	[sflag:s1] =	ssyncadd.s32 @!p2 $0xFFFFC000  }
0x10b: {  	s0 =	rddreg [dreg:$0x1]  }
.LBB2_12:
0x10c: {  	s0 =	simm.s32 @!p2 $0x0;
	s1 =	simm.s32 @!p2 $0x2  }
0x10d: {  	[tilespmem:s0], [sflag:$0x2] =	stream.linear.gather @!p2 [hbm4b:s24+s0], $0x80, $0x38;
	[tilespmem:$0x144C0] =	vst v63  }
0x10e: {  	_ =	swait.ge @!p2 [sflag:s1], $0x80  }
0x10f: {  	[sflag:s1] =	ssyncset.done @!p2 $0x0;
	p2 =	por p2, p2  }
0x110: {  	[sflag:s1] =	ssyncadd.s32 @!p2 $0xFFFFFF80;
	s5 =	simm.s32 @!p2 $0x80  }
0x111: {  	[tilespmem:s5], [sflag:$0x2] =	stream.linear.gather @!p2 [hbm4b:s21+s0], $0x4000, $0x38;
	[tilespmem:$0x144C0] =	vst v63  }
0x112: {  	_ =	swait.ge @!p2 [sflag:s1], $0x4000  }
0x113: {  	[sflag:s1] =	ssyncset.done @!p2 $0x0  }
0x114: {  	s31 =	simm.s32 $0x20;
	[sflag:s1] =	ssyncadd.s32 @!p2 $0xFFFFC000;
	s1 =	simm.s32 @!p2 $0x1  }
0x115: {  	[spmem:s2] =	stream.indirect.scatter.add.f32 @!p2 [tilespmem:s5], [sflag:$0x1], $0x80, s0, s5, $0xb8;
	[tilespmem:$0x144C0] =	vst v63  }
0x116: {  	s13 =	sadd.s32 $0x10, s4;
	s30 =	sadd.s32 $0x8000, s21;
	_ =	swait.ge @!p2 [sflag:s1], $0x4000  }
0x117: {  	p3 =	sgt.u32 s13, $0x1869;
	s0 =	sadd.s32 $0x100, s24;
	[sflag:s1] =	ssyncset.done @!p2 $0x0  }
.LBB2_13:
0x118: {  	s5 =	simm.s32 @!p3 $0x0;
	s6 =	simm.s32 @!p3 $0x2;
	[sflag:s1] =	ssyncadd.s32 @!p2 $0xFFFFC000  }
0x119: {  	[tilespmem:s5], [sflag:$0x2] =	stream.linear.gather @!p3 [hbm4b:s0+s5], $0x80, $0x38;
	[tilespmem:$0x144C0] =	vst v63  }
0x11a: {  	s12 =	smov.u32 s31;
	s31 =	sadd.s32 $0x10, s31;
	_ =	swait.ge @!p3 [sflag:s6], $0x80  }
0x11b: {  	p2 =	por p3, p3;
	p4 =	sne.s32 s31, $0x1870;
	[sflag:s6] =	ssyncset.done @!p3 $0x0  }
0x11c: {  	s13 =	simm.s32 @!p2 $0x80;
	[sflag:s6] =	ssyncadd.s32 @!p2 $0xFFFFFF80  }
0x11d: {  	[tilespmem:s13], [sflag:$0x2] =	stream.linear.gather @!p2 [hbm4b:s30+s5], $0x4000, $0x38;
	[tilespmem:$0x144C0] =	vst v63  }
0x11e: {  	_ =	swait.ge @!p2 [sflag:s6], $0x4000  }
.Ltmp9:
0x11f: {  	[sflag:s6] =	ssyncset.done @!p2 $0x0;
	(pc) =	sbr.rel @p4 .LBB2_13-.Ltmp9, $4  }
0x120: {  	s1 =	simm.s32 @!p2 $0x1;
	[sflag:s6] =	ssyncadd.s32 @!p2 $0xFFFFC000  }
0x121: {  	[spmem:s2] =	stream.indirect.scatter.add.f32 @!p2 [tilespmem:s13], [sflag:$0x1], $0x80, s5, s13, $0xb8;
	[tilespmem:$0x144C0] =	vst v63  }
0x122: {  	s30 =	sadd.s32 $0x8000, s30;
	s5 =	sadd.s32 s12, s4;
	_ =	swait.ge @!p2 [sflag:s1], $0x4000  }
0x123: {  	s0 =	sadd.s32 $0x100, s0;
	p3 =	sgt.u32 s5, $0x1869;
	[sflag:s1] =	ssyncset.done @!p2 $0x0  }
.Ltmp10:
0x124: {  	_ = 	snop;
	(pc) =	sbr.rel .LBB2_14-.Ltmp10, $1  }
0x125: {  	_ =	sdelay $0x3  }
.LBB2_16:
0x126: {  	_ =	sfence.sel $0x180000  }
0x127: {  	[bflag:$0x0] =	sbarrier.arrive $0xFFFF  }
0x128: {  	_ =	strace $0x9000004A  }
0x129: {  	[bflag:$0x2] =	sbarrier.arrive $0xFFFF  }
0x12a: {  	s0 =	rddreg [dreg:$0x3]  }
0x12b: {  	s0 =	sadd.s32 @!p0 $0x100000, s0  }
0x12c: {  	[sflag:s0] =	ssyncadd.tile.s32 @!p0 $0x1;
	_ =	shalt  }
.Lfunc_end2:
_tile_overlayer_lowered:
.L_overlay_start_2:
0x12d: {  	(tag) =	ssettag $0x2  }
0x12e: {  	s0 =	rddreg [dreg:$0x0];
	s2 =	stileid.u32  }
0x12f: {  	s1 =	rddreg [dreg:$0x1];
	p0 =	sne.s32 s2, $0x0  }
0x130: {  	s3 =	rddreg [dreg:$0x2];
	[bflag:$0x3] =	sbarrier.arrive $0xFFFF;
	s2 =	simm.s32 @!p0 $0x1C01  }
0x131: {  	[timem:s3], [sflag:s2] =	dma.local @!p0 [hbm:s0], s1  }
0x132: {  	s0 =	simm.s32 @!p0 $0x1  }
0x133: {  	_ =	swait.ge @!p0 [sflag:s0], s1  }
0x134: {  	s1 =	ssub.s32 @!p0 $0x0, s1;
	[sflag:s0] =	ssyncset.done @!p0 $0x0  }
0x135: {  	[sflag:s0] =	ssyncadd.s32 @!p0 s1  }
0x136: {  	[bflag:$0x3] =	sbarrier.arrive $0xFFFF  }
0x137: {  	_ =	shalt  }

</sc_bundles>
